<compile_context>
chip_gen: v7x
topology: tpu7x:2x2x1
jax: 0.10.2.dev20260603
libtpu: 0.0.44.dev20260713+nightly
codegen_flags: <defaults>
</compile_context>

<pallas_src>
import jax
import jax.numpy as jnp
from jax import lax
from jax.experimental import pallas as pl
from jax.experimental.pallas import tpu as pltpu
from jax.experimental.pallas import tpu_sc as plsc

N = 10000
E = 320000
P = 100000
F_IN = 128
H = 64

NC = 2
NS = 16
NW = NC * NS

N_PAD = 10240
E_BLOCKS = 80
E_PAD = NW * E_BLOCKS * 128
ET_BLOCKS = 160
P_BLOCKS = 25
P_PAD = NW * P_BLOCKS * 128

ROWS_PER_SUB = N_PAD // NS

SPLIT = 5120
ACC_ROWS = 5248
NBUF = 2


def _mesh():
    return plsc.VectorSubcoreMesh(core_axis_name="c", subcore_axis_name="s")


def _deg_body(dst_hbm, ones_hbm, zeros_hbm, out_hbm, didx, ones_v, acc):
    c = lax.axis_index("c")
    s = lax.axis_index("s")
    wid = s * NC + c
    r0 = s * ROWS_PER_SUB
    pltpu.sync_copy(zeros_hbm.at[pl.ds(r0, ROWS_PER_SUB)],
                    acc.at[pl.ds(r0, ROWS_PER_SUB)])
    pltpu.sync_copy(ones_hbm, ones_v)
    pltpu.sync_copy(dst_hbm.at[wid], didx)
    plsc.subcore_barrier()

    def body(j, carry):
        pltpu.sync_copy(ones_v, acc.at[didx.at[j]], add=True)
        return carry

    lax.fori_loop(0, E_BLOCKS, body, 0)
    plsc.subcore_barrier()
    pltpu.sync_copy(acc.at[pl.ds(r0, ROWS_PER_SUB)],
                    out_hbm.at[pl.ds(c * N_PAD + r0, ROWS_PER_SUB)])


_deg_kernel = pl.kernel(
    _deg_body,
    out_type=jax.ShapeDtypeStruct((NC * N_PAD, 2 * H), jnp.float32),
    mesh=_mesh(),
    scratch_types=[
        pltpu.VMEM((E_BLOCKS, 128), jnp.int32),
        pltpu.VMEM((128, 2 * H), jnp.float32),
        pltpu.VMEM_SHARED((N_PAD, 2 * H), jnp.float32),
    ],
)


NB0 = 120
NB1 = 40


def _edge_scatter_body(q_hbm, src_hbm, dst_hbm, zeros_hbm, out_hbm,
                       sidx, didx, rows, acc, sem):
    c = lax.axis_index("c")
    s = lax.axis_index("s")
    r0 = s * ROWS_PER_SUB
    pltpu.sync_copy(zeros_hbm.at[pl.ds(r0, ROWS_PER_SUB)],
                    acc.at[pl.ds(r0, ROWS_PER_SUB)])

    @pl.when(c == 0)
    def _():
        pltpu.sync_copy(src_hbm.at[pl.ds(s * NB0, NB0)],
                        sidx.at[pl.ds(0, NB0)])
        pltpu.sync_copy(dst_hbm.at[pl.ds(s * NB0, NB0)],
                        didx.at[pl.ds(0, NB0)])

    @pl.when(c == 1)
    def _():
        pltpu.sync_copy(src_hbm.at[pl.ds(NS * NB0 + s * NB1, NB1)],
                        sidx.at[pl.ds(0, NB1)])
        pltpu.sync_copy(dst_hbm.at[pl.ds(NS * NB0 + s * NB1, NB1)],
                        didx.at[pl.ds(0, NB1)])

    plsc.subcore_barrier()
    nb = jnp.where(c == 0, NB0, NB1)

    def body(j, carry):
        pltpu.async_copy(q_hbm.at[sidx.at[j]], rows, sem).wait()
        pltpu.sync_copy(rows, acc.at[didx.at[j]], add=True)
        return carry

    lax.fori_loop(0, nb, body, 0)
    plsc.subcore_barrier()
    pltpu.sync_copy(acc.at[pl.ds(r0, ROWS_PER_SUB)],
                    out_hbm.at[pl.ds(c * N_PAD + r0, ROWS_PER_SUB)])


_edge_scatter_kernel = pl.kernel(
    _edge_scatter_body,
    out_type=jax.ShapeDtypeStruct((NC * N_PAD, 2 * H), jnp.float32),
    mesh=_mesh(),
    scratch_types=[
        pltpu.VMEM((max(NB0, NB1), 128), jnp.int32),
        pltpu.VMEM((max(NB0, NB1), 128), jnp.int32),
        pltpu.VMEM((128, 2 * H), jnp.float32),
        pltpu.VMEM_SHARED((N_PAD, 2 * H), jnp.float32),
        pltpu.SemaphoreType.DMA,
    ],
)


FB = 2 * P_BLOCKS
NF0 = 80
NF1 = 20


def _flow_gather_body(ab_hbm, fa_hbm, fb_hbm, g_hbm, fidx, rows, sem):
    c = lax.axis_index("c")
    s = lax.axis_index("s")

    @pl.when(c == 0)
    def _():
        pltpu.sync_copy(fa_hbm.at[s], fidx.at[pl.ds(0, NF0)])

    @pl.when(c == 1)
    def _():
        pltpu.sync_copy(fb_hbm.at[s], fidx.at[pl.ds(0, NF1)])

    nf = jnp.where(c == 0, NF0, NF1)
    base = jnp.where(c == 0, s * NF0, NS * NF0 + s * NF1) * 128

    def body(t, carry):
        pltpu.async_copy(ab_hbm.at[fidx.at[t]], rows, sem).wait()
        pltpu.sync_copy(rows, g_hbm.at[pl.ds(base + t * 128, 128)])
        return carry

    lax.fori_loop(0, nf, body, 0)


_flow_gather_kernel = pl.kernel(
    _flow_gather_body,
    out_type=jax.ShapeDtypeStruct((NW * FB * 128, 2 * H), jnp.float32),
    mesh=_mesh(),
    scratch_types=[
        pltpu.VMEM((NF0, 128), jnp.int32),
        pltpu.VMEM((128, 2 * H), jnp.float32),
        pltpu.SemaphoreType.DMA,
    ],
)


TC_BLK = 512
TC_GRID = N_PAD // TC_BLK


def _prep_body(dst_ref, dt_ref):
    d = dst_ref[...]
    dt_ref[0] = jnp.minimum(d, SPLIT)
    dt_ref[1] = jnp.maximum(d - (SPLIT - 1), 0)


def _tc_prep(dst2):
    return pl.pallas_call(
        _prep_body,
        grid=(8,),
        in_specs=[pl.BlockSpec((E_PAD // 128 // 8, 128), lambda i: (i, 0))],
        out_specs=pl.BlockSpec((NC, E_PAD // 128 // 8, 128),
                               lambda i: (0, i, 0)),
        out_shape=jax.ShapeDtypeStruct((NC, E_PAD // 128, 128), jnp.int32),
    )(dst2)


def _enc_body(x_ref, degp_ref, we_ref, be_ref, w1_ref, q1_ref, dinv_ref):
    cnt = degp_ref[0][:, 0:1] + degp_ref[1][:, 0:1]
    dinv = lax.rsqrt(cnt + 1.0)
    h0 = jax.nn.relu(
        jnp.dot(x_ref[...], we_ref[...], preferred_element_type=jnp.float32)
        + be_ref[...])
    q1 = jnp.dot(h0, w1_ref[...], preferred_element_type=jnp.float32) * dinv
    q1_ref[...] = jnp.concatenate(
        [q1, jnp.zeros((TC_BLK, H), jnp.float32)], axis=1)
    dinv_ref[...] = jnp.broadcast_to(dinv, (TC_BLK, 8))


def _tc_encoder(x_pad, degp, W_enc, b_enc, W1):
    return pl.pallas_call(
        _enc_body,
        grid=(TC_GRID,),
        in_specs=[
            pl.BlockSpec((TC_BLK, F_IN), lambda i: (i, 0)),
            pl.BlockSpec((NC, TC_BLK, 2 * H), lambda i: (0, i, 0)),
            pl.BlockSpec((F_IN, H), lambda i: (0, 0)),
            pl.BlockSpec((1, H), lambda i: (0, 0)),
            pl.BlockSpec((H, H), lambda i: (0, 0)),
        ],
        out_specs=[
            pl.BlockSpec((TC_BLK, 2 * H), lambda i: (i, 0)),
            pl.BlockSpec((TC_BLK, 8), lambda i: (i, 0)),
        ],
        out_shape=[
            jax.ShapeDtypeStruct((N_PAD, 2 * H), jnp.float32),
            jax.ShapeDtypeStruct((N_PAD, 8), jnp.float32),
        ],
    )(x_pad, degp, W_enc, b_enc.reshape(1, H), W1)


def _layer_body(s_ref, q_ref, dinv_ref, b_ref, wn_ref, qn_ref):
    dinv = dinv_ref[:, 0:1]
    h = jax.nn.relu(
        (s_ref[0][:, :H] + s_ref[1][:, :H] + q_ref[:, :H]) * dinv
        + b_ref[...])
    qn = jnp.dot(h, wn_ref[...], preferred_element_type=jnp.float32) * dinv
    qn_ref[...] = jnp.concatenate(
        [qn, jnp.zeros((TC_BLK, H), jnp.float32)], axis=1)


def _tc_layer(sp, q, dinv, b, W_next):
    return pl.pallas_call(
        _layer_body,
        grid=(TC_GRID,),
        in_specs=[
            pl.BlockSpec((NC, TC_BLK, 2 * H), lambda i: (0, i, 0)),
            pl.BlockSpec((TC_BLK, 2 * H), lambda i: (i, 0)),
            pl.BlockSpec((TC_BLK, 8), lambda i: (i, 0)),
            pl.BlockSpec((1, H), lambda i: (0, 0)),
            pl.BlockSpec((H, H), lambda i: (0, 0)),
        ],
        out_specs=pl.BlockSpec((TC_BLK, 2 * H), lambda i: (i, 0)),
        out_shape=jax.ShapeDtypeStruct((N_PAD, 2 * H), jnp.float32),
    )(sp, q, dinv, b.reshape(1, H), W_next)


def _proj_body(s_ref, q_ref, dinv_ref, b_ref, wc_ref, ab_ref):
    dinv = dinv_ref[:, 0:1]
    h = jax.nn.relu(
        (s_ref[0][:, :H] + s_ref[1][:, :H] + q_ref[:, :H]) * dinv
        + b_ref[...])
    ab_ref[...] = jnp.dot(h, wc_ref[...], preferred_element_type=jnp.float32)


def _tc_proj(sp, q, dinv, b, Wf1):
    return pl.pallas_call(
        _proj_body,
        grid=(TC_GRID,),
        in_specs=[
            pl.BlockSpec((NC, TC_BLK, 2 * H), lambda i: (0, i, 0)),
            pl.BlockSpec((TC_BLK, 2 * H), lambda i: (i, 0)),
            pl.BlockSpec((TC_BLK, 8), lambda i: (i, 0)),
            pl.BlockSpec((1, H), lambda i: (0, 0)),
            pl.BlockSpec((H, 2 * H), lambda i: (0, 0)),
        ],
        out_specs=pl.BlockSpec((TC_BLK, 2 * H), lambda i: (i, 0)),
        out_shape=jax.ShapeDtypeStruct((N_PAD, 2 * H), jnp.float32),
    )(sp, q, dinv, b.reshape(1, H),
      jnp.concatenate([Wf1[:H], Wf1[H:]], axis=1))


MLP_BLK = 1000
MLP_GRID = P // MLP_BLK


def _mlp_body(gs_ref, gt_ref, b1_ref, w2_ref, b2_ref, w3_ref, b3_ref, out_ref):
    z = jax.nn.relu(gs_ref[:, :H] + gt_ref[:, H:] + b1_ref[...])
    z2 = jax.nn.relu(
        jnp.dot(z, w2_ref[...], preferred_element_type=jnp.float32)
        + b2_ref[...])
    out_ref[...] = jnp.dot(z2, w3_ref[...],
                           preferred_element_type=jnp.float32) + b3_ref[...]


def _tc_mlp(gs, gt, bf1, Wf2, bf2, Wf3, bf3):
    return pl.pallas_call(
        _mlp_body,
        grid=(MLP_GRID,),
        in_specs=[
            pl.BlockSpec((MLP_BLK, 2 * H), lambda i: (i, 0)),
            pl.BlockSpec((MLP_BLK, 2 * H), lambda i: (i, 0)),
            pl.BlockSpec((1, H), lambda i: (0, 0)),
            pl.BlockSpec((H, H // 2), lambda i: (0, 0)),
            pl.BlockSpec((1, H // 2), lambda i: (0, 0)),
            pl.BlockSpec((H // 2, 1), lambda i: (0, 0)),
            pl.BlockSpec((1, 1), lambda i: (0, 0)),
        ],
        out_specs=pl.BlockSpec((MLP_BLK, 1), lambda i: (i, 0)),
        out_shape=jax.ShapeDtypeStruct((P, 1), jnp.float32),
    )(gs, gt, bf1.reshape(1, H), Wf2, bf2.reshape(1, H // 2), Wf3,
      bf3.reshape(1, 1))


def kernel(x, edge_index, flow_edges, W_enc, b_enc, W1, b1, W2, b2, W3, b3,
           Wf1, bf1, Wf2, bf2, Wf3, bf3):
    x_pad = jnp.concatenate(
        [x, jnp.zeros((N_PAD - N, F_IN), jnp.float32)], axis=0)

    def pad_flat(idx, total, fill):
        idx = idx.astype(jnp.int32)
        return jnp.concatenate(
            [idx, jnp.full((total - idx.shape[0],), fill, jnp.int32)])

    srcf = pad_flat(edge_index[0], E_PAD, N)
    dstf = pad_flat(edge_index[1], E_PAD, N)
    src32 = srcf.reshape(E_PAD // 128, 128)
    dst32 = dstf.reshape(E_PAD // 128, 128)
    dst32w = dstf.reshape(NW, E_BLOCKS, 128)

    fsrc = pad_flat(flow_edges[0], P_PAD, 0)
    ftgt = pad_flat(flow_edges[1], P_PAD, 0)
    fflat = jnp.concatenate([fsrc, ftgt]).reshape(NW * FB, 128)
    fA = fflat[:NS * NF0].reshape(NS, NF0, 128)
    fB = fflat[NS * NF0:].reshape(NS, NF1, 128)

    zeros128 = jnp.zeros((N_PAD, 2 * H), jnp.float32)
    ones128 = jnp.ones((128, 2 * H), jnp.float32)

    degp = _deg_kernel(dst32w, ones128, zeros128).reshape(NC, N_PAD, 2 * H)

    q1, dinv = _tc_encoder(x_pad, degp, W_enc, b_enc, W1)

    s1 = _edge_scatter_kernel(q1, src32, dst32,
                              zeros128).reshape(NC, N_PAD, 2 * H)
    q2 = _tc_layer(s1, q1, dinv, b1, W2)
    s2 = _edge_scatter_kernel(q2, src32, dst32,
                              zeros128).reshape(NC, N_PAD, 2 * H)
    q3 = _tc_layer(s2, q2, dinv, b2, W3)
    s3 = _edge_scatter_kernel(q3, src32, dst32,
                              zeros128).reshape(NC, N_PAD, 2 * H)

    AB = _tc_proj(s3, q3, dinv, b3, Wf1)
    g = _flow_gather_kernel(AB, fA, fB)
    gs = g[:P_PAD]
    gt = g[P_PAD:2 * P_PAD]
    flows = _tc_mlp(gs[:P], gt[:P], bf1, Wf2, bf2, Wf3, bf3)
    return flows

# --- scband reference (transcript-rebuilt; emitter-appended) ---
"""Pipeline reference for scband-flow-prediction-gnn-1408749273478 (READ-ONLY COPY).

The authoritative reference and input builder live on the scoring server;
editing this copy changes nothing except your own understanding.
"""

import jax, jax.numpy as jnp
import numpy as np

N = 10000
E = 320000
F_IN = 128
H = 64
P = 100000


def gcn_conv(x, edge_index, W, b, n):
    # torch_geometric GCNConv: add self-loops, symmetric normalization, linear, scatter-add, bias
    src = edge_index[0]
    dst = edge_index[1]
    loop = jnp.arange(n, dtype=src.dtype)
    src = jnp.concatenate([src, loop])
    dst = jnp.concatenate([dst, loop])
    deg = jax.ops.segment_sum(jnp.ones(src.shape[0], dtype=x.dtype), dst, num_segments=n)
    dinv = jnp.where(deg > 0, deg ** -0.5, 0.0)
    norm = dinv[src] * dinv[dst]
    h = x @ W
    msg = h[src] * norm[:, None]
    out = jax.ops.segment_sum(msg, dst, num_segments=n)
    return out + b


def setup_inputs(seed: int = 0) -> dict:
    key = jax.random.key(seed)
    ks = jax.random.split(key, 20)
    x = jax.random.normal(ks[0], (N, F_IN), dtype=jnp.float32)
    edge_index = jax.random.randint(ks[1], (2, E), 0, N)
    flow_edges = jax.random.randint(ks[2], (2, P), 0, N)

    def lin(k, fan_in, fan_out):
        kw, kb = jax.random.split(k)
        s = 1.0 / np.sqrt(fan_in)
        W = jax.random.uniform(kw, (fan_in, fan_out), dtype=jnp.float32, minval=-s, maxval=s)
        b = jax.random.uniform(kb, (fan_out,), dtype=jnp.float32, minval=-s, maxval=s)
        return W, b

    W_enc, b_enc = lin(ks[3], F_IN, H)
    W1, b1 = lin(ks[4], H, H)
    W2, b2 = lin(ks[5], H, H)
    W3, b3 = lin(ks[6], H, H)
    Wf1, bf1 = lin(ks[7], 2 * H, H)
    Wf2, bf2 = lin(ks[8], H, H // 2)
    Wf3, bf3 = lin(ks[9], H // 2, 1)
    return {"x": x, "edge_index": edge_index, "flow_edges": flow_edges,
            "W_enc": W_enc, "b_enc": b_enc,
            "W1": W1, "b1": b1, "W2": W2, "b2": b2, "W3": W3, "b3": b3,
            "Wf1": Wf1, "bf1": bf1, "Wf2": Wf2, "bf2": bf2, "Wf3": Wf3, "bf3": bf3}


def reference(x, edge_index, flow_edges, W_enc, b_enc, W1, b1, W2, b2, W3, b3, Wf1, bf1, Wf2, bf2, Wf3, bf3):
    # node_encoder (dropout=0.0 -> identity)
    h = jax.nn.relu(x @ W_enc + b_enc)
    # GCN stack with outer ReLU per forward()
    h = jax.nn.relu(gcn_conv(h, edge_index, W1, b1, N))
    h = jax.nn.relu(gcn_conv(h, edge_index, W2, b2, N))
    h = jax.nn.relu(gcn_conv(h, edge_index, W3, b3, N))
    # pairwise flow prediction: gather source/target embeddings
    src_emb = h[flow_edges[0]]
    tgt_emb = h[flow_edges[1]]
    fe = jnp.concatenate([src_emb, tgt_emb], axis=1)
    z = jax.nn.relu(fe @ Wf1 + bf1)
    z = jax.nn.relu(z @ Wf2 + bf2)
    flows = z @ Wf3 + bf3
    return flows

if __name__ == "__main__":
    import jax
    _d = setup_inputs()
    print(jax.jit(kernel)(*tuple(_d.values())))

</pallas_src>

<mosaic_0001>
#map = affine_map<(d0, d1) -> (0, 0)>
module attributes {stable_mosaic.version = 14 : i64} {
  func.func @_edge_scatter_body(%arg0: i32, %arg1: i32, %arg2: memref<10240x128xf32, #tpu.memory_space<hbm>>, %arg3: memref<2560x128xi32, #tpu.memory_space<hbm>>, %arg4: memref<2560x128xi32, #tpu.memory_space<hbm>>, %arg5: memref<10240x128xf32, #tpu.memory_space<hbm>>, %arg6: memref<20480x128xf32, #tpu.memory_space<hbm>>, %arg7: memref<120x128xi32, #tpu.memory_space<vmem>>, %arg8: memref<120x128xi32, #tpu.memory_space<vmem>>, %arg9: memref<128x128xf32, #tpu.memory_space<vmem>>, %arg10: memref<10240x128xf32, #tpu.memory_space<vmem_shared>>, %arg11: memref<!tpu.dma_semaphore, #tpu.memory_space<semaphore_mem>>) attributes {dimension_semantics = [#tpu.dimension_semantics<core_parallel>, #tpu.dimension_semantics<subcore_parallel>], iteration_bounds = array<i64: 2, 16>, scalar_prefetch = 0 : i64, scratch_operands = 5 : i64, tpu.core_type = #tpu.core_type<sc_vector_subcore>, window_params = [{transform_indices = #map}, {transform_indices = #map}, {transform_indices = #map}, {transform_indices = #map}, {transform_indices = #map}]} {
    %mul3A = arith.constant 640 : i32
    %mul3A_0 = arith.muli %arg1, %mul3A : i32
    "tpu.region"() ({
      %run_scoped3A = tpu.sem_alloc : memref<!tpu.dma_semaphore, #tpu.memory_space<semaphore_mem>>
      %dma_start3A = arith.constant 0 : i32
      %dma_start3A_23 = tpu.memref_slice %arg10[%mul3A_0, %dma_start3A] : memref<10240x128xf32, #tpu.memory_space<vmem_shared>> -> memref<640x128xf32, #tpu.memory_space<vmem_shared>>
      %dma_start3A_24 = arith.constant 0 : i32
      %dma_start3A_25 = tpu.memref_slice %arg5[%mul3A_0, %dma_start3A_24] : memref<10240x128xf32, #tpu.memory_space<hbm>> -> memref<640x128xf32, #tpu.memory_space<hbm>>
      tpu.enqueue_dma source(%dma_start3A_25 : memref<640x128xf32, #tpu.memory_space<hbm>>) target(%dma_start3A_23 : memref<640x128xf32, #tpu.memory_space<vmem_shared>>) target_semaphore(%run_scoped3A : memref<!tpu.dma_semaphore, #tpu.memory_space<semaphore_mem>>)
      %dma_wait3A = arith.constant 0 : i32
      %dma_wait3A_26 = tpu.memref_slice %arg10[%mul3A_0, %dma_wait3A] : memref<10240x128xf32, #tpu.memory_space<vmem_shared>> -> memref<640x128xf32, #tpu.memory_space<vmem_shared>>
      %dma_wait3A_27 = arith.constant 0 : i32
      %dma_wait3A_28 = tpu.memref_slice %arg5[%mul3A_0, %dma_wait3A_27] : memref<10240x128xf32, #tpu.memory_space<hbm>> -> memref<640x128xf32, #tpu.memory_space<hbm>>
      tpu.wait_dma2 semaphore(%run_scoped3A : memref<!tpu.dma_semaphore, #tpu.memory_space<semaphore_mem>>) src(%dma_wait3A_28 : memref<640x128xf32, #tpu.memory_space<hbm>>) dst(%dma_wait3A_26 : memref<640x128xf32, #tpu.memory_space<vmem_shared>>)
      tpu.yield
    }) : () -> ()
    %eq3A = arith.constant 0 : i32
    %eq3A_1 = arith.cmpi eq, %arg0, %eq3A : i32
    %convert_element_type3A = arith.extui %eq3A_1 : i1 to i32
    %cond3A = arith.constant 0 : i32
    %cond3A_2 = arith.cmpi ne, %convert_element_type3A, %cond3A : i32
    scf.if %cond3A_2 {
      %mul3A_23 = arith.constant 120 : i32
      %mul3A_24 = arith.muli %arg1, %mul3A_23 : i32
      "tpu.region"() ({
        %run_scoped3A = tpu.sem_alloc : memref<!tpu.dma_semaphore, #tpu.memory_space<semaphore_mem>>
        %dma_start3A = arith.constant 0 : i32
        %dma_start3A_27 = arith.constant 0 : i32
        %dma_start3A_28 = tpu.memref_slice %arg7[%dma_start3A, %dma_start3A_27] : memref<120x128xi32, #tpu.memory_space<vmem>> -> memref<120x128xi32, #tpu.memory_space<vmem>>
        %dma_start3A_29 = arith.constant 0 : i32
        %dma_start3A_30 = tpu.memref_slice %arg3[%mul3A_24, %dma_start3A_29] : memref<2560x128xi32, #tpu.memory_space<hbm>> -> memref<120x128xi32, #tpu.memory_space<hbm>>
        %dma_start3A_31 = arith.constant 0 : i32
        %dma_start3A_32 = arith.constant 0 : i32
        %dma_start3A_33 = tpu.memref_slice %arg7[%dma_start3A_31, %dma_start3A_32] : memref<120x128xi32, #tpu.memory_space<vmem>> -> memref<120x128xi32, #tpu.memory_space<vmem>>
        %dma_start3A_34 = arith.constant 0 : i32
        %dma_start3A_35 = tpu.memref_slice %arg3[%mul3A_24, %dma_start3A_34] : memref<2560x128xi32, #tpu.memory_space<hbm>> -> memref<120x128xi32, #tpu.memory_space<hbm>>
        tpu.enqueue_dma source(%dma_start3A_35 : memref<120x128xi32, #tpu.memory_space<hbm>>) target(%dma_start3A_33 : memref<120x128xi32, #tpu.memory_space<vmem>>) target_semaphore(%run_scoped3A : memref<!tpu.dma_semaphore, #tpu.memory_space<semaphore_mem>>)
        %dma_wait3A = arith.constant 0 : i32
        %dma_wait3A_36 = arith.constant 0 : i32
        %dma_wait3A_37 = tpu.memref_slice %arg7[%dma_wait3A, %dma_wait3A_36] : memref<120x128xi32, #tpu.memory_space<vmem>> -> memref<120x128xi32, #tpu.memory_space<vmem>>
        %dma_wait3A_38 = arith.constant 0 : i32
        %dma_wait3A_39 = tpu.memref_slice %arg3[%mul3A_24, %dma_wait3A_38] : memref<2560x128xi32, #tpu.memory_space<hbm>> -> memref<120x128xi32, #tpu.memory_space<hbm>>
        %dma_wait3A_40 = arith.constant 0 : i32
        %dma_wait3A_41 = arith.constant 0 : i32
        %dma_wait3A_42 = tpu.memref_slice %arg7[%dma_wait3A_40, %dma_wait3A_41] : memref<120x128xi32, #tpu.memory_space<vmem>> -> memref<120x128xi32, #tpu.memory_space<vmem>>
        %dma_wait3A_43 = arith.constant 0 : i32
        %dma_wait3A_44 = tpu.memref_slice %arg3[%mul3A_24, %dma_wait3A_43] : memref<2560x128xi32, #tpu.memory_space<hbm>> -> memref<120x128xi32, #tpu.memory_space<hbm>>
        tpu.wait_dma2 semaphore(%run_scoped3A : memref<!tpu.dma_semaphore, #tpu.memory_space<semaphore_mem>>) src(%dma_wait3A_44 : memref<120x128xi32, #tpu.memory_space<hbm>>) dst(%dma_wait3A_42 : memref<120x128xi32, #tpu.memory_space<vmem>>)
        tpu.yield
      }) : () -> ()
      %mul3A_25 = arith.constant 120 : i32
      %mul3A_26 = arith.muli %arg1, %mul3A_25 : i32
      "tpu.region"() ({
        %run_scoped3A = tpu.sem_alloc : memref<!tpu.dma_semaphore, #tpu.memory_space<semaphore_mem>>
        %dma_start3A = arith.constant 0 : i32
        %dma_start3A_27 = arith.constant 0 : i32
        %dma_start3A_28 = tpu.memref_slice %arg8[%dma_start3A, %dma_start3A_27] : memref<120x128xi32, #tpu.memory_space<vmem>> -> memref<120x128xi32, #tpu.memory_space<vmem>>
        %dma_start3A_29 = arith.constant 0 : i32
        %dma_start3A_30 = tpu.memref_slice %arg4[%mul3A_26, %dma_start3A_29] : memref<2560x128xi32, #tpu.memory_space<hbm>> -> memref<120x128xi32, #tpu.memory_space<hbm>>
        %dma_start3A_31 = arith.constant 0 : i32
        %dma_start3A_32 = arith.constant 0 : i32
        %dma_start3A_33 = tpu.memref_slice %arg8[%dma_start3A_31, %dma_start3A_32] : memref<120x128xi32, #tpu.memory_space<vmem>> -> memref<120x128xi32, #tpu.memory_space<vmem>>
        %dma_start3A_34 = arith.constant 0 : i32
        %dma_start3A_35 = tpu.memref_slice %arg4[%mul3A_26, %dma_start3A_34] : memref<2560x128xi32, #tpu.memory_space<hbm>> -> memref<120x128xi32, #tpu.memory_space<hbm>>
        tpu.enqueue_dma source(%dma_start3A_35 : memref<120x128xi32, #tpu.memory_space<hbm>>) target(%dma_start3A_33 : memref<120x128xi32, #tpu.memory_space<vmem>>) target_semaphore(%run_scoped3A : memref<!tpu.dma_semaphore, #tpu.memory_space<semaphore_mem>>)
        %dma_wait3A = arith.constant 0 : i32
        %dma_wait3A_36 = arith.constant 0 : i32
        %dma_wait3A_37 = tpu.memref_slice %arg8[%dma_wait3A, %dma_wait3A_36] : memref<120x128xi32, #tpu.memory_space<vmem>> -> memref<120x128xi32, #tpu.memory_space<vmem>>
        %dma_wait3A_38 = arith.constant 0 : i32
        %dma_wait3A_39 = tpu.memref_slice %arg4[%mul3A_26, %dma_wait3A_38] : memref<2560x128xi32, #tpu.memory_space<hbm>> -> memref<120x128xi32, #tpu.memory_space<hbm>>
        %dma_wait3A_40 = arith.constant 0 : i32
        %dma_wait3A_41 = arith.constant 0 : i32
        %dma_wait3A_42 = tpu.memref_slice %arg8[%dma_wait3A_40, %dma_wait3A_41] : memref<120x128xi32, #tpu.memory_space<vmem>> -> memref<120x128xi32, #tpu.memory_space<vmem>>
        %dma_wait3A_43 = arith.constant 0 : i32
        %dma_wait3A_44 = tpu.memref_slice %arg4[%mul3A_26, %dma_wait3A_43] : memref<2560x128xi32, #tpu.memory_space<hbm>> -> memref<120x128xi32, #tpu.memory_space<hbm>>
        tpu.wait_dma2 semaphore(%run_scoped3A : memref<!tpu.dma_semaphore, #tpu.memory_space<semaphore_mem>>) src(%dma_wait3A_44 : memref<120x128xi32, #tpu.memory_space<hbm>>) dst(%dma_wait3A_42 : memref<120x128xi32, #tpu.memory_space<vmem>>)
        tpu.yield
      }) : () -> ()
    } else {
    }
    %eq3A_3 = arith.constant 1 : i32
    %eq3A_4 = arith.cmpi eq, %arg0, %eq3A_3 : i32
    %convert_element_type3A_5 = arith.extui %eq3A_4 : i1 to i32
    %cond3A_6 = arith.constant 0 : i32
    %cond3A_7 = arith.cmpi ne, %convert_element_type3A_5, %cond3A_6 : i32
    scf.if %cond3A_7 {
      %mul3A_23 = arith.constant 40 : i32
      %mul3A_24 = arith.muli %arg1, %mul3A_23 : i32
      %add3A_25 = arith.constant 1920 : i32
      %add3A_26 = arith.addi %add3A_25, %mul3A_24 : i32
      "tpu.region"() ({
        %run_scoped3A = tpu.sem_alloc : memref<!tpu.dma_semaphore, #tpu.memory_space<semaphore_mem>>
        %dma_start3A = arith.constant 0 : i32
        %dma_start3A_31 = arith.constant 0 : i32
        %dma_start3A_32 = tpu.memref_slice %arg7[%dma_start3A, %dma_start3A_31] : memref<120x128xi32, #tpu.memory_space<vmem>> -> memref<40x128xi32, #tpu.memory_space<vmem>>
        %dma_start3A_33 = arith.constant 0 : i32
        %dma_start3A_34 = tpu.memref_slice %arg3[%add3A_26, %dma_start3A_33] : memref<2560x128xi32, #tpu.memory_space<hbm>> -> memref<40x128xi32, #tpu.memory_space<hbm>>
        %dma_start3A_35 = arith.constant 0 : i32
        %dma_start3A_36 = arith.constant 0 : i32
        %dma_start3A_37 = tpu.memref_slice %arg7[%dma_start3A_35, %dma_start3A_36] : memref<120x128xi32, #tpu.memory_space<vmem>> -> memref<40x128xi32, #tpu.memory_space<vmem>>
        %dma_start3A_38 = arith.constant 0 : i32
        %dma_start3A_39 = tpu.memref_slice %arg3[%add3A_26, %dma_start3A_38] : memref<2560x128xi32, #tpu.memory_space<hbm>> -> memref<40x128xi32, #tpu.memory_space<hbm>>
        tpu.enqueue_dma source(%dma_start3A_39 : memref<40x128xi32, #tpu.memory_space<hbm>>) target(%dma_start3A_37 : memref<40x128xi32, #tpu.memory_space<vmem>>) target_semaphore(%run_scoped3A : memref<!tpu.dma_semaphore, #tpu.memory_space<semaphore_mem>>)
        %dma_wait3A = arith.constant 0 : i32
        %dma_wait3A_40 = arith.constant 0 : i32
        %dma_wait3A_41 = tpu.memref_slice %arg7[%dma_wait3A, %dma_wait3A_40] : memref<120x128xi32, #tpu.memory_space<vmem>> -> memref<40x128xi32, #tpu.memory_space<vmem>>
        %dma_wait3A_42 = arith.constant 0 : i32
        %dma_wait3A_43 = tpu.memref_slice %arg3[%add3A_26, %dma_wait3A_42] : memref<2560x128xi32, #tpu.memory_space<hbm>> -> memref<40x128xi32, #tpu.memory_space<hbm>>
        %dma_wait3A_44 = arith.constant 0 : i32
        %dma_wait3A_45 = arith.constant 0 : i32
        %dma_wait3A_46 = tpu.memref_slice %arg7[%dma_wait3A_44, %dma_wait3A_45] : memref<120x128xi32, #tpu.memory_space<vmem>> -> memref<40x128xi32, #tpu.memory_space<vmem>>
        %dma_wait3A_47 = arith.constant 0 : i32
        %dma_wait3A_48 = tpu.memref_slice %arg3[%add3A_26, %dma_wait3A_47] : memref<2560x128xi32, #tpu.memory_space<hbm>> -> memref<40x128xi32, #tpu.memory_space<hbm>>
        tpu.wait_dma2 semaphore(%run_scoped3A : memref<!tpu.dma_semaphore, #tpu.memory_space<semaphore_mem>>) src(%dma_wait3A_48 : memref<40x128xi32, #tpu.memory_space<hbm>>) dst(%dma_wait3A_46 : memref<40x128xi32, #tpu.memory_space<vmem>>)
        tpu.yield
      }) : () -> ()
      %mul3A_27 = arith.constant 40 : i32
      %mul3A_28 = arith.muli %arg1, %mul3A_27 : i32
      %add3A_29 = arith.constant 1920 : i32
      %add3A_30 = arith.addi %add3A_29, %mul3A_28 : i32
      "tpu.region"() ({
        %run_scoped3A = tpu.sem_alloc : memref<!tpu.dma_semaphore, #tpu.memory_space<semaphore_mem>>
        %dma_start3A = arith.constant 0 : i32
        %dma_start3A_31 = arith.constant 0 : i32
        %dma_start3A_32 = tpu.memref_slice %arg8[%dma_start3A, %dma_start3A_31] : memref<120x128xi32, #tpu.memory_space<vmem>> -> memref<40x128xi32, #tpu.memory_space<vmem>>
        %dma_start3A_33 = arith.constant 0 : i32
        %dma_start3A_34 = tpu.memref_slice %arg4[%add3A_30, %dma_start3A_33] : memref<2560x128xi32, #tpu.memory_space<hbm>> -> memref<40x128xi32, #tpu.memory_space<hbm>>
        %dma_start3A_35 = arith.constant 0 : i32
        %dma_start3A_36 = arith.constant 0 : i32
        %dma_start3A_37 = tpu.memref_slice %arg8[%dma_start3A_35, %dma_start3A_36] : memref<120x128xi32, #tpu.memory_space<vmem>> -> memref<40x128xi32, #tpu.memory_space<vmem>>
        %dma_start3A_38 = arith.constant 0 : i32
        %dma_start3A_39 = tpu.memref_slice %arg4[%add3A_30, %dma_start3A_38] : memref<2560x128xi32, #tpu.memory_space<hbm>> -> memref<40x128xi32, #tpu.memory_space<hbm>>
        tpu.enqueue_dma source(%dma_start3A_39 : memref<40x128xi32, #tpu.memory_space<hbm>>) target(%dma_start3A_37 : memref<40x128xi32, #tpu.memory_space<vmem>>) target_semaphore(%run_scoped3A : memref<!tpu.dma_semaphore, #tpu.memory_space<semaphore_mem>>)
        %dma_wait3A = arith.constant 0 : i32
        %dma_wait3A_40 = arith.constant 0 : i32
        %dma_wait3A_41 = tpu.memref_slice %arg8[%dma_wait3A, %dma_wait3A_40] : memref<120x128xi32, #tpu.memory_space<vmem>> -> memref<40x128xi32, #tpu.memory_space<vmem>>
        %dma_wait3A_42 = arith.constant 0 : i32
        %dma_wait3A_43 = tpu.memref_slice %arg4[%add3A_30, %dma_wait3A_42] : memref<2560x128xi32, #tpu.memory_space<hbm>> -> memref<40x128xi32, #tpu.memory_space<hbm>>
        %dma_wait3A_44 = arith.constant 0 : i32
        %dma_wait3A_45 = arith.constant 0 : i32
        %dma_wait3A_46 = tpu.memref_slice %arg8[%dma_wait3A_44, %dma_wait3A_45] : memref<120x128xi32, #tpu.memory_space<vmem>> -> memref<40x128xi32, #tpu.memory_space<vmem>>
        %dma_wait3A_47 = arith.constant 0 : i32
        %dma_wait3A_48 = tpu.memref_slice %arg4[%add3A_30, %dma_wait3A_47] : memref<2560x128xi32, #tpu.memory_space<hbm>> -> memref<40x128xi32, #tpu.memory_space<hbm>>
        tpu.wait_dma2 semaphore(%run_scoped3A : memref<!tpu.dma_semaphore, #tpu.memory_space<semaphore_mem>>) src(%dma_wait3A_48 : memref<40x128xi32, #tpu.memory_space<hbm>>) dst(%dma_wait3A_46 : memref<40x128xi32, #tpu.memory_space<vmem>>)
        tpu.yield
      }) : () -> ()
    } else {
    }
    %barrier3A = arith.constant 0 : index
    tpu.barrier barrier_id(%barrier3A)
    %eq3A_8 = arith.constant 0 : i32
    %eq3A_9 = arith.cmpi eq, %arg0, %eq3A_8 : i32
    %jit3A = arith.constant 120 : i32
    %jit3A_10 = arith.constant 40 : i32
    %select_n3A = arith.select %eq3A_9, %jit3A, %jit3A_10 : i32
    %while3A = arith.constant 0 : i32
    %while3A_11 = arith.constant 0 : i32
    %while3A_12 = arith.subi %select_n3A, %while3A_11 : i32
    %while3A_13 = arith.addi %while3A_11, %while3A_12 : i32
    %while3A_14 = arith.constant 1 : i32
    %while3A_15 = arith.divsi %while3A_12, %while3A_14 : i32
    %while3A_16 = arith.muli %while3A_15, %while3A_14 : i32
    %while3A_17 = arith.addi %while3A_11, %while3A_16 : i32
    %while3A_18 = arith.constant 1 : i32
    scf.for %while3A_23 = %while3A_11 to %while3A_17 step %while3A_18  : i32 {
      %dma_start3A = arith.constant 0 : i32
      %dma_start3A_24 = tpu.memref_slice %arg7[%while3A_23, %dma_start3A] : memref<120x128xi32, #tpu.memory_space<vmem>> -> memref<1x128xi32, #tpu.memory_space<vmem>>
      %dma_start3A_25 = tpu.memref_squeeze %dma_start3A_24 : memref<1x128xi32, #tpu.memory_space<vmem>> -> memref<128xi32, #tpu.memory_space<vmem>>
      %dma_start3A_26 = arith.constant 0 : i32
      %dma_start3A_27 = arith.constant 0 : i32
      %dma_start3A_28 = tpu.memref_slice %arg2[%dma_start3A_26, %dma_start3A_27] : memref<10240x128xf32, #tpu.memory_space<hbm>> -> memref<10240x128xf32, #tpu.memory_space<hbm>>
      tpu.enqueue_indirect_dma source(%dma_start3A_28 : memref<10240x128xf32, #tpu.memory_space<hbm>>) target(%arg9 : memref<128x128xf32, #tpu.memory_space<vmem>>) offsets(%dma_start3A_25 : memref<128xi32, #tpu.memory_space<vmem>>) semaphore(%arg11 : memref<!tpu.dma_semaphore, #tpu.memory_space<semaphore_mem>>)
      %dma_wait3A = arith.constant 0 : i32
      %dma_wait3A_29 = tpu.memref_slice %arg7[%while3A_23, %dma_wait3A] : memref<120x128xi32, #tpu.memory_space<vmem>> -> memref<1x128xi32, #tpu.memory_space<vmem>>
      %dma_wait3A_30 = tpu.memref_squeeze %dma_wait3A_29 : memref<1x128xi32, #tpu.memory_space<vmem>> -> memref<128xi32, #tpu.memory_space<vmem>>
      %dma_wait3A_31 = arith.constant 0 : i32
      %dma_wait3A_32 = arith.constant 0 : i32
      %dma_wait3A_33 = tpu.memref_slice %arg2[%dma_wait3A_31, %dma_wait3A_32] : memref<10240x128xf32, #tpu.memory_space<hbm>> -> memref<10240x128xf32, #tpu.memory_space<hbm>>
      tpu.wait_indirect_dma semaphore(%arg11 : memref<!tpu.dma_semaphore, #tpu.memory_space<semaphore_mem>>) src(%dma_wait3A_33 : memref<10240x128xf32, #tpu.memory_space<hbm>>) dst(%arg9 : memref<128x128xf32, #tpu.memory_space<vmem>>)
      "tpu.region"() ({
        %run_scoped3A = tpu.sem_alloc : memref<!tpu.dma_semaphore, #tpu.memory_space<semaphore_mem>>
        %dma_start3A_34 = arith.constant 0 : i32
        %dma_start3A_35 = tpu.memref_slice %arg8[%while3A_23, %dma_start3A_34] : memref<120x128xi32, #tpu.memory_space<vmem>> -> memref<1x128xi32, #tpu.memory_space<vmem>>
        %dma_start3A_36 = tpu.memref_squeeze %dma_start3A_35 : memref<1x128xi32, #tpu.memory_space<vmem>> -> memref<128xi32, #tpu.memory_space<vmem>>
        %dma_start3A_37 = arith.constant 0 : i32
        %dma_start3A_38 = arith.constant 0 : i32
        %dma_start3A_39 = tpu.memref_slice %arg10[%dma_start3A_37, %dma_start3A_38] : memref<10240x128xf32, #tpu.memory_space<vmem_shared>> -> memref<10240x128xf32, #tpu.memory_space<vmem_shared>>
        tpu.enqueue_indirect_dma source(%arg9 : memref<128x128xf32, #tpu.memory_space<vmem>>) target(%dma_start3A_39 : memref<10240x128xf32, #tpu.memory_space<vmem_shared>>) offsets(%dma_start3A_36 : memref<128xi32, #tpu.memory_space<vmem>>) semaphore(%run_scoped3A : memref<!tpu.dma_semaphore, #tpu.memory_space<semaphore_mem>>) {add = true}
        %dma_wait3A_40 = arith.constant 0 : i32
        %dma_wait3A_41 = tpu.memref_slice %arg8[%while3A_23, %dma_wait3A_40] : memref<120x128xi32, #tpu.memory_space<vmem>> -> memref<1x128xi32, #tpu.memory_space<vmem>>
        %dma_wait3A_42 = tpu.memref_squeeze %dma_wait3A_41 : memref<1x128xi32, #tpu.memory_space<vmem>> -> memref<128xi32, #tpu.memory_space<vmem>>
        %dma_wait3A_43 = arith.constant 0 : i32
        %dma_wait3A_44 = arith.constant 0 : i32
        %dma_wait3A_45 = tpu.memref_slice %arg10[%dma_wait3A_43, %dma_wait3A_44] : memref<10240x128xf32, #tpu.memory_space<vmem_shared>> -> memref<10240x128xf32, #tpu.memory_space<vmem_shared>>
        tpu.wait_indirect_dma semaphore(%run_scoped3A : memref<!tpu.dma_semaphore, #tpu.memory_space<semaphore_mem>>) src(%arg9 : memref<128x128xf32, #tpu.memory_space<vmem>>) dst(%dma_wait3A_45 : memref<10240x128xf32, #tpu.memory_space<vmem_shared>>)
        tpu.yield
      }) : () -> ()
    }
    %while3A_19 = arith.constant 1 : i32
    scf.for %while3A_23 = %while3A_17 to %while3A_13 step %while3A_19  : i32 {
      %dma_start3A = arith.constant 0 : i32
      %dma_start3A_24 = tpu.memref_slice %arg7[%while3A_23, %dma_start3A] : memref<120x128xi32, #tpu.memory_space<vmem>> -> memref<1x128xi32, #tpu.memory_space<vmem>>
      %dma_start3A_25 = tpu.memref_squeeze %dma_start3A_24 : memref<1x128xi32, #tpu.memory_space<vmem>> -> memref<128xi32, #tpu.memory_space<vmem>>
      %dma_start3A_26 = arith.constant 0 : i32
      %dma_start3A_27 = arith.constant 0 : i32
      %dma_start3A_28 = tpu.memref_slice %arg2[%dma_start3A_26, %dma_start3A_27] : memref<10240x128xf32, #tpu.memory_space<hbm>> -> memref<10240x128xf32, #tpu.memory_space<hbm>>
      tpu.enqueue_indirect_dma source(%dma_start3A_28 : memref<10240x128xf32, #tpu.memory_space<hbm>>) target(%arg9 : memref<128x128xf32, #tpu.memory_space<vmem>>) offsets(%dma_start3A_25 : memref<128xi32, #tpu.memory_space<vmem>>) semaphore(%arg11 : memref<!tpu.dma_semaphore, #tpu.memory_space<semaphore_mem>>)
      %dma_wait3A = arith.constant 0 : i32
      %dma_wait3A_29 = tpu.memref_slice %arg7[%while3A_23, %dma_wait3A] : memref<120x128xi32, #tpu.memory_space<vmem>> -> memref<1x128xi32, #tpu.memory_space<vmem>>
      %dma_wait3A_30 = tpu.memref_squeeze %dma_wait3A_29 : memref<1x128xi32, #tpu.memory_space<vmem>> -> memref<128xi32, #tpu.memory_space<vmem>>
      %dma_wait3A_31 = arith.constant 0 : i32
      %dma_wait3A_32 = arith.constant 0 : i32
      %dma_wait3A_33 = tpu.memref_slice %arg2[%dma_wait3A_31, %dma_wait3A_32] : memref<10240x128xf32, #tpu.memory_space<hbm>> -> memref<10240x128xf32, #tpu.memory_space<hbm>>
      tpu.wait_indirect_dma semaphore(%arg11 : memref<!tpu.dma_semaphore, #tpu.memory_space<semaphore_mem>>) src(%dma_wait3A_33 : memref<10240x128xf32, #tpu.memory_space<hbm>>) dst(%arg9 : memref<128x128xf32, #tpu.memory_space<vmem>>)
      "tpu.region"() ({
        %run_scoped3A = tpu.sem_alloc : memref<!tpu.dma_semaphore, #tpu.memory_space<semaphore_mem>>
        %dma_start3A_34 = arith.constant 0 : i32
        %dma_start3A_35 = tpu.memref_slice %arg8[%while3A_23, %dma_start3A_34] : memref<120x128xi32, #tpu.memory_space<vmem>> -> memref<1x128xi32, #tpu.memory_space<vmem>>
        %dma_start3A_36 = tpu.memref_squeeze %dma_start3A_35 : memref<1x128xi32, #tpu.memory_space<vmem>> -> memref<128xi32, #tpu.memory_space<vmem>>
        %dma_start3A_37 = arith.constant 0 : i32
        %dma_start3A_38 = arith.constant 0 : i32
        %dma_start3A_39 = tpu.memref_slice %arg10[%dma_start3A_37, %dma_start3A_38] : memref<10240x128xf32, #tpu.memory_space<vmem_shared>> -> memref<10240x128xf32, #tpu.memory_space<vmem_shared>>
        tpu.enqueue_indirect_dma source(%arg9 : memref<128x128xf32, #tpu.memory_space<vmem>>) target(%dma_start3A_39 : memref<10240x128xf32, #tpu.memory_space<vmem_shared>>) offsets(%dma_start3A_36 : memref<128xi32, #tpu.memory_space<vmem>>) semaphore(%run_scoped3A : memref<!tpu.dma_semaphore, #tpu.memory_space<semaphore_mem>>) {add = true}
        %dma_wait3A_40 = arith.constant 0 : i32
        %dma_wait3A_41 = tpu.memref_slice %arg8[%while3A_23, %dma_wait3A_40] : memref<120x128xi32, #tpu.memory_space<vmem>> -> memref<1x128xi32, #tpu.memory_space<vmem>>
        %dma_wait3A_42 = tpu.memref_squeeze %dma_wait3A_41 : memref<1x128xi32, #tpu.memory_space<vmem>> -> memref<128xi32, #tpu.memory_space<vmem>>
        %dma_wait3A_43 = arith.constant 0 : i32
        %dma_wait3A_44 = arith.constant 0 : i32
        %dma_wait3A_45 = tpu.memref_slice %arg10[%dma_wait3A_43, %dma_wait3A_44] : memref<10240x128xf32, #tpu.memory_space<vmem_shared>> -> memref<10240x128xf32, #tpu.memory_space<vmem_shared>>
        tpu.wait_indirect_dma semaphore(%run_scoped3A : memref<!tpu.dma_semaphore, #tpu.memory_space<semaphore_mem>>) src(%arg9 : memref<128x128xf32, #tpu.memory_space<vmem>>) dst(%dma_wait3A_45 : memref<10240x128xf32, #tpu.memory_space<vmem_shared>>)
        tpu.yield
      }) : () -> ()
    }
    %barrier3A_20 = arith.constant 0 : index
    tpu.barrier barrier_id(%barrier3A_20)
    %mul3A_21 = arith.constant 10240 : i32
    %mul3A_22 = arith.muli %arg0, %mul3A_21 : i32
    %add3A = arith.addi %mul3A_22, %mul3A_0 : i32
    "tpu.region"() ({
      %run_scoped3A = tpu.sem_alloc : memref<!tpu.dma_semaphore, #tpu.memory_space<semaphore_mem>>
      %dma_start3A = arith.constant 0 : i32
      %dma_start3A_23 = tpu.memref_slice %arg6[%add3A, %dma_start3A] : memref<20480x128xf32, #tpu.memory_space<hbm>> -> memref<640x128xf32, #tpu.memory_space<hbm>>
      %dma_start3A_24 = arith.constant 0 : i32
      %dma_start3A_25 = tpu.memref_slice %arg10[%mul3A_0, %dma_start3A_24] : memref<10240x128xf32, #tpu.memory_space<vmem_shared>> -> memref<640x128xf32, #tpu.memory_space<vmem_shared>>
      tpu.enqueue_dma source(%dma_start3A_25 : memref<640x128xf32, #tpu.memory_space<vmem_shared>>) target(%dma_start3A_23 : memref<640x128xf32, #tpu.memory_space<hbm>>) target_semaphore(%run_scoped3A : memref<!tpu.dma_semaphore, #tpu.memory_space<semaphore_mem>>)
      %dma_wait3A = arith.constant 0 : i32
      %dma_wait3A_26 = tpu.memref_slice %arg6[%add3A, %dma_wait3A] : memref<20480x128xf32, #tpu.memory_space<hbm>> -> memref<640x128xf32, #tpu.memory_space<hbm>>
      %dma_wait3A_27 = arith.constant 0 : i32
      %dma_wait3A_28 = tpu.memref_slice %arg10[%mul3A_0, %dma_wait3A_27] : memref<10240x128xf32, #tpu.memory_space<vmem_shared>> -> memref<640x128xf32, #tpu.memory_space<vmem_shared>>
      tpu.wait_dma2 semaphore(%run_scoped3A : memref<!tpu.dma_semaphore, #tpu.memory_space<semaphore_mem>>) src(%dma_wait3A_28 : memref<640x128xf32, #tpu.memory_space<vmem_shared>>) dst(%dma_wait3A_26 : memref<640x128xf32, #tpu.memory_space<hbm>>)
      tpu.yield
    }) : () -> ()
    return
  }
}

#map = affine_map<(d0, d1) -> (0, 0, 0)>
#map1 = affine_map<(d0, d1) -> (0, 0)>
module attributes {stable_mosaic.version = 14 : i64} {
  func.func @_deg_body(%arg0: i32, %arg1: i32, %arg2: memref<32x80x128xi32, #tpu.memory_space<hbm>>, %arg3: memref<128x128xf32, #tpu.memory_space<hbm>>, %arg4: memref<10240x128xf32, #tpu.memory_space<hbm>>, %arg5: memref<20480x128xf32, #tpu.memory_space<hbm>>, %arg6: memref<80x128xi32, #tpu.memory_space<vmem>>, %arg7: memref<128x128xf32, #tpu.memory_space<vmem>>, %arg8: memref<10240x128xf32, #tpu.memory_space<vmem_shared>>) attributes {dimension_semantics = [#tpu.dimension_semantics<core_parallel>, #tpu.dimension_semantics<subcore_parallel>], iteration_bounds = array<i64: 2, 16>, scalar_prefetch = 0 : i64, scratch_operands = 3 : i64, tpu.core_type = #tpu.core_type<sc_vector_subcore>, window_params = [{transform_indices = #map}, {transform_indices = #map1}, {transform_indices = #map1}, {transform_indices = #map1}]} {
    %mul3A = arith.constant 2 : i32
    %mul3A_0 = arith.muli %arg1, %mul3A : i32
    %add3A = arith.addi %mul3A_0, %arg0 : i32
    %mul3A_1 = arith.constant 640 : i32
    %mul3A_2 = arith.muli %arg1, %mul3A_1 : i32
    "tpu.region"() ({
      %run_scoped3A = tpu.sem_alloc : memref<!tpu.dma_semaphore, #tpu.memory_space<semaphore_mem>>
      %dma_start3A = arith.constant 0 : i32
      %dma_start3A_12 = tpu.memref_slice %arg8[%mul3A_2, %dma_start3A] : memref<10240x128xf32, #tpu.memory_space<vmem_shared>> -> memref<640x128xf32, #tpu.memory_space<vmem_shared>>
      %dma_start3A_13 = arith.constant 0 : i32
      %dma_start3A_14 = tpu.memref_slice %arg4[%mul3A_2, %dma_start3A_13] : memref<10240x128xf32, #tpu.memory_space<hbm>> -> memref<640x128xf32, #tpu.memory_space<hbm>>
      tpu.enqueue_dma source(%dma_start3A_14 : memref<640x128xf32, #tpu.memory_space<hbm>>) target(%dma_start3A_12 : memref<640x128xf32, #tpu.memory_space<vmem_shared>>) target_semaphore(%run_scoped3A : memref<!tpu.dma_semaphore, #tpu.memory_space<semaphore_mem>>)
      %dma_wait3A = arith.constant 0 : i32
      %dma_wait3A_15 = tpu.memref_slice %arg8[%mul3A_2, %dma_wait3A] : memref<10240x128xf32, #tpu.memory_space<vmem_shared>> -> memref<640x128xf32, #tpu.memory_space<vmem_shared>>
      %dma_wait3A_16 = arith.constant 0 : i32
      %dma_wait3A_17 = tpu.memref_slice %arg4[%mul3A_2, %dma_wait3A_16] : memref<10240x128xf32, #tpu.memory_space<hbm>> -> memref<640x128xf32, #tpu.memory_space<hbm>>
      tpu.wait_dma2 semaphore(%run_scoped3A : memref<!tpu.dma_semaphore, #tpu.memory_space<semaphore_mem>>) src(%dma_wait3A_17 : memref<640x128xf32, #tpu.memory_space<hbm>>) dst(%dma_wait3A_15 : memref<640x128xf32, #tpu.memory_space<vmem_shared>>)
      tpu.yield
    }) : () -> ()
    "tpu.region"() ({
      %run_scoped3A = tpu.sem_alloc : memref<!tpu.dma_semaphore, #tpu.memory_space<semaphore_mem>>
      tpu.enqueue_dma source(%arg3 : memref<128x128xf32, #tpu.memory_space<hbm>>) target(%arg7 : memref<128x128xf32, #tpu.memory_space<vmem>>) target_semaphore(%run_scoped3A : memref<!tpu.dma_semaphore, #tpu.memory_space<semaphore_mem>>)
      tpu.wait_dma2 semaphore(%run_scoped3A : memref<!tpu.dma_semaphore, #tpu.memory_space<semaphore_mem>>) src(%arg3 : memref<128x128xf32, #tpu.memory_space<hbm>>) dst(%arg7 : memref<128x128xf32, #tpu.memory_space<vmem>>)
      tpu.yield
    }) : () -> ()
    "tpu.region"() ({
      %run_scoped3A = tpu.sem_alloc : memref<!tpu.dma_semaphore, #tpu.memory_space<semaphore_mem>>
      %dma_start3A = arith.constant 0 : i32
      %dma_start3A_12 = arith.constant 0 : i32
      %dma_start3A_13 = tpu.memref_slice %arg2[%add3A, %dma_start3A, %dma_start3A_12] : memref<32x80x128xi32, #tpu.memory_space<hbm>> -> memref<1x80x128xi32, #tpu.memory_space<hbm>>
      %dma_start3A_14 = tpu.memref_squeeze %dma_start3A_13 : memref<1x80x128xi32, #tpu.memory_space<hbm>> -> memref<80x128xi32, #tpu.memory_space<hbm>>
      %dma_start3A_15 = arith.constant 0 : i32
      %dma_start3A_16 = arith.constant 0 : i32
      %dma_start3A_17 = tpu.memref_slice %arg2[%add3A, %dma_start3A_15, %dma_start3A_16] : memref<32x80x128xi32, #tpu.memory_space<hbm>> -> memref<1x80x128xi32, #tpu.memory_space<hbm>>
      %dma_start3A_18 = tpu.memref_squeeze %dma_start3A_17 : memref<1x80x128xi32, #tpu.memory_space<hbm>> -> memref<80x128xi32, #tpu.memory_space<hbm>>
      tpu.enqueue_dma source(%dma_start3A_18 : memref<80x128xi32, #tpu.memory_space<hbm>>) target(%arg6 : memref<80x128xi32, #tpu.memory_space<vmem>>) target_semaphore(%run_scoped3A : memref<!tpu.dma_semaphore, #tpu.memory_space<semaphore_mem>>)
      %dma_wait3A = arith.constant 0 : i32
      %dma_wait3A_19 = arith.constant 0 : i32
      %dma_wait3A_20 = tpu.memref_slice %arg2[%add3A, %dma_wait3A, %dma_wait3A_19] : memref<32x80x128xi32, #tpu.memory_space<hbm>> -> memref<1x80x128xi32, #tpu.memory_space<hbm>>
      %dma_wait3A_21 = tpu.memref_squeeze %dma_wait3A_20 : memref<1x80x128xi32, #tpu.memory_space<hbm>> -> memref<80x128xi32, #tpu.memory_space<hbm>>
      %dma_wait3A_22 = arith.constant 0 : i32
      %dma_wait3A_23 = arith.constant 0 : i32
      %dma_wait3A_24 = tpu.memref_slice %arg2[%add3A, %dma_wait3A_22, %dma_wait3A_23] : memref<32x80x128xi32, #tpu.memory_space<hbm>> -> memref<1x80x128xi32, #tpu.memory_space<hbm>>
      %dma_wait3A_25 = tpu.memref_squeeze %dma_wait3A_24 : memref<1x80x128xi32, #tpu.memory_space<hbm>> -> memref<80x128xi32, #tpu.memory_space<hbm>>
      tpu.wait_dma2 semaphore(%run_scoped3A : memref<!tpu.dma_semaphore, #tpu.memory_space<semaphore_mem>>) src(%dma_wait3A_25 : memref<80x128xi32, #tpu.memory_space<hbm>>) dst(%arg6 : memref<80x128xi32, #tpu.memory_space<vmem>>)
      tpu.yield
    }) : () -> ()
    %barrier3A = arith.constant 0 : index
    tpu.barrier barrier_id(%barrier3A)
    %scan3A = arith.constant 0 : i32
    %scan3A_3 = arith.constant 0 : i32
    %scan3A_4 = arith.constant 80 : i32
    %scan3A_5 = arith.addi %scan3A_3, %scan3A_4 : i32
    %scan3A_6 = arith.constant 1 : i32
    scf.for %scan3A_12 = %scan3A_3 to %scan3A_5 step %scan3A_6  : i32 {
      "tpu.region"() ({
        %run_scoped3A = tpu.sem_alloc : memref<!tpu.dma_semaphore, #tpu.memory_space<semaphore_mem>>
        %dma_start3A = arith.constant 0 : i32
        %dma_start3A_13 = tpu.memref_slice %arg6[%scan3A_12, %dma_start3A] : memref<80x128xi32, #tpu.memory_space<vmem>> -> memref<1x128xi32, #tpu.memory_space<vmem>>
        %dma_start3A_14 = tpu.memref_squeeze %dma_start3A_13 : memref<1x128xi32, #tpu.memory_space<vmem>> -> memref<128xi32, #tpu.memory_space<vmem>>
        %dma_start3A_15 = arith.constant 0 : i32
        %dma_start3A_16 = arith.constant 0 : i32
        %dma_start3A_17 = tpu.memref_slice %arg8[%dma_start3A_15, %dma_start3A_16] : memref<10240x128xf32, #tpu.memory_space<vmem_shared>> -> memref<10240x128xf32, #tpu.memory_space<vmem_shared>>
        tpu.enqueue_indirect_dma source(%arg7 : memref<128x128xf32, #tpu.memory_space<vmem>>) target(%dma_start3A_17 : memref<10240x128xf32, #tpu.memory_space<vmem_shared>>) offsets(%dma_start3A_14 : memref<128xi32, #tpu.memory_space<vmem>>) semaphore(%run_scoped3A : memref<!tpu.dma_semaphore, #tpu.memory_space<semaphore_mem>>) {add = true}
        %dma_wait3A = arith.constant 0 : i32
        %dma_wait3A_18 = tpu.memref_slice %arg6[%scan3A_12, %dma_wait3A] : memref<80x128xi32, #tpu.memory_space<vmem>> -> memref<1x128xi32, #tpu.memory_space<vmem>>
        %dma_wait3A_19 = tpu.memref_squeeze %dma_wait3A_18 : memref<1x128xi32, #tpu.memory_space<vmem>> -> memref<128xi32, #tpu.memory_space<vmem>>
        %dma_wait3A_20 = arith.constant 0 : i32
        %dma_wait3A_21 = arith.constant 0 : i32
        %dma_wait3A_22 = tpu.memref_slice %arg8[%dma_wait3A_20, %dma_wait3A_21] : memref<10240x128xf32, #tpu.memory_space<vmem_shared>> -> memref<10240x128xf32, #tpu.memory_space<vmem_shared>>
        tpu.wait_indirect_dma semaphore(%run_scoped3A : memref<!tpu.dma_semaphore, #tpu.memory_space<semaphore_mem>>) src(%arg7 : memref<128x128xf32, #tpu.memory_space<vmem>>) dst(%dma_wait3A_22 : memref<10240x128xf32, #tpu.memory_space<vmem_shared>>)
        tpu.yield
      }) : () -> ()
    }
    %scan3A_7 = arith.constant 80 : i32
    %barrier3A_8 = arith.constant 0 : index
    tpu.barrier barrier_id(%barrier3A_8)
    %mul3A_9 = arith.constant 10240 : i32
    %mul3A_10 = arith.muli %arg0, %mul3A_9 : i32
    %add3A_11 = arith.addi %mul3A_10, %mul3A_2 : i32
    "tpu.region"() ({
      %run_scoped3A = tpu.sem_alloc : memref<!tpu.dma_semaphore, #tpu.memory_space<semaphore_mem>>
      %dma_start3A = arith.constant 0 : i32
      %dma_start3A_12 = tpu.memref_slice %arg5[%add3A_11, %dma_start3A] : memref<20480x128xf32, #tpu.memory_space<hbm>> -> memref<640x128xf32, #tpu.memory_space<hbm>>
      %dma_start3A_13 = arith.constant 0 : i32
      %dma_start3A_14 = tpu.memref_slice %arg8[%mul3A_2, %dma_start3A_13] : memref<10240x128xf32, #tpu.memory_space<vmem_shared>> -> memref<640x128xf32, #tpu.memory_space<vmem_shared>>
      tpu.enqueue_dma source(%dma_start3A_14 : memref<640x128xf32, #tpu.memory_space<vmem_shared>>) target(%dma_start3A_12 : memref<640x128xf32, #tpu.memory_space<hbm>>) target_semaphore(%run_scoped3A : memref<!tpu.dma_semaphore, #tpu.memory_space<semaphore_mem>>)
      %dma_wait3A = arith.constant 0 : i32
      %dma_wait3A_15 = tpu.memref_slice %arg5[%add3A_11, %dma_wait3A] : memref<20480x128xf32, #tpu.memory_space<hbm>> -> memref<640x128xf32, #tpu.memory_space<hbm>>
      %dma_wait3A_16 = arith.constant 0 : i32
      %dma_wait3A_17 = tpu.memref_slice %arg8[%mul3A_2, %dma_wait3A_16] : memref<10240x128xf32, #tpu.memory_space<vmem_shared>> -> memref<640x128xf32, #tpu.memory_space<vmem_shared>>
      tpu.wait_dma2 semaphore(%run_scoped3A : memref<!tpu.dma_semaphore, #tpu.memory_space<semaphore_mem>>) src(%dma_wait3A_17 : memref<640x128xf32, #tpu.memory_space<vmem_shared>>) dst(%dma_wait3A_15 : memref<640x128xf32, #tpu.memory_space<hbm>>)
      tpu.yield
    }) : () -> ()
    return
  }
}

#map = affine_map<(d0, d1) -> (0, 0)>
module attributes {stable_mosaic.version = 14 : i64} {
  func.func @_edge_scatter_body(%arg0: i32, %arg1: i32, %arg2: memref<10240x128xf32, #tpu.memory_space<hbm>>, %arg3: memref<2560x128xi32, #tpu.memory_space<hbm>>, %arg4: memref<2560x128xi32, #tpu.memory_space<hbm>>, %arg5: memref<10240x128xf32, #tpu.memory_space<hbm>>, %arg6: memref<20480x128xf32, #tpu.memory_space<hbm>>, %arg7: memref<120x128xi32, #tpu.memory_space<vmem>>, %arg8: memref<120x128xi32, #tpu.memory_space<vmem>>, %arg9: memref<128x128xf32, #tpu.memory_space<vmem>>, %arg10: memref<10240x128xf32, #tpu.memory_space<vmem_shared>>, %arg11: memref<!tpu.dma_semaphore, #tpu.memory_space<semaphore_mem>>) attributes {dimension_semantics = [#tpu.dimension_semantics<core_parallel>, #tpu.dimension_semantics<subcore_parallel>], iteration_bounds = array<i64: 2, 16>, scalar_prefetch = 0 : i64, scratch_operands = 5 : i64, tpu.core_type = #tpu.core_type<sc_vector_subcore>, window_params = [{transform_indices = #map}, {transform_indices = #map}, {transform_indices = #map}, {transform_indices = #map}, {transform_indices = #map}]} {
    %mul3A = arith.constant 640 : i32
    %mul3A_0 = arith.muli %arg1, %mul3A : i32
    "tpu.region"() ({
      %run_scoped3A = tpu.sem_alloc : memref<!tpu.dma_semaphore, #tpu.memory_space<semaphore_mem>>
      %dma_start3A = arith.constant 0 : i32
      %dma_start3A_23 = tpu.memref_slice %arg10[%mul3A_0, %dma_start3A] : memref<10240x128xf32, #tpu.memory_space<vmem_shared>> -> memref<640x128xf32, #tpu.memory_space<vmem_shared>>
      %dma_start3A_24 = arith.constant 0 : i32
      %dma_start3A_25 = tpu.memref_slice %arg5[%mul3A_0, %dma_start3A_24] : memref<10240x128xf32, #tpu.memory_space<hbm>> -> memref<640x128xf32, #tpu.memory_space<hbm>>
      tpu.enqueue_dma source(%dma_start3A_25 : memref<640x128xf32, #tpu.memory_space<hbm>>) target(%dma_start3A_23 : memref<640x128xf32, #tpu.memory_space<vmem_shared>>) target_semaphore(%run_scoped3A : memref<!tpu.dma_semaphore, #tpu.memory_space<semaphore_mem>>)
      %dma_wait3A = arith.constant 0 : i32
      %dma_wait3A_26 = tpu.memref_slice %arg10[%mul3A_0, %dma_wait3A] : memref<10240x128xf32, #tpu.memory_space<vmem_shared>> -> memref<640x128xf32, #tpu.memory_space<vmem_shared>>
      %dma_wait3A_27 = arith.constant 0 : i32
      %dma_wait3A_28 = tpu.memref_slice %arg5[%mul3A_0, %dma_wait3A_27] : memref<10240x128xf32, #tpu.memory_space<hbm>> -> memref<640x128xf32, #tpu.memory_space<hbm>>
      tpu.wait_dma2 semaphore(%run_scoped3A : memref<!tpu.dma_semaphore, #tpu.memory_space<semaphore_mem>>) src(%dma_wait3A_28 : memref<640x128xf32, #tpu.memory_space<hbm>>) dst(%dma_wait3A_26 : memref<640x128xf32, #tpu.memory_space<vmem_shared>>)
      tpu.yield
    }) : () -> ()
    %eq3A = arith.constant 0 : i32
    %eq3A_1 = arith.cmpi eq, %arg0, %eq3A : i32
    %convert_element_type3A = arith.extui %eq3A_1 : i1 to i32
    %cond3A = arith.constant 0 : i32
    %cond3A_2 = arith.cmpi ne, %convert_element_type3A, %cond3A : i32
    scf.if %cond3A_2 {
      %mul3A_23 = arith.constant 120 : i32
      %mul3A_24 = arith.muli %arg1, %mul3A_23 : i32
      "tpu.region"() ({
        %run_scoped3A = tpu.sem_alloc : memref<!tpu.dma_semaphore, #tpu.memory_space<semaphore_mem>>
        %dma_start3A = arith.constant 0 : i32
        %dma_start3A_27 = arith.constant 0 : i32
        %dma_start3A_28 = tpu.memref_slice %arg7[%dma_start3A, %dma_start3A_27] : memref<120x128xi32, #tpu.memory_space<vmem>> -> memref<120x128xi32, #tpu.memory_space<vmem>>
        %dma_start3A_29 = arith.constant 0 : i32
        %dma_start3A_30 = tpu.memref_slice %arg3[%mul3A_24, %dma_start3A_29] : memref<2560x128xi32, #tpu.memory_space<hbm>> -> memref<120x128xi32, #tpu.memory_space<hbm>>
        %dma_start3A_31 = arith.constant 0 : i32
        %dma_start3A_32 = arith.constant 0 : i32
        %dma_start3A_33 = tpu.memref_slice %arg7[%dma_start3A_31, %dma_start3A_32] : memref<120x128xi32, #tpu.memory_space<vmem>> -> memref<120x128xi32, #tpu.memory_space<vmem>>
        %dma_start3A_34 = arith.constant 0 : i32
        %dma_start3A_35 = tpu.memref_slice %arg3[%mul3A_24, %dma_start3A_34] : memref<2560x128xi32, #tpu.memory_space<hbm>> -> memref<120x128xi32, #tpu.memory_space<hbm>>
        tpu.enqueue_dma source(%dma_start3A_35 : memref<120x128xi32, #tpu.memory_space<hbm>>) target(%dma_start3A_33 : memref<120x128xi32, #tpu.memory_space<vmem>>) target_semaphore(%run_scoped3A : memref<!tpu.dma_semaphore, #tpu.memory_space<semaphore_mem>>)
        %dma_wait3A = arith.constant 0 : i32
        %dma_wait3A_36 = arith.constant 0 : i32
        %dma_wait3A_37 = tpu.memref_slice %arg7[%dma_wait3A, %dma_wait3A_36] : memref<120x128xi32, #tpu.memory_space<vmem>> -> memref<120x128xi32, #tpu.memory_space<vmem>>
        %dma_wait3A_38 = arith.constant 0 : i32
        %dma_wait3A_39 = tpu.memref_slice %arg3[%mul3A_24, %dma_wait3A_38] : memref<2560x128xi32, #tpu.memory_space<hbm>> -> memref<120x128xi32, #tpu.memory_space<hbm>>
        %dma_wait3A_40 = arith.constant 0 : i32
        %dma_wait3A_41 = arith.constant 0 : i32
        %dma_wait3A_42 = tpu.memref_slice %arg7[%dma_wait3A_40, %dma_wait3A_41] : memref<120x128xi32, #tpu.memory_space<vmem>> -> memref<120x128xi32, #tpu.memory_space<vmem>>
        %dma_wait3A_43 = arith.constant 0 : i32
        %dma_wait3A_44 = tpu.memref_slice %arg3[%mul3A_24, %dma_wait3A_43] : memref<2560x128xi32, #tpu.memory_space<hbm>> -> memref<120x128xi32, #tpu.memory_space<hbm>>
        tpu.wait_dma2 semaphore(%run_scoped3A : memref<!tpu.dma_semaphore, #tpu.memory_space<semaphore_mem>>) src(%dma_wait3A_44 : memref<120x128xi32, #tpu.memory_space<hbm>>) dst(%dma_wait3A_42 : memref<120x128xi32, #tpu.memory_space<vmem>>)
        tpu.yield
      }) : () -> ()
      %mul3A_25 = arith.constant 120 : i32
      %mul3A_26 = arith.muli %arg1, %mul3A_25 : i32
      "tpu.region"() ({
        %run_scoped3A = tpu.sem_alloc : memref<!tpu.dma_semaphore, #tpu.memory_space<semaphore_mem>>
        %dma_start3A = arith.constant 0 : i32
        %dma_start3A_27 = arith.constant 0 : i32
        %dma_start3A_28 = tpu.memref_slice %arg8[%dma_start3A, %dma_start3A_27] : memref<120x128xi32, #tpu.memory_space<vmem>> -> memref<120x128xi32, #tpu.memory_space<vmem>>
        %dma_start3A_29 = arith.constant 0 : i32
        %dma_start3A_30 = tpu.memref_slice %arg4[%mul3A_26, %dma_start3A_29] : memref<2560x128xi32, #tpu.memory_space<hbm>> -> memref<120x128xi32, #tpu.memory_space<hbm>>
        %dma_start3A_31 = arith.constant 0 : i32
        %dma_start3A_32 = arith.constant 0 : i32
        %dma_start3A_33 = tpu.memref_slice %arg8[%dma_start3A_31, %dma_start3A_32] : memref<120x128xi32, #tpu.memory_space<vmem>> -> memref<120x128xi32, #tpu.memory_space<vmem>>
        %dma_start3A_34 = arith.constant 0 : i32
        %dma_start3A_35 = tpu.memref_slice %arg4[%mul3A_26, %dma_start3A_34] : memref<2560x128xi32, #tpu.memory_space<hbm>> -> memref<120x128xi32, #tpu.memory_space<hbm>>
        tpu.enqueue_dma source(%dma_start3A_35 : memref<120x128xi32, #tpu.memory_space<hbm>>) target(%dma_start3A_33 : memref<120x128xi32, #tpu.memory_space<vmem>>) target_semaphore(%run_scoped3A : memref<!tpu.dma_semaphore, #tpu.memory_space<semaphore_mem>>)
        %dma_wait3A = arith.constant 0 : i32
        %dma_wait3A_36 = arith.constant 0 : i32
        %dma_wait3A_37 = tpu.memref_slice %arg8[%dma_wait3A, %dma_wait3A_36] : memref<120x128xi32, #tpu.memory_space<vmem>> -> memref<120x128xi32, #tpu.memory_space<vmem>>
        %dma_wait3A_38 = arith.constant 0 : i32
        %dma_wait3A_39 = tpu.memref_slice %arg4[%mul3A_26, %dma_wait3A_38] : memref<2560x128xi32, #tpu.memory_space<hbm>> -> memref<120x128xi32, #tpu.memory_space<hbm>>
        %dma_wait3A_40 = arith.constant 0 : i32
        %dma_wait3A_41 = arith.constant 0 : i32
        %dma_wait3A_42 = tpu.memref_slice %arg8[%dma_wait3A_40, %dma_wait3A_41] : memref<120x128xi32, #tpu.memory_space<vmem>> -> memref<120x128xi32, #tpu.memory_space<vmem>>
        %dma_wait3A_43 = arith.constant 0 : i32
        %dma_wait3A_44 = tpu.memref_slice %arg4[%mul3A_26, %dma_wait3A_43] : memref<2560x128xi32, #tpu.memory_space<hbm>> -> memref<120x128xi32, #tpu.memory_space<hbm>>
        tpu.wait_dma2 semaphore(%run_scoped3A : memref<!tpu.dma_semaphore, #tpu.memory_space<semaphore_mem>>) src(%dma_wait3A_44 : memref<120x128xi32, #tpu.memory_space<hbm>>) dst(%dma_wait3A_42 : memref<120x128xi32, #tpu.memory_space<vmem>>)
        tpu.yield
      }) : () -> ()
    } else {
    }
    %eq3A_3 = arith.constant 1 : i32
    %eq3A_4 = arith.cmpi eq, %arg0, %eq3A_3 : i32
    %convert_element_type3A_5 = arith.extui %eq3A_4 : i1 to i32
    %cond3A_6 = arith.constant 0 : i32
    %cond3A_7 = arith.cmpi ne, %convert_element_type3A_5, %cond3A_6 : i32
    scf.if %cond3A_7 {
      %mul3A_23 = arith.constant 40 : i32
      %mul3A_24 = arith.muli %arg1, %mul3A_23 : i32
      %add3A_25 = arith.constant 1920 : i32
      %add3A_26 = arith.addi %add3A_25, %mul3A_24 : i32
      "tpu.region"() ({
        %run_scoped3A = tpu.sem_alloc : memref<!tpu.dma_semaphore, #tpu.memory_space<semaphore_mem>>
        %dma_start3A = arith.constant 0 : i32
        %dma_start3A_31 = arith.constant 0 : i32
        %dma_start3A_32 = tpu.memref_slice %arg7[%dma_start3A, %dma_start3A_31] : memref<120x128xi32, #tpu.memory_space<vmem>> -> memref<40x128xi32, #tpu.memory_space<vmem>>
        %dma_start3A_33 = arith.constant 0 : i32
        %dma_start3A_34 = tpu.memref_slice %arg3[%add3A_26, %dma_start3A_33] : memref<2560x128xi32, #tpu.memory_space<hbm>> -> memref<40x128xi32, #tpu.memory_space<hbm>>
        %dma_start3A_35 = arith.constant 0 : i32
        %dma_start3A_36 = arith.constant 0 : i32
        %dma_start3A_37 = tpu.memref_slice %arg7[%dma_start3A_35, %dma_start3A_36] : memref<120x128xi32, #tpu.memory_space<vmem>> -> memref<40x128xi32, #tpu.memory_space<vmem>>
        %dma_start3A_38 = arith.constant 0 : i32
        %dma_start3A_39 = tpu.memref_slice %arg3[%add3A_26, %dma_start3A_38] : memref<2560x128xi32, #tpu.memory_space<hbm>> -> memref<40x128xi32, #tpu.memory_space<hbm>>
        tpu.enqueue_dma source(%dma_start3A_39 : memref<40x128xi32, #tpu.memory_space<hbm>>) target(%dma_start3A_37 : memref<40x128xi32, #tpu.memory_space<vmem>>) target_semaphore(%run_scoped3A : memref<!tpu.dma_semaphore, #tpu.memory_space<semaphore_mem>>)
        %dma_wait3A = arith.constant 0 : i32
        %dma_wait3A_40 = arith.constant 0 : i32
        %dma_wait3A_41 = tpu.memref_slice %arg7[%dma_wait3A, %dma_wait3A_40] : memref<120x128xi32, #tpu.memory_space<vmem>> -> memref<40x128xi32, #tpu.memory_space<vmem>>
        %dma_wait3A_42 = arith.constant 0 : i32
        %dma_wait3A_43 = tpu.memref_slice %arg3[%add3A_26, %dma_wait3A_42] : memref<2560x128xi32, #tpu.memory_space<hbm>> -> memref<40x128xi32, #tpu.memory_space<hbm>>
        %dma_wait3A_44 = arith.constant 0 : i32
        %dma_wait3A_45 = arith.constant 0 : i32
        %dma_wait3A_46 = tpu.memref_slice %arg7[%dma_wait3A_44, %dma_wait3A_45] : memref<120x128xi32, #tpu.memory_space<vmem>> -> memref<40x128xi32, #tpu.memory_space<vmem>>
        %dma_wait3A_47 = arith.constant 0 : i32
        %dma_wait3A_48 = tpu.memref_slice %arg3[%add3A_26, %dma_wait3A_47] : memref<2560x128xi32, #tpu.memory_space<hbm>> -> memref<40x128xi32, #tpu.memory_space<hbm>>
        tpu.wait_dma2 semaphore(%run_scoped3A : memref<!tpu.dma_semaphore, #tpu.memory_space<semaphore_mem>>) src(%dma_wait3A_48 : memref<40x128xi32, #tpu.memory_space<hbm>>) dst(%dma_wait3A_46 : memref<40x128xi32, #tpu.memory_space<vmem>>)
        tpu.yield
      }) : () -> ()
      %mul3A_27 = arith.constant 40 : i32
      %mul3A_28 = arith.muli %arg1, %mul3A_27 : i32
      %add3A_29 = arith.constant 1920 : i32
      %add3A_30 = arith.addi %add3A_29, %mul3A_28 : i32
      "tpu.region"() ({
        %run_scoped3A = tpu.sem_alloc : memref<!tpu.dma_semaphore, #tpu.memory_space<semaphore_mem>>
        %dma_start3A = arith.constant 0 : i32
        %dma_start3A_31 = arith.constant 0 : i32
        %dma_start3A_32 = tpu.memref_slice %arg8[%dma_start3A, %dma_start3A_31] : memref<120x128xi32, #tpu.memory_space<vmem>> -> memref<40x128xi32, #tpu.memory_space<vmem>>
        %dma_start3A_33 = arith.constant 0 : i32
        %dma_start3A_34 = tpu.memref_slice %arg4[%add3A_30, %dma_start3A_33] : memref<2560x128xi32, #tpu.memory_space<hbm>> -> memref<40x128xi32, #tpu.memory_space<hbm>>
        %dma_start3A_35 = arith.constant 0 : i32
        %dma_start3A_36 = arith.constant 0 : i32
        %dma_start3A_37 = tpu.memref_slice %arg8[%dma_start3A_35, %dma_start3A_36] : memref<120x128xi32, #tpu.memory_space<vmem>> -> memref<40x128xi32, #tpu.memory_space<vmem>>
        %dma_start3A_38 = arith.constant 0 : i32
        %dma_start3A_39 = tpu.memref_slice %arg4[%add3A_30, %dma_start3A_38] : memref<2560x128xi32, #tpu.memory_space<hbm>> -> memref<40x128xi32, #tpu.memory_space<hbm>>
        tpu.enqueue_dma source(%dma_start3A_39 : memref<40x128xi32, #tpu.memory_space<hbm>>) target(%dma_start3A_37 : memref<40x128xi32, #tpu.memory_space<vmem>>) target_semaphore(%run_scoped3A : memref<!tpu.dma_semaphore, #tpu.memory_space<semaphore_mem>>)
        %dma_wait3A = arith.constant 0 : i32
        %dma_wait3A_40 = arith.constant 0 : i32
        %dma_wait3A_41 = tpu.memref_slice %arg8[%dma_wait3A, %dma_wait3A_40] : memref<120x128xi32, #tpu.memory_space<vmem>> -> memref<40x128xi32, #tpu.memory_space<vmem>>
        %dma_wait3A_42 = arith.constant 0 : i32
        %dma_wait3A_43 = tpu.memref_slice %arg4[%add3A_30, %dma_wait3A_42] : memref<2560x128xi32, #tpu.memory_space<hbm>> -> memref<40x128xi32, #tpu.memory_space<hbm>>
        %dma_wait3A_44 = arith.constant 0 : i32
        %dma_wait3A_45 = arith.constant 0 : i32
        %dma_wait3A_46 = tpu.memref_slice %arg8[%dma_wait3A_44, %dma_wait3A_45] : memref<120x128xi32, #tpu.memory_space<vmem>> -> memref<40x128xi32, #tpu.memory_space<vmem>>
        %dma_wait3A_47 = arith.constant 0 : i32
        %dma_wait3A_48 = tpu.memref_slice %arg4[%add3A_30, %dma_wait3A_47] : memref<2560x128xi32, #tpu.memory_space<hbm>> -> memref<40x128xi32, #tpu.memory_space<hbm>>
        tpu.wait_dma2 semaphore(%run_scoped3A : memref<!tpu.dma_semaphore, #tpu.memory_space<semaphore_mem>>) src(%dma_wait3A_48 : memref<40x128xi32, #tpu.memory_space<hbm>>) dst(%dma_wait3A_46 : memref<40x128xi32, #tpu.memory_space<vmem>>)
        tpu.yield
      }) : () -> ()
    } else {
    }
    %barrier3A = arith.constant 0 : index
    tpu.barrier barrier_id(%barrier3A)
    %eq3A_8 = arith.constant 0 : i32
    %eq3A_9 = arith.cmpi eq, %arg0, %eq3A_8 : i32
    %jit3A = arith.constant 120 : i32
    %jit3A_10 = arith.constant 40 : i32
    %select_n3A = arith.select %eq3A_9, %jit3A, %jit3A_10 : i32
    %while3A = arith.constant 0 : i32
    %while3A_11 = arith.constant 0 : i32
    %while3A_12 = arith.subi %select_n3A, %while3A_11 : i32
    %while3A_13 = arith.addi %while3A_11, %while3A_12 : i32
    %while3A_14 = arith.constant 1 : i32
    %while3A_15 = arith.divsi %while3A_12, %while3A_14 : i32
    %while3A_16 = arith.muli %while3A_15, %while3A_14 : i32
    %while3A_17 = arith.addi %while3A_11, %while3A_16 : i32
    %while3A_18 = arith.constant 1 : i32
    scf.for %while3A_23 = %while3A_11 to %while3A_17 step %while3A_18  : i32 {
      %dma_start3A = arith.constant 0 : i32
      %dma_start3A_24 = tpu.memref_slice %arg7[%while3A_23, %dma_start3A] : memref<120x128xi32, #tpu.memory_space<vmem>> -> memref<1x128xi32, #tpu.memory_space<vmem>>
      %dma_start3A_25 = tpu.memref_squeeze %dma_start3A_24 : memref<1x128xi32, #tpu.memory_space<vmem>> -> memref<128xi32, #tpu.memory_space<vmem>>
      %dma_start3A_26 = arith.constant 0 : i32
      %dma_start3A_27 = arith.constant 0 : i32
      %dma_start3A_28 = tpu.memref_slice %arg2[%dma_start3A_26, %dma_start3A_27] : memref<10240x128xf32, #tpu.memory_space<hbm>> -> memref<10240x128xf32, #tpu.memory_space<hbm>>
      tpu.enqueue_indirect_dma source(%dma_start3A_28 : memref<10240x128xf32, #tpu.memory_space<hbm>>) target(%arg9 : memref<128x128xf32, #tpu.memory_space<vmem>>) offsets(%dma_start3A_25 : memref<128xi32, #tpu.memory_space<vmem>>) semaphore(%arg11 : memref<!tpu.dma_semaphore, #tpu.memory_space<semaphore_mem>>)
      %dma_wait3A = arith.constant 0 : i32
      %dma_wait3A_29 = tpu.memref_slice %arg7[%while3A_23, %dma_wait3A] : memref<120x128xi32, #tpu.memory_space<vmem>> -> memref<1x128xi32, #tpu.memory_space<vmem>>
      %dma_wait3A_30 = tpu.memref_squeeze %dma_wait3A_29 : memref<1x128xi32, #tpu.memory_space<vmem>> -> memref<128xi32, #tpu.memory_space<vmem>>
      %dma_wait3A_31 = arith.constant 0 : i32
      %dma_wait3A_32 = arith.constant 0 : i32
      %dma_wait3A_33 = tpu.memref_slice %arg2[%dma_wait3A_31, %dma_wait3A_32] : memref<10240x128xf32, #tpu.memory_space<hbm>> -> memref<10240x128xf32, #tpu.memory_space<hbm>>
      tpu.wait_indirect_dma semaphore(%arg11 : memref<!tpu.dma_semaphore, #tpu.memory_space<semaphore_mem>>) src(%dma_wait3A_33 : memref<10240x128xf32, #tpu.memory_space<hbm>>) dst(%arg9 : memref<128x128xf32, #tpu.memory_space<vmem>>)
      "tpu.region"() ({
        %run_scoped3A = tpu.sem_alloc : memref<!tpu.dma_semaphore, #tpu.memory_space<semaphore_mem>>
        %dma_start3A_34 = arith.constant 0 : i32
        %dma_start3A_35 = tpu.memref_slice %arg8[%while3A_23, %dma_start3A_34] : memref<120x128xi32, #tpu.memory_space<vmem>> -> memref<1x128xi32, #tpu.memory_space<vmem>>
        %dma_start3A_36 = tpu.memref_squeeze %dma_start3A_35 : memref<1x128xi32, #tpu.memory_space<vmem>> -> memref<128xi32, #tpu.memory_space<vmem>>
        %dma_start3A_37 = arith.constant 0 : i32
        %dma_start3A_38 = arith.constant 0 : i32
        %dma_start3A_39 = tpu.memref_slice %arg10[%dma_start3A_37, %dma_start3A_38] : memref<10240x128xf32, #tpu.memory_space<vmem_shared>> -> memref<10240x128xf32, #tpu.memory_space<vmem_shared>>
        tpu.enqueue_indirect_dma source(%arg9 : memref<128x128xf32, #tpu.memory_space<vmem>>) target(%dma_start3A_39 : memref<10240x128xf32, #tpu.memory_space<vmem_shared>>) offsets(%dma_start3A_36 : memref<128xi32, #tpu.memory_space<vmem>>) semaphore(%run_scoped3A : memref<!tpu.dma_semaphore, #tpu.memory_space<semaphore_mem>>) {add = true}
        %dma_wait3A_40 = arith.constant 0 : i32
        %dma_wait3A_41 = tpu.memref_slice %arg8[%while3A_23, %dma_wait3A_40] : memref<120x128xi32, #tpu.memory_space<vmem>> -> memref<1x128xi32, #tpu.memory_space<vmem>>
        %dma_wait3A_42 = tpu.memref_squeeze %dma_wait3A_41 : memref<1x128xi32, #tpu.memory_space<vmem>> -> memref<128xi32, #tpu.memory_space<vmem>>
        %dma_wait3A_43 = arith.constant 0 : i32
        %dma_wait3A_44 = arith.constant 0 : i32
        %dma_wait3A_45 = tpu.memref_slice %arg10[%dma_wait3A_43, %dma_wait3A_44] : memref<10240x128xf32, #tpu.memory_space<vmem_shared>> -> memref<10240x128xf32, #tpu.memory_space<vmem_shared>>
        tpu.wait_indirect_dma semaphore(%run_scoped3A : memref<!tpu.dma_semaphore, #tpu.memory_space<semaphore_mem>>) src(%arg9 : memref<128x128xf32, #tpu.memory_space<vmem>>) dst(%dma_wait3A_45 : memref<10240x128xf32, #tpu.memory_space<vmem_shared>>)
        tpu.yield
      }) : () -> ()
    }
    %while3A_19 = arith.constant 1 : i32
    scf.for %while3A_23 = %while3A_17 to %while3A_13 step %while3A_19  : i32 {
      %dma_start3A = arith.constant 0 : i32
      %dma_start3A_24 = tpu.memref_slice %arg7[%while3A_23, %dma_start3A] : memref<120x128xi32, #tpu.memory_space<vmem>> -> memref<1x128xi32, #tpu.memory_space<vmem>>
      %dma_start3A_25 = tpu.memref_squeeze %dma_start3A_24 : memref<1x128xi32, #tpu.memory_space<vmem>> -> memref<128xi32, #tpu.memory_space<vmem>>
      %dma_start3A_26 = arith.constant 0 : i32
      %dma_start3A_27 = arith.constant 0 : i32
      %dma_start3A_28 = tpu.memref_slice %arg2[%dma_start3A_26, %dma_start3A_27] : memref<10240x128xf32, #tpu.memory_space<hbm>> -> memref<10240x128xf32, #tpu.memory_space<hbm>>
      tpu.enqueue_indirect_dma source(%dma_start3A_28 : memref<10240x128xf32, #tpu.memory_space<hbm>>) target(%arg9 : memref<128x128xf32, #tpu.memory_space<vmem>>) offsets(%dma_start3A_25 : memref<128xi32, #tpu.memory_space<vmem>>) semaphore(%arg11 : memref<!tpu.dma_semaphore, #tpu.memory_space<semaphore_mem>>)
      %dma_wait3A = arith.constant 0 : i32
      %dma_wait3A_29 = tpu.memref_slice %arg7[%while3A_23, %dma_wait3A] : memref<120x128xi32, #tpu.memory_space<vmem>> -> memref<1x128xi32, #tpu.memory_space<vmem>>
      %dma_wait3A_30 = tpu.memref_squeeze %dma_wait3A_29 : memref<1x128xi32, #tpu.memory_space<vmem>> -> memref<128xi32, #tpu.memory_space<vmem>>
      %dma_wait3A_31 = arith.constant 0 : i32
      %dma_wait3A_32 = arith.constant 0 : i32
      %dma_wait3A_33 = tpu.memref_slice %arg2[%dma_wait3A_31, %dma_wait3A_32] : memref<10240x128xf32, #tpu.memory_space<hbm>> -> memref<10240x128xf32, #tpu.memory_space<hbm>>
      tpu.wait_indirect_dma semaphore(%arg11 : memref<!tpu.dma_semaphore, #tpu.memory_space<semaphore_mem>>) src(%dma_wait3A_33 : memref<10240x128xf32, #tpu.memory_space<hbm>>) dst(%arg9 : memref<128x128xf32, #tpu.memory_space<vmem>>)
      "tpu.region"() ({
        %run_scoped3A = tpu.sem_alloc : memref<!tpu.dma_semaphore, #tpu.memory_space<semaphore_mem>>
        %dma_start3A_34 = arith.constant 0 : i32
        %dma_start3A_35 = tpu.memref_slice %arg8[%while3A_23, %dma_start3A_34] : memref<120x128xi32, #tpu.memory_space<vmem>> -> memref<1x128xi32, #tpu.memory_space<vmem>>
        %dma_start3A_36 = tpu.memref_squeeze %dma_start3A_35 : memref<1x128xi32, #tpu.memory_space<vmem>> -> memref<128xi32, #tpu.memory_space<vmem>>
        %dma_start3A_37 = arith.constant 0 : i32
        %dma_start3A_38 = arith.constant 0 : i32
        %dma_start3A_39 = tpu.memref_slice %arg10[%dma_start3A_37, %dma_start3A_38] : memref<10240x128xf32, #tpu.memory_space<vmem_shared>> -> memref<10240x128xf32, #tpu.memory_space<vmem_shared>>
        tpu.enqueue_indirect_dma source(%arg9 : memref<128x128xf32, #tpu.memory_space<vmem>>) target(%dma_start3A_39 : memref<10240x128xf32, #tpu.memory_space<vmem_shared>>) offsets(%dma_start3A_36 : memref<128xi32, #tpu.memory_space<vmem>>) semaphore(%run_scoped3A : memref<!tpu.dma_semaphore, #tpu.memory_space<semaphore_mem>>) {add = true}
        %dma_wait3A_40 = arith.constant 0 : i32
        %dma_wait3A_41 = tpu.memref_slice %arg8[%while3A_23, %dma_wait3A_40] : memref<120x128xi32, #tpu.memory_space<vmem>> -> memref<1x128xi32, #tpu.memory_space<vmem>>
        %dma_wait3A_42 = tpu.memref_squeeze %dma_wait3A_41 : memref<1x128xi32, #tpu.memory_space<vmem>> -> memref<128xi32, #tpu.memory_space<vmem>>
        %dma_wait3A_43 = arith.constant 0 : i32
        %dma_wait3A_44 = arith.constant 0 : i32
        %dma_wait3A_45 = tpu.memref_slice %arg10[%dma_wait3A_43, %dma_wait3A_44] : memref<10240x128xf32, #tpu.memory_space<vmem_shared>> -> memref<10240x128xf32, #tpu.memory_space<vmem_shared>>
        tpu.wait_indirect_dma semaphore(%run_scoped3A : memref<!tpu.dma_semaphore, #tpu.memory_space<semaphore_mem>>) src(%arg9 : memref<128x128xf32, #tpu.memory_space<vmem>>) dst(%dma_wait3A_45 : memref<10240x128xf32, #tpu.memory_space<vmem_shared>>)
        tpu.yield
      }) : () -> ()
    }
    %barrier3A_20 = arith.constant 0 : index
    tpu.barrier barrier_id(%barrier3A_20)
    %mul3A_21 = arith.constant 10240 : i32
    %mul3A_22 = arith.muli %arg0, %mul3A_21 : i32
    %add3A = arith.addi %mul3A_22, %mul3A_0 : i32
    "tpu.region"() ({
      %run_scoped3A = tpu.sem_alloc : memref<!tpu.dma_semaphore, #tpu.memory_space<semaphore_mem>>
      %dma_start3A = arith.constant 0 : i32
      %dma_start3A_23 = tpu.memref_slice %arg6[%add3A, %dma_start3A] : memref<20480x128xf32, #tpu.memory_space<hbm>> -> memref<640x128xf32, #tpu.memory_space<hbm>>
      %dma_start3A_24 = arith.constant 0 : i32
      %dma_start3A_25 = tpu.memref_slice %arg10[%mul3A_0, %dma_start3A_24] : memref<10240x128xf32, #tpu.memory_space<vmem_shared>> -> memref<640x128xf32, #tpu.memory_space<vmem_shared>>
      tpu.enqueue_dma source(%dma_start3A_25 : memref<640x128xf32, #tpu.memory_space<vmem_shared>>) target(%dma_start3A_23 : memref<640x128xf32, #tpu.memory_space<hbm>>) target_semaphore(%run_scoped3A : memref<!tpu.dma_semaphore, #tpu.memory_space<semaphore_mem>>)
      %dma_wait3A = arith.constant 0 : i32
      %dma_wait3A_26 = tpu.memref_slice %arg6[%add3A, %dma_wait3A] : memref<20480x128xf32, #tpu.memory_space<hbm>> -> memref<640x128xf32, #tpu.memory_space<hbm>>
      %dma_wait3A_27 = arith.constant 0 : i32
      %dma_wait3A_28 = tpu.memref_slice %arg10[%mul3A_0, %dma_wait3A_27] : memref<10240x128xf32, #tpu.memory_space<vmem_shared>> -> memref<640x128xf32, #tpu.memory_space<vmem_shared>>
      tpu.wait_dma2 semaphore(%run_scoped3A : memref<!tpu.dma_semaphore, #tpu.memory_space<semaphore_mem>>) src(%dma_wait3A_28 : memref<640x128xf32, #tpu.memory_space<vmem_shared>>) dst(%dma_wait3A_26 : memref<640x128xf32, #tpu.memory_space<hbm>>)
      tpu.yield
    }) : () -> ()
    return
  }
}

#map = affine_map<(d0, d1) -> (0, 0)>
module attributes {stable_mosaic.version = 14 : i64} {
  func.func @_edge_scatter_body(%arg0: i32, %arg1: i32, %arg2: memref<10240x128xf32, #tpu.memory_space<hbm>>, %arg3: memref<2560x128xi32, #tpu.memory_space<hbm>>, %arg4: memref<2560x128xi32, #tpu.memory_space<hbm>>, %arg5: memref<10240x128xf32, #tpu.memory_space<hbm>>, %arg6: memref<20480x128xf32, #tpu.memory_space<hbm>>, %arg7: memref<120x128xi32, #tpu.memory_space<vmem>>, %arg8: memref<120x128xi32, #tpu.memory_space<vmem>>, %arg9: memref<128x128xf32, #tpu.memory_space<vmem>>, %arg10: memref<10240x128xf32, #tpu.memory_space<vmem_shared>>, %arg11: memref<!tpu.dma_semaphore, #tpu.memory_space<semaphore_mem>>) attributes {dimension_semantics = [#tpu.dimension_semantics<core_parallel>, #tpu.dimension_semantics<subcore_parallel>], iteration_bounds = array<i64: 2, 16>, scalar_prefetch = 0 : i64, scratch_operands = 5 : i64, tpu.core_type = #tpu.core_type<sc_vector_subcore>, window_params = [{transform_indices = #map}, {transform_indices = #map}, {transform_indices = #map}, {transform_indices = #map}, {transform_indices = #map}]} {
    %mul3A = arith.constant 640 : i32
    %mul3A_0 = arith.muli %arg1, %mul3A : i32
    "tpu.region"() ({
      %run_scoped3A = tpu.sem_alloc : memref<!tpu.dma_semaphore, #tpu.memory_space<semaphore_mem>>
      %dma_start3A = arith.constant 0 : i32
      %dma_start3A_23 = tpu.memref_slice %arg10[%mul3A_0, %dma_start3A] : memref<10240x128xf32, #tpu.memory_space<vmem_shared>> -> memref<640x128xf32, #tpu.memory_space<vmem_shared>>
      %dma_start3A_24 = arith.constant 0 : i32
      %dma_start3A_25 = tpu.memref_slice %arg5[%mul3A_0, %dma_start3A_24] : memref<10240x128xf32, #tpu.memory_space<hbm>> -> memref<640x128xf32, #tpu.memory_space<hbm>>
      tpu.enqueue_dma source(%dma_start3A_25 : memref<640x128xf32, #tpu.memory_space<hbm>>) target(%dma_start3A_23 : memref<640x128xf32, #tpu.memory_space<vmem_shared>>) target_semaphore(%run_scoped3A : memref<!tpu.dma_semaphore, #tpu.memory_space<semaphore_mem>>)
      %dma_wait3A = arith.constant 0 : i32
      %dma_wait3A_26 = tpu.memref_slice %arg10[%mul3A_0, %dma_wait3A] : memref<10240x128xf32, #tpu.memory_space<vmem_shared>> -> memref<640x128xf32, #tpu.memory_space<vmem_shared>>
      %dma_wait3A_27 = arith.constant 0 : i32
      %dma_wait3A_28 = tpu.memref_slice %arg5[%mul3A_0, %dma_wait3A_27] : memref<10240x128xf32, #tpu.memory_space<hbm>> -> memref<640x128xf32, #tpu.memory_space<hbm>>
      tpu.wait_dma2 semaphore(%run_scoped3A : memref<!tpu.dma_semaphore, #tpu.memory_space<semaphore_mem>>) src(%dma_wait3A_28 : memref<640x128xf32, #tpu.memory_space<hbm>>) dst(%dma_wait3A_26 : memref<640x128xf32, #tpu.memory_space<vmem_shared>>)
      tpu.yield
    }) : () -> ()
    %eq3A = arith.constant 0 : i32
    %eq3A_1 = arith.cmpi eq, %arg0, %eq3A : i32
    %convert_element_type3A = arith.extui %eq3A_1 : i1 to i32
    %cond3A = arith.constant 0 : i32
    %cond3A_2 = arith.cmpi ne, %convert_element_type3A, %cond3A : i32
    scf.if %cond3A_2 {
      %mul3A_23 = arith.constant 120 : i32
      %mul3A_24 = arith.muli %arg1, %mul3A_23 : i32
      "tpu.region"() ({
        %run_scoped3A = tpu.sem_alloc : memref<!tpu.dma_semaphore, #tpu.memory_space<semaphore_mem>>
        %dma_start3A = arith.constant 0 : i32
        %dma_start3A_27 = arith.constant 0 : i32
        %dma_start3A_28 = tpu.memref_slice %arg7[%dma_start3A, %dma_start3A_27] : memref<120x128xi32, #tpu.memory_space<vmem>> -> memref<120x128xi32, #tpu.memory_space<vmem>>
        %dma_start3A_29 = arith.constant 0 : i32
        %dma_start3A_30 = tpu.memref_slice %arg3[%mul3A_24, %dma_start3A_29] : memref<2560x128xi32, #tpu.memory_space<hbm>> -> memref<120x128xi32, #tpu.memory_space<hbm>>
        %dma_start3A_31 = arith.constant 0 : i32
        %dma_start3A_32 = arith.constant 0 : i32
        %dma_start3A_33 = tpu.memref_slice %arg7[%dma_start3A_31, %dma_start3A_32] : memref<120x128xi32, #tpu.memory_space<vmem>> -> memref<120x128xi32, #tpu.memory_space<vmem>>
        %dma_start3A_34 = arith.constant 0 : i32
        %dma_start3A_35 = tpu.memref_slice %arg3[%mul3A_24, %dma_start3A_34] : memref<2560x128xi32, #tpu.memory_space<hbm>> -> memref<120x128xi32, #tpu.memory_space<hbm>>
        tpu.enqueue_dma source(%dma_start3A_35 : memref<120x128xi32, #tpu.memory_space<hbm>>) target(%dma_start3A_33 : memref<120x128xi32, #tpu.memory_space<vmem>>) target_semaphore(%run_scoped3A : memref<!tpu.dma_semaphore, #tpu.memory_space<semaphore_mem>>)
        %dma_wait3A = arith.constant 0 : i32
        %dma_wait3A_36 = arith.constant 0 : i32
        %dma_wait3A_37 = tpu.memref_slice %arg7[%dma_wait3A, %dma_wait3A_36] : memref<120x128xi32, #tpu.memory_space<vmem>> -> memref<120x128xi32, #tpu.memory_space<vmem>>
        %dma_wait3A_38 = arith.constant 0 : i32
        %dma_wait3A_39 = tpu.memref_slice %arg3[%mul3A_24, %dma_wait3A_38] : memref<2560x128xi32, #tpu.memory_space<hbm>> -> memref<120x128xi32, #tpu.memory_space<hbm>>
        %dma_wait3A_40 = arith.constant 0 : i32
        %dma_wait3A_41 = arith.constant 0 : i32
        %dma_wait3A_42 = tpu.memref_slice %arg7[%dma_wait3A_40, %dma_wait3A_41] : memref<120x128xi32, #tpu.memory_space<vmem>> -> memref<120x128xi32, #tpu.memory_space<vmem>>
        %dma_wait3A_43 = arith.constant 0 : i32
        %dma_wait3A_44 = tpu.memref_slice %arg3[%mul3A_24, %dma_wait3A_43] : memref<2560x128xi32, #tpu.memory_space<hbm>> -> memref<120x128xi32, #tpu.memory_space<hbm>>
        tpu.wait_dma2 semaphore(%run_scoped3A : memref<!tpu.dma_semaphore, #tpu.memory_space<semaphore_mem>>) src(%dma_wait3A_44 : memref<120x128xi32, #tpu.memory_space<hbm>>) dst(%dma_wait3A_42 : memref<120x128xi32, #tpu.memory_space<vmem>>)
        tpu.yield
      }) : () -> ()
      %mul3A_25 = arith.constant 120 : i32
      %mul3A_26 = arith.muli %arg1, %mul3A_25 : i32
      "tpu.region"() ({
        %run_scoped3A = tpu.sem_alloc : memref<!tpu.dma_semaphore, #tpu.memory_space<semaphore_mem>>
        %dma_start3A = arith.constant 0 : i32
        %dma_start3A_27 = arith.constant 0 : i32
        %dma_start3A_28 = tpu.memref_slice %arg8[%dma_start3A, %dma_start3A_27] : memref<120x128xi32, #tpu.memory_space<vmem>> -> memref<120x128xi32, #tpu.memory_space<vmem>>
        %dma_start3A_29 = arith.constant 0 : i32
        %dma_start3A_30 = tpu.memref_slice %arg4[%mul3A_26, %dma_start3A_29] : memref<2560x128xi32, #tpu.memory_space<hbm>> -> memref<120x128xi32, #tpu.memory_space<hbm>>
        %dma_start3A_31 = arith.constant 0 : i32
        %dma_start3A_32 = arith.constant 0 : i32
        %dma_start3A_33 = tpu.memref_slice %arg8[%dma_start3A_31, %dma_start3A_32] : memref<120x128xi32, #tpu.memory_space<vmem>> -> memref<120x128xi32, #tpu.memory_space<vmem>>
        %dma_start3A_34 = arith.constant 0 : i32
        %dma_start3A_35 = tpu.memref_slice %arg4[%mul3A_26, %dma_start3A_34] : memref<2560x128xi32, #tpu.memory_space<hbm>> -> memref<120x128xi32, #tpu.memory_space<hbm>>
        tpu.enqueue_dma source(%dma_start3A_35 : memref<120x128xi32, #tpu.memory_space<hbm>>) target(%dma_start3A_33 : memref<120x128xi32, #tpu.memory_space<vmem>>) target_semaphore(%run_scoped3A : memref<!tpu.dma_semaphore, #tpu.memory_space<semaphore_mem>>)
        %dma_wait3A = arith.constant 0 : i32
        %dma_wait3A_36 = arith.constant 0 : i32
        %dma_wait3A_37 = tpu.memref_slice %arg8[%dma_wait3A, %dma_wait3A_36] : memref<120x128xi32, #tpu.memory_space<vmem>> -> memref<120x128xi32, #tpu.memory_space<vmem>>
        %dma_wait3A_38 = arith.constant 0 : i32
        %dma_wait3A_39 = tpu.memref_slice %arg4[%mul3A_26, %dma_wait3A_38] : memref<2560x128xi32, #tpu.memory_space<hbm>> -> memref<120x128xi32, #tpu.memory_space<hbm>>
        %dma_wait3A_40 = arith.constant 0 : i32
        %dma_wait3A_41 = arith.constant 0 : i32
        %dma_wait3A_42 = tpu.memref_slice %arg8[%dma_wait3A_40, %dma_wait3A_41] : memref<120x128xi32, #tpu.memory_space<vmem>> -> memref<120x128xi32, #tpu.memory_space<vmem>>
        %dma_wait3A_43 = arith.constant 0 : i32
        %dma_wait3A_44 = tpu.memref_slice %arg4[%mul3A_26, %dma_wait3A_43] : memref<2560x128xi32, #tpu.memory_space<hbm>> -> memref<120x128xi32, #tpu.memory_space<hbm>>
        tpu.wait_dma2 semaphore(%run_scoped3A : memref<!tpu.dma_semaphore, #tpu.memory_space<semaphore_mem>>) src(%dma_wait3A_44 : memref<120x128xi32, #tpu.memory_space<hbm>>) dst(%dma_wait3A_42 : memref<120x128xi32, #tpu.memory_space<vmem>>)
        tpu.yield
      }) : () -> ()
    } else {
    }
    %eq3A_3 = arith.constant 1 : i32
    %eq3A_4 = arith.cmpi eq, %arg0, %eq3A_3 : i32
    %convert_element_type3A_5 = arith.extui %eq3A_4 : i1 to i32
    %cond3A_6 = arith.constant 0 : i32
    %cond3A_7 = arith.cmpi ne, %convert_element_type3A_5, %cond3A_6 : i32
    scf.if %cond3A_7 {
      %mul3A_23 = arith.constant 40 : i32
      %mul3A_24 = arith.muli %arg1, %mul3A_23 : i32
      %add3A_25 = arith.constant 1920 : i32
      %add3A_26 = arith.addi %add3A_25, %mul3A_24 : i32
      "tpu.region"() ({
        %run_scoped3A = tpu.sem_alloc : memref<!tpu.dma_semaphore, #tpu.memory_space<semaphore_mem>>
        %dma_start3A = arith.constant 0 : i32
        %dma_start3A_31 = arith.constant 0 : i32
        %dma_start3A_32 = tpu.memref_slice %arg7[%dma_start3A, %dma_start3A_31] : memref<120x128xi32, #tpu.memory_space<vmem>> -> memref<40x128xi32, #tpu.memory_space<vmem>>
        %dma_start3A_33 = arith.constant 0 : i32
        %dma_start3A_34 = tpu.memref_slice %arg3[%add3A_26, %dma_start3A_33] : memref<2560x128xi32, #tpu.memory_space<hbm>> -> memref<40x128xi32, #tpu.memory_space<hbm>>
        %dma_start3A_35 = arith.constant 0 : i32
        %dma_start3A_36 = arith.constant 0 : i32
        %dma_start3A_37 = tpu.memref_slice %arg7[%dma_start3A_35, %dma_start3A_36] : memref<120x128xi32, #tpu.memory_space<vmem>> -> memref<40x128xi32, #tpu.memory_space<vmem>>
        %dma_start3A_38 = arith.constant 0 : i32
        %dma_start3A_39 = tpu.memref_slice %arg3[%add3A_26, %dma_start3A_38] : memref<2560x128xi32, #tpu.memory_space<hbm>> -> memref<40x128xi32, #tpu.memory_space<hbm>>
        tpu.enqueue_dma source(%dma_start3A_39 : memref<40x128xi32, #tpu.memory_space<hbm>>) target(%dma_start3A_37 : memref<40x128xi32, #tpu.memory_space<vmem>>) target_semaphore(%run_scoped3A : memref<!tpu.dma_semaphore, #tpu.memory_space<semaphore_mem>>)
        %dma_wait3A = arith.constant 0 : i32
        %dma_wait3A_40 = arith.constant 0 : i32
        %dma_wait3A_41 = tpu.memref_slice %arg7[%dma_wait3A, %dma_wait3A_40] : memref<120x128xi32, #tpu.memory_space<vmem>> -> memref<40x128xi32, #tpu.memory_space<vmem>>
        %dma_wait3A_42 = arith.constant 0 : i32
        %dma_wait3A_43 = tpu.memref_slice %arg3[%add3A_26, %dma_wait3A_42] : memref<2560x128xi32, #tpu.memory_space<hbm>> -> memref<40x128xi32, #tpu.memory_space<hbm>>
        %dma_wait3A_44 = arith.constant 0 : i32
        %dma_wait3A_45 = arith.constant 0 : i32
        %dma_wait3A_46 = tpu.memref_slice %arg7[%dma_wait3A_44, %dma_wait3A_45] : memref<120x128xi32, #tpu.memory_space<vmem>> -> memref<40x128xi32, #tpu.memory_space<vmem>>
        %dma_wait3A_47 = arith.constant 0 : i32
        %dma_wait3A_48 = tpu.memref_slice %arg3[%add3A_26, %dma_wait3A_47] : memref<2560x128xi32, #tpu.memory_space<hbm>> -> memref<40x128xi32, #tpu.memory_space<hbm>>
        tpu.wait_dma2 semaphore(%run_scoped3A : memref<!tpu.dma_semaphore, #tpu.memory_space<semaphore_mem>>) src(%dma_wait3A_48 : memref<40x128xi32, #tpu.memory_space<hbm>>) dst(%dma_wait3A_46 : memref<40x128xi32, #tpu.memory_space<vmem>>)
        tpu.yield
      }) : () -> ()
      %mul3A_27 = arith.constant 40 : i32
      %mul3A_28 = arith.muli %arg1, %mul3A_27 : i32
      %add3A_29 = arith.constant 1920 : i32
      %add3A_30 = arith.addi %add3A_29, %mul3A_28 : i32
      "tpu.region"() ({
        %run_scoped3A = tpu.sem_alloc : memref<!tpu.dma_semaphore, #tpu.memory_space<semaphore_mem>>
        %dma_start3A = arith.constant 0 : i32
        %dma_start3A_31 = arith.constant 0 : i32
        %dma_start3A_32 = tpu.memref_slice %arg8[%dma_start3A, %dma_start3A_31] : memref<120x128xi32, #tpu.memory_space<vmem>> -> memref<40x128xi32, #tpu.memory_space<vmem>>
        %dma_start3A_33 = arith.constant 0 : i32
        %dma_start3A_34 = tpu.memref_slice %arg4[%add3A_30, %dma_start3A_33] : memref<2560x128xi32, #tpu.memory_space<hbm>> -> memref<40x128xi32, #tpu.memory_space<hbm>>
        %dma_start3A_35 = arith.constant 0 : i32
        %dma_start3A_36 = arith.constant 0 : i32
        %dma_start3A_37 = tpu.memref_slice %arg8[%dma_start3A_35, %dma_start3A_36] : memref<120x128xi32, #tpu.memory_space<vmem>> -> memref<40x128xi32, #tpu.memory_space<vmem>>
        %dma_start3A_38 = arith.constant 0 : i32
        %dma_start3A_39 = tpu.memref_slice %arg4[%add3A_30, %dma_start3A_38] : memref<2560x128xi32, #tpu.memory_space<hbm>> -> memref<40x128xi32, #tpu.memory_space<hbm>>
        tpu.enqueue_dma source(%dma_start3A_39 : memref<40x128xi32, #tpu.memory_space<hbm>>) target(%dma_start3A_37 : memref<40x128xi32, #tpu.memory_space<vmem>>) target_semaphore(%run_scoped3A : memref<!tpu.dma_semaphore, #tpu.memory_space<semaphore_mem>>)
        %dma_wait3A = arith.constant 0 : i32
        %dma_wait3A_40 = arith.constant 0 : i32
        %dma_wait3A_41 = tpu.memref_slice %arg8[%dma_wait3A, %dma_wait3A_40] : memref<120x128xi32, #tpu.memory_space<vmem>> -> memref<40x128xi32, #tpu.memory_space<vmem>>
        %dma_wait3A_42 = arith.constant 0 : i32
        %dma_wait3A_43 = tpu.memref_slice %arg4[%add3A_30, %dma_wait3A_42] : memref<2560x128xi32, #tpu.memory_space<hbm>> -> memref<40x128xi32, #tpu.memory_space<hbm>>
        %dma_wait3A_44 = arith.constant 0 : i32
        %dma_wait3A_45 = arith.constant 0 : i32
        %dma_wait3A_46 = tpu.memref_slice %arg8[%dma_wait3A_44, %dma_wait3A_45] : memref<120x128xi32, #tpu.memory_space<vmem>> -> memref<40x128xi32, #tpu.memory_space<vmem>>
        %dma_wait3A_47 = arith.constant 0 : i32
        %dma_wait3A_48 = tpu.memref_slice %arg4[%add3A_30, %dma_wait3A_47] : memref<2560x128xi32, #tpu.memory_space<hbm>> -> memref<40x128xi32, #tpu.memory_space<hbm>>
        tpu.wait_dma2 semaphore(%run_scoped3A : memref<!tpu.dma_semaphore, #tpu.memory_space<semaphore_mem>>) src(%dma_wait3A_48 : memref<40x128xi32, #tpu.memory_space<hbm>>) dst(%dma_wait3A_46 : memref<40x128xi32, #tpu.memory_space<vmem>>)
        tpu.yield
      }) : () -> ()
    } else {
    }
    %barrier3A = arith.constant 0 : index
    tpu.barrier barrier_id(%barrier3A)
    %eq3A_8 = arith.constant 0 : i32
    %eq3A_9 = arith.cmpi eq, %arg0, %eq3A_8 : i32
    %jit3A = arith.constant 120 : i32
    %jit3A_10 = arith.constant 40 : i32
    %select_n3A = arith.select %eq3A_9, %jit3A, %jit3A_10 : i32
    %while3A = arith.constant 0 : i32
    %while3A_11 = arith.constant 0 : i32
    %while3A_12 = arith.subi %select_n3A, %while3A_11 : i32
    %while3A_13 = arith.addi %while3A_11, %while3A_12 : i32
    %while3A_14 = arith.constant 1 : i32
    %while3A_15 = arith.divsi %while3A_12, %while3A_14 : i32
    %while3A_16 = arith.muli %while3A_15, %while3A_14 : i32
    %while3A_17 = arith.addi %while3A_11, %while3A_16 : i32
    %while3A_18 = arith.constant 1 : i32
    scf.for %while3A_23 = %while3A_11 to %while3A_17 step %while3A_18  : i32 {
      %dma_start3A = arith.constant 0 : i32
      %dma_start3A_24 = tpu.memref_slice %arg7[%while3A_23, %dma_start3A] : memref<120x128xi32, #tpu.memory_space<vmem>> -> memref<1x128xi32, #tpu.memory_space<vmem>>
      %dma_start3A_25 = tpu.memref_squeeze %dma_start3A_24 : memref<1x128xi32, #tpu.memory_space<vmem>> -> memref<128xi32, #tpu.memory_space<vmem>>
      %dma_start3A_26 = arith.constant 0 : i32
      %dma_start3A_27 = arith.constant 0 : i32
      %dma_start3A_28 = tpu.memref_slice %arg2[%dma_start3A_26, %dma_start3A_27] : memref<10240x128xf32, #tpu.memory_space<hbm>> -> memref<10240x128xf32, #tpu.memory_space<hbm>>
      tpu.enqueue_indirect_dma source(%dma_start3A_28 : memref<10240x128xf32, #tpu.memory_space<hbm>>) target(%arg9 : memref<128x128xf32, #tpu.memory_space<vmem>>) offsets(%dma_start3A_25 : memref<128xi32, #tpu.memory_space<vmem>>) semaphore(%arg11 : memref<!tpu.dma_semaphore, #tpu.memory_space<semaphore_mem>>)
      %dma_wait3A = arith.constant 0 : i32
      %dma_wait3A_29 = tpu.memref_slice %arg7[%while3A_23, %dma_wait3A] : memref<120x128xi32, #tpu.memory_space<vmem>> -> memref<1x128xi32, #tpu.memory_space<vmem>>
      %dma_wait3A_30 = tpu.memref_squeeze %dma_wait3A_29 : memref<1x128xi32, #tpu.memory_space<vmem>> -> memref<128xi32, #tpu.memory_space<vmem>>
      %dma_wait3A_31 = arith.constant 0 : i32
      %dma_wait3A_32 = arith.constant 0 : i32
      %dma_wait3A_33 = tpu.memref_slice %arg2[%dma_wait3A_31, %dma_wait3A_32] : memref<10240x128xf32, #tpu.memory_space<hbm>> -> memref<10240x128xf32, #tpu.memory_space<hbm>>
      tpu.wait_indirect_dma semaphore(%arg11 : memref<!tpu.dma_semaphore, #tpu.memory_space<semaphore_mem>>) src(%dma_wait3A_33 : memref<10240x128xf32, #tpu.memory_space<hbm>>) dst(%arg9 : memref<128x128xf32, #tpu.memory_space<vmem>>)
      "tpu.region"() ({
        %run_scoped3A = tpu.sem_alloc : memref<!tpu.dma_semaphore, #tpu.memory_space<semaphore_mem>>
        %dma_start3A_34 = arith.constant 0 : i32
        %dma_start3A_35 = tpu.memref_slice %arg8[%while3A_23, %dma_start3A_34] : memref<120x128xi32, #tpu.memory_space<vmem>> -> memref<1x128xi32, #tpu.memory_space<vmem>>
        %dma_start3A_36 = tpu.memref_squeeze %dma_start3A_35 : memref<1x128xi32, #tpu.memory_space<vmem>> -> memref<128xi32, #tpu.memory_space<vmem>>
        %dma_start3A_37 = arith.constant 0 : i32
        %dma_start3A_38 = arith.constant 0 : i32
        %dma_start3A_39 = tpu.memref_slice %arg10[%dma_start3A_37, %dma_start3A_38] : memref<10240x128xf32, #tpu.memory_space<vmem_shared>> -> memref<10240x128xf32, #tpu.memory_space<vmem_shared>>
        tpu.enqueue_indirect_dma source(%arg9 : memref<128x128xf32, #tpu.memory_space<vmem>>) target(%dma_start3A_39 : memref<10240x128xf32, #tpu.memory_space<vmem_shared>>) offsets(%dma_start3A_36 : memref<128xi32, #tpu.memory_space<vmem>>) semaphore(%run_scoped3A : memref<!tpu.dma_semaphore, #tpu.memory_space<semaphore_mem>>) {add = true}
        %dma_wait3A_40 = arith.constant 0 : i32
        %dma_wait3A_41 = tpu.memref_slice %arg8[%while3A_23, %dma_wait3A_40] : memref<120x128xi32, #tpu.memory_space<vmem>> -> memref<1x128xi32, #tpu.memory_space<vmem>>
        %dma_wait3A_42 = tpu.memref_squeeze %dma_wait3A_41 : memref<1x128xi32, #tpu.memory_space<vmem>> -> memref<128xi32, #tpu.memory_space<vmem>>
        %dma_wait3A_43 = arith.constant 0 : i32
        %dma_wait3A_44 = arith.constant 0 : i32
        %dma_wait3A_45 = tpu.memref_slice %arg10[%dma_wait3A_43, %dma_wait3A_44] : memref<10240x128xf32, #tpu.memory_space<vmem_shared>> -> memref<10240x128xf32, #tpu.memory_space<vmem_shared>>
        tpu.wait_indirect_dma semaphore(%run_scoped3A : memref<!tpu.dma_semaphore, #tpu.memory_space<semaphore_mem>>) src(%arg9 : memref<128x128xf32, #tpu.memory_space<vmem>>) dst(%dma_wait3A_45 : memref<10240x128xf32, #tpu.memory_space<vmem_shared>>)
        tpu.yield
      }) : () -> ()
    }
    %while3A_19 = arith.constant 1 : i32
    scf.for %while3A_23 = %while3A_17 to %while3A_13 step %while3A_19  : i32 {
      %dma_start3A = arith.constant 0 : i32
      %dma_start3A_24 = tpu.memref_slice %arg7[%while3A_23, %dma_start3A] : memref<120x128xi32, #tpu.memory_space<vmem>> -> memref<1x128xi32, #tpu.memory_space<vmem>>
      %dma_start3A_25 = tpu.memref_squeeze %dma_start3A_24 : memref<1x128xi32, #tpu.memory_space<vmem>> -> memref<128xi32, #tpu.memory_space<vmem>>
      %dma_start3A_26 = arith.constant 0 : i32
      %dma_start3A_27 = arith.constant 0 : i32
      %dma_start3A_28 = tpu.memref_slice %arg2[%dma_start3A_26, %dma_start3A_27] : memref<10240x128xf32, #tpu.memory_space<hbm>> -> memref<10240x128xf32, #tpu.memory_space<hbm>>
      tpu.enqueue_indirect_dma source(%dma_start3A_28 : memref<10240x128xf32, #tpu.memory_space<hbm>>) target(%arg9 : memref<128x128xf32, #tpu.memory_space<vmem>>) offsets(%dma_start3A_25 : memref<128xi32, #tpu.memory_space<vmem>>) semaphore(%arg11 : memref<!tpu.dma_semaphore, #tpu.memory_space<semaphore_mem>>)
      %dma_wait3A = arith.constant 0 : i32
      %dma_wait3A_29 = tpu.memref_slice %arg7[%while3A_23, %dma_wait3A] : memref<120x128xi32, #tpu.memory_space<vmem>> -> memref<1x128xi32, #tpu.memory_space<vmem>>
      %dma_wait3A_30 = tpu.memref_squeeze %dma_wait3A_29 : memref<1x128xi32, #tpu.memory_space<vmem>> -> memref<128xi32, #tpu.memory_space<vmem>>
      %dma_wait3A_31 = arith.constant 0 : i32
      %dma_wait3A_32 = arith.constant 0 : i32
      %dma_wait3A_33 = tpu.memref_slice %arg2[%dma_wait3A_31, %dma_wait3A_32] : memref<10240x128xf32, #tpu.memory_space<hbm>> -> memref<10240x128xf32, #tpu.memory_space<hbm>>
      tpu.wait_indirect_dma semaphore(%arg11 : memref<!tpu.dma_semaphore, #tpu.memory_space<semaphore_mem>>) src(%dma_wait3A_33 : memref<10240x128xf32, #tpu.memory_space<hbm>>) dst(%arg9 : memref<128x128xf32, #tpu.memory_space<vmem>>)
      "tpu.region"() ({
        %run_scoped3A = tpu.sem_alloc : memref<!tpu.dma_semaphore, #tpu.memory_space<semaphore_mem>>
        %dma_start3A_34 = arith.constant 0 : i32
        %dma_start3A_35 = tpu.memref_slice %arg8[%while3A_23, %dma_start3A_34] : memref<120x128xi32, #tpu.memory_space<vmem>> -> memref<1x128xi32, #tpu.memory_space<vmem>>
        %dma_start3A_36 = tpu.memref_squeeze %dma_start3A_35 : memref<1x128xi32, #tpu.memory_space<vmem>> -> memref<128xi32, #tpu.memory_space<vmem>>
        %dma_start3A_37 = arith.constant 0 : i32
        %dma_start3A_38 = arith.constant 0 : i32
        %dma_start3A_39 = tpu.memref_slice %arg10[%dma_start3A_37, %dma_start3A_38] : memref<10240x128xf32, #tpu.memory_space<vmem_shared>> -> memref<10240x128xf32, #tpu.memory_space<vmem_shared>>
        tpu.enqueue_indirect_dma source(%arg9 : memref<128x128xf32, #tpu.memory_space<vmem>>) target(%dma_start3A_39 : memref<10240x128xf32, #tpu.memory_space<vmem_shared>>) offsets(%dma_start3A_36 : memref<128xi32, #tpu.memory_space<vmem>>) semaphore(%run_scoped3A : memref<!tpu.dma_semaphore, #tpu.memory_space<semaphore_mem>>) {add = true}
        %dma_wait3A_40 = arith.constant 0 : i32
        %dma_wait3A_41 = tpu.memref_slice %arg8[%while3A_23, %dma_wait3A_40] : memref<120x128xi32, #tpu.memory_space<vmem>> -> memref<1x128xi32, #tpu.memory_space<vmem>>
        %dma_wait3A_42 = tpu.memref_squeeze %dma_wait3A_41 : memref<1x128xi32, #tpu.memory_space<vmem>> -> memref<128xi32, #tpu.memory_space<vmem>>
        %dma_wait3A_43 = arith.constant 0 : i32
        %dma_wait3A_44 = arith.constant 0 : i32
        %dma_wait3A_45 = tpu.memref_slice %arg10[%dma_wait3A_43, %dma_wait3A_44] : memref<10240x128xf32, #tpu.memory_space<vmem_shared>> -> memref<10240x128xf32, #tpu.memory_space<vmem_shared>>
        tpu.wait_indirect_dma semaphore(%run_scoped3A : memref<!tpu.dma_semaphore, #tpu.memory_space<semaphore_mem>>) src(%arg9 : memref<128x128xf32, #tpu.memory_space<vmem>>) dst(%dma_wait3A_45 : memref<10240x128xf32, #tpu.memory_space<vmem_shared>>)
        tpu.yield
      }) : () -> ()
    }
    %barrier3A_20 = arith.constant 0 : index
    tpu.barrier barrier_id(%barrier3A_20)
    %mul3A_21 = arith.constant 10240 : i32
    %mul3A_22 = arith.muli %arg0, %mul3A_21 : i32
    %add3A = arith.addi %mul3A_22, %mul3A_0 : i32
    "tpu.region"() ({
      %run_scoped3A = tpu.sem_alloc : memref<!tpu.dma_semaphore, #tpu.memory_space<semaphore_mem>>
      %dma_start3A = arith.constant 0 : i32
      %dma_start3A_23 = tpu.memref_slice %arg6[%add3A, %dma_start3A] : memref<20480x128xf32, #tpu.memory_space<hbm>> -> memref<640x128xf32, #tpu.memory_space<hbm>>
      %dma_start3A_24 = arith.constant 0 : i32
      %dma_start3A_25 = tpu.memref_slice %arg10[%mul3A_0, %dma_start3A_24] : memref<10240x128xf32, #tpu.memory_space<vmem_shared>> -> memref<640x128xf32, #tpu.memory_space<vmem_shared>>
      tpu.enqueue_dma source(%dma_start3A_25 : memref<640x128xf32, #tpu.memory_space<vmem_shared>>) target(%dma_start3A_23 : memref<640x128xf32, #tpu.memory_space<hbm>>) target_semaphore(%run_scoped3A : memref<!tpu.dma_semaphore, #tpu.memory_space<semaphore_mem>>)
      %dma_wait3A = arith.constant 0 : i32
      %dma_wait3A_26 = tpu.memref_slice %arg6[%add3A, %dma_wait3A] : memref<20480x128xf32, #tpu.memory_space<hbm>> -> memref<640x128xf32, #tpu.memory_space<hbm>>
      %dma_wait3A_27 = arith.constant 0 : i32
      %dma_wait3A_28 = tpu.memref_slice %arg10[%mul3A_0, %dma_wait3A_27] : memref<10240x128xf32, #tpu.memory_space<vmem_shared>> -> memref<640x128xf32, #tpu.memory_space<vmem_shared>>
      tpu.wait_dma2 semaphore(%run_scoped3A : memref<!tpu.dma_semaphore, #tpu.memory_space<semaphore_mem>>) src(%dma_wait3A_28 : memref<640x128xf32, #tpu.memory_space<vmem_shared>>) dst(%dma_wait3A_26 : memref<640x128xf32, #tpu.memory_space<hbm>>)
      tpu.yield
    }) : () -> ()
    return
  }
}

#map = affine_map<(d0, d1) -> (0, 0)>
#map1 = affine_map<(d0, d1) -> (0, 0, 0)>
module attributes {stable_mosaic.version = 14 : i64} {
  func.func @_flow_gather_body(%arg0: i32, %arg1: i32, %arg2: memref<10240x128xf32, #tpu.memory_space<hbm>>, %arg3: memref<16x80x128xi32, #tpu.memory_space<hbm>>, %arg4: memref<16x20x128xi32, #tpu.memory_space<hbm>>, %arg5: memref<204800x128xf32, #tpu.memory_space<hbm>>, %arg6: memref<80x128xi32, #tpu.memory_space<vmem>>, %arg7: memref<128x128xf32, #tpu.memory_space<vmem>>, %arg8: memref<!tpu.dma_semaphore, #tpu.memory_space<semaphore_mem>>) attributes {dimension_semantics = [#tpu.dimension_semantics<core_parallel>, #tpu.dimension_semantics<subcore_parallel>], iteration_bounds = array<i64: 2, 16>, scalar_prefetch = 0 : i64, scratch_operands = 3 : i64, tpu.core_type = #tpu.core_type<sc_vector_subcore>, window_params = [{transform_indices = #map}, {transform_indices = #map1}, {transform_indices = #map1}, {transform_indices = #map}]} {
    %eq3A = arith.constant 0 : i32
    %eq3A_0 = arith.cmpi eq, %arg0, %eq3A : i32
    %convert_element_type3A = arith.extui %eq3A_0 : i1 to i32
    %cond3A = arith.constant 0 : i32
    %cond3A_1 = arith.cmpi ne, %convert_element_type3A, %cond3A : i32
    scf.if %cond3A_1 {
      "tpu.region"() ({
        %run_scoped3A = tpu.sem_alloc : memref<!tpu.dma_semaphore, #tpu.memory_space<semaphore_mem>>
        %dma_start3A = arith.constant 0 : i32
        %dma_start3A_28 = arith.constant 0 : i32
        %dma_start3A_29 = tpu.memref_slice %arg6[%dma_start3A, %dma_start3A_28] : memref<80x128xi32, #tpu.memory_space<vmem>> -> memref<80x128xi32, #tpu.memory_space<vmem>>
        %dma_start3A_30 = arith.constant 0 : i32
        %dma_start3A_31 = arith.constant 0 : i32
        %dma_start3A_32 = tpu.memref_slice %arg3[%arg1, %dma_start3A_30, %dma_start3A_31] : memref<16x80x128xi32, #tpu.memory_space<hbm>> -> memref<1x80x128xi32, #tpu.memory_space<hbm>>
        %dma_start3A_33 = tpu.memref_squeeze %dma_start3A_32 : memref<1x80x128xi32, #tpu.memory_space<hbm>> -> memref<80x128xi32, #tpu.memory_space<hbm>>
        %dma_start3A_34 = arith.constant 0 : i32
        %dma_start3A_35 = arith.constant 0 : i32
        %dma_start3A_36 = tpu.memref_slice %arg6[%dma_start3A_34, %dma_start3A_35] : memref<80x128xi32, #tpu.memory_space<vmem>> -> memref<80x128xi32, #tpu.memory_space<vmem>>
        %dma_start3A_37 = arith.constant 0 : i32
        %dma_start3A_38 = arith.constant 0 : i32
        %dma_start3A_39 = tpu.memref_slice %arg3[%arg1, %dma_start3A_37, %dma_start3A_38] : memref<16x80x128xi32, #tpu.memory_space<hbm>> -> memref<1x80x128xi32, #tpu.memory_space<hbm>>
        %dma_start3A_40 = tpu.memref_squeeze %dma_start3A_39 : memref<1x80x128xi32, #tpu.memory_space<hbm>> -> memref<80x128xi32, #tpu.memory_space<hbm>>
        tpu.enqueue_dma source(%dma_start3A_40 : memref<80x128xi32, #tpu.memory_space<hbm>>) target(%dma_start3A_36 : memref<80x128xi32, #tpu.memory_space<vmem>>) target_semaphore(%run_scoped3A : memref<!tpu.dma_semaphore, #tpu.memory_space<semaphore_mem>>)
        %dma_wait3A = arith.constant 0 : i32
        %dma_wait3A_41 = arith.constant 0 : i32
        %dma_wait3A_42 = tpu.memref_slice %arg6[%dma_wait3A, %dma_wait3A_41] : memref<80x128xi32, #tpu.memory_space<vmem>> -> memref<80x128xi32, #tpu.memory_space<vmem>>
        %dma_wait3A_43 = arith.constant 0 : i32
        %dma_wait3A_44 = arith.constant 0 : i32
        %dma_wait3A_45 = tpu.memref_slice %arg3[%arg1, %dma_wait3A_43, %dma_wait3A_44] : memref<16x80x128xi32, #tpu.memory_space<hbm>> -> memref<1x80x128xi32, #tpu.memory_space<hbm>>
        %dma_wait3A_46 = tpu.memref_squeeze %dma_wait3A_45 : memref<1x80x128xi32, #tpu.memory_space<hbm>> -> memref<80x128xi32, #tpu.memory_space<hbm>>
        %dma_wait3A_47 = arith.constant 0 : i32
        %dma_wait3A_48 = arith.constant 0 : i32
        %dma_wait3A_49 = tpu.memref_slice %arg6[%dma_wait3A_47, %dma_wait3A_48] : memref<80x128xi32, #tpu.memory_space<vmem>> -> memref<80x128xi32, #tpu.memory_space<vmem>>
        %dma_wait3A_50 = arith.constant 0 : i32
        %dma_wait3A_51 = arith.constant 0 : i32
        %dma_wait3A_52 = tpu.memref_slice %arg3[%arg1, %dma_wait3A_50, %dma_wait3A_51] : memref<16x80x128xi32, #tpu.memory_space<hbm>> -> memref<1x80x128xi32, #tpu.memory_space<hbm>>
        %dma_wait3A_53 = tpu.memref_squeeze %dma_wait3A_52 : memref<1x80x128xi32, #tpu.memory_space<hbm>> -> memref<80x128xi32, #tpu.memory_space<hbm>>
        tpu.wait_dma2 semaphore(%run_scoped3A : memref<!tpu.dma_semaphore, #tpu.memory_space<semaphore_mem>>) src(%dma_wait3A_53 : memref<80x128xi32, #tpu.memory_space<hbm>>) dst(%dma_wait3A_49 : memref<80x128xi32, #tpu.memory_space<vmem>>)
        tpu.yield
      }) : () -> ()
    } else {
    }
    %eq3A_2 = arith.constant 1 : i32
    %eq3A_3 = arith.cmpi eq, %arg0, %eq3A_2 : i32
    %convert_element_type3A_4 = arith.extui %eq3A_3 : i1 to i32
    %cond3A_5 = arith.constant 0 : i32
    %cond3A_6 = arith.cmpi ne, %convert_element_type3A_4, %cond3A_5 : i32
    scf.if %cond3A_6 {
      "tpu.region"() ({
        %run_scoped3A = tpu.sem_alloc : memref<!tpu.dma_semaphore, #tpu.memory_space<semaphore_mem>>
        %dma_start3A = arith.constant 0 : i32
        %dma_start3A_28 = arith.constant 0 : i32
        %dma_start3A_29 = tpu.memref_slice %arg6[%dma_start3A, %dma_start3A_28] : memref<80x128xi32, #tpu.memory_space<vmem>> -> memref<20x128xi32, #tpu.memory_space<vmem>>
        %dma_start3A_30 = arith.constant 0 : i32
        %dma_start3A_31 = arith.constant 0 : i32
        %dma_start3A_32 = tpu.memref_slice %arg4[%arg1, %dma_start3A_30, %dma_start3A_31] : memref<16x20x128xi32, #tpu.memory_space<hbm>> -> memref<1x20x128xi32, #tpu.memory_space<hbm>>
        %dma_start3A_33 = tpu.memref_squeeze %dma_start3A_32 : memref<1x20x128xi32, #tpu.memory_space<hbm>> -> memref<20x128xi32, #tpu.memory_space<hbm>>
        %dma_start3A_34 = arith.constant 0 : i32
        %dma_start3A_35 = arith.constant 0 : i32
        %dma_start3A_36 = tpu.memref_slice %arg6[%dma_start3A_34, %dma_start3A_35] : memref<80x128xi32, #tpu.memory_space<vmem>> -> memref<20x128xi32, #tpu.memory_space<vmem>>
        %dma_start3A_37 = arith.constant 0 : i32
        %dma_start3A_38 = arith.constant 0 : i32
        %dma_start3A_39 = tpu.memref_slice %arg4[%arg1, %dma_start3A_37, %dma_start3A_38] : memref<16x20x128xi32, #tpu.memory_space<hbm>> -> memref<1x20x128xi32, #tpu.memory_space<hbm>>
        %dma_start3A_40 = tpu.memref_squeeze %dma_start3A_39 : memref<1x20x128xi32, #tpu.memory_space<hbm>> -> memref<20x128xi32, #tpu.memory_space<hbm>>
        tpu.enqueue_dma source(%dma_start3A_40 : memref<20x128xi32, #tpu.memory_space<hbm>>) target(%dma_start3A_36 : memref<20x128xi32, #tpu.memory_space<vmem>>) target_semaphore(%run_scoped3A : memref<!tpu.dma_semaphore, #tpu.memory_space<semaphore_mem>>)
        %dma_wait3A = arith.constant 0 : i32
        %dma_wait3A_41 = arith.constant 0 : i32
        %dma_wait3A_42 = tpu.memref_slice %arg6[%dma_wait3A, %dma_wait3A_41] : memref<80x128xi32, #tpu.memory_space<vmem>> -> memref<20x128xi32, #tpu.memory_space<vmem>>
        %dma_wait3A_43 = arith.constant 0 : i32
        %dma_wait3A_44 = arith.constant 0 : i32
        %dma_wait3A_45 = tpu.memref_slice %arg4[%arg1, %dma_wait3A_43, %dma_wait3A_44] : memref<16x20x128xi32, #tpu.memory_space<hbm>> -> memref<1x20x128xi32, #tpu.memory_space<hbm>>
        %dma_wait3A_46 = tpu.memref_squeeze %dma_wait3A_45 : memref<1x20x128xi32, #tpu.memory_space<hbm>> -> memref<20x128xi32, #tpu.memory_space<hbm>>
        %dma_wait3A_47 = arith.constant 0 : i32
        %dma_wait3A_48 = arith.constant 0 : i32
        %dma_wait3A_49 = tpu.memref_slice %arg6[%dma_wait3A_47, %dma_wait3A_48] : memref<80x128xi32, #tpu.memory_space<vmem>> -> memref<20x128xi32, #tpu.memory_space<vmem>>
        %dma_wait3A_50 = arith.constant 0 : i32
        %dma_wait3A_51 = arith.constant 0 : i32
        %dma_wait3A_52 = tpu.memref_slice %arg4[%arg1, %dma_wait3A_50, %dma_wait3A_51] : memref<16x20x128xi32, #tpu.memory_space<hbm>> -> memref<1x20x128xi32, #tpu.memory_space<hbm>>
        %dma_wait3A_53 = tpu.memref_squeeze %dma_wait3A_52 : memref<1x20x128xi32, #tpu.memory_space<hbm>> -> memref<20x128xi32, #tpu.memory_space<hbm>>
        tpu.wait_dma2 semaphore(%run_scoped3A : memref<!tpu.dma_semaphore, #tpu.memory_space<semaphore_mem>>) src(%dma_wait3A_53 : memref<20x128xi32, #tpu.memory_space<hbm>>) dst(%dma_wait3A_49 : memref<20x128xi32, #tpu.memory_space<vmem>>)
        tpu.yield
      }) : () -> ()
    } else {
    }
    %eq3A_7 = arith.constant 0 : i32
    %eq3A_8 = arith.cmpi eq, %arg0, %eq3A_7 : i32
    %jit3A = arith.constant 80 : i32
    %jit3A_9 = arith.constant 20 : i32
    %select_n3A = arith.select %eq3A_8, %jit3A, %jit3A_9 : i32
    %eq3A_10 = arith.constant 0 : i32
    %eq3A_11 = arith.cmpi eq, %arg0, %eq3A_10 : i32
    %mul3A = arith.constant 80 : i32
    %mul3A_12 = arith.muli %arg1, %mul3A : i32
    %mul3A_13 = arith.constant 20 : i32
    %mul3A_14 = arith.muli %arg1, %mul3A_13 : i32
    %add3A = arith.constant 1280 : i32
    %add3A_15 = arith.addi %add3A, %mul3A_14 : i32
    %select_n3A_16 = arith.select %eq3A_11, %mul3A_12, %add3A_15 : i32
    %mul3A_17 = arith.constant 128 : i32
    %mul3A_18 = arith.muli %select_n3A_16, %mul3A_17 : i32
    %while3A = arith.constant 0 : i32
    %while3A_19 = arith.constant 0 : i32
    %while3A_20 = arith.subi %select_n3A, %while3A_19 : i32
    %while3A_21 = arith.addi %while3A_19, %while3A_20 : i32
    %while3A_22 = arith.constant 1 : i32
    %while3A_23 = arith.divsi %while3A_20, %while3A_22 : i32
    %while3A_24 = arith.muli %while3A_23, %while3A_22 : i32
    %while3A_25 = arith.addi %while3A_19, %while3A_24 : i32
    %while3A_26 = arith.constant 1 : i32
    scf.for %while3A_28 = %while3A_19 to %while3A_25 step %while3A_26  : i32 {
      %dma_start3A = arith.constant 0 : i32
      %dma_start3A_29 = tpu.memref_slice %arg6[%while3A_28, %dma_start3A] : memref<80x128xi32, #tpu.memory_space<vmem>> -> memref<1x128xi32, #tpu.memory_space<vmem>>
      %dma_start3A_30 = tpu.memref_squeeze %dma_start3A_29 : memref<1x128xi32, #tpu.memory_space<vmem>> -> memref<128xi32, #tpu.memory_space<vmem>>
      %dma_start3A_31 = arith.constant 0 : i32
      %dma_start3A_32 = arith.constant 0 : i32
      %dma_start3A_33 = tpu.memref_slice %arg2[%dma_start3A_31, %dma_start3A_32] : memref<10240x128xf32, #tpu.memory_space<hbm>> -> memref<10240x128xf32, #tpu.memory_space<hbm>>
      tpu.enqueue_indirect_dma source(%dma_start3A_33 : memref<10240x128xf32, #tpu.memory_space<hbm>>) target(%arg7 : memref<128x128xf32, #tpu.memory_space<vmem>>) offsets(%dma_start3A_30 : memref<128xi32, #tpu.memory_space<vmem>>) semaphore(%arg8 : memref<!tpu.dma_semaphore, #tpu.memory_space<semaphore_mem>>)
      %dma_wait3A = arith.constant 0 : i32
      %dma_wait3A_34 = tpu.memref_slice %arg6[%while3A_28, %dma_wait3A] : memref<80x128xi32, #tpu.memory_space<vmem>> -> memref<1x128xi32, #tpu.memory_space<vmem>>
      %dma_wait3A_35 = tpu.memref_squeeze %dma_wait3A_34 : memref<1x128xi32, #tpu.memory_space<vmem>> -> memref<128xi32, #tpu.memory_space<vmem>>
      %dma_wait3A_36 = arith.constant 0 : i32
      %dma_wait3A_37 = arith.constant 0 : i32
      %dma_wait3A_38 = tpu.memref_slice %arg2[%dma_wait3A_36, %dma_wait3A_37] : memref<10240x128xf32, #tpu.memory_space<hbm>> -> memref<10240x128xf32, #tpu.memory_space<hbm>>
      tpu.wait_indirect_dma semaphore(%arg8 : memref<!tpu.dma_semaphore, #tpu.memory_space<semaphore_mem>>) src(%dma_wait3A_38 : memref<10240x128xf32, #tpu.memory_space<hbm>>) dst(%arg7 : memref<128x128xf32, #tpu.memory_space<vmem>>)
      %mul3A_39 = arith.constant 128 : i32
      %mul3A_40 = arith.muli %while3A_28, %mul3A_39 : i32
      %add3A_41 = arith.addi %mul3A_18, %mul3A_40 : i32
      "tpu.region"() ({
        %run_scoped3A = tpu.sem_alloc : memref<!tpu.dma_semaphore, #tpu.memory_space<semaphore_mem>>
        %dma_start3A_42 = arith.constant 0 : i32
        %dma_start3A_43 = tpu.memref_slice %arg5[%add3A_41, %dma_start3A_42] : memref<204800x128xf32, #tpu.memory_space<hbm>> -> memref<128x128xf32, #tpu.memory_space<hbm>>
        %dma_start3A_44 = arith.constant 0 : i32
        %dma_start3A_45 = tpu.memref_slice %arg5[%add3A_41, %dma_start3A_44] : memref<204800x128xf32, #tpu.memory_space<hbm>> -> memref<128x128xf32, #tpu.memory_space<hbm>>
        tpu.enqueue_dma source(%arg7 : memref<128x128xf32, #tpu.memory_space<vmem>>) target(%dma_start3A_45 : memref<128x128xf32, #tpu.memory_space<hbm>>) target_semaphore(%run_scoped3A : memref<!tpu.dma_semaphore, #tpu.memory_space<semaphore_mem>>)
        %dma_wait3A_46 = arith.constant 0 : i32
        %dma_wait3A_47 = tpu.memref_slice %arg5[%add3A_41, %dma_wait3A_46] : memref<204800x128xf32, #tpu.memory_space<hbm>> -> memref<128x128xf32, #tpu.memory_space<hbm>>
        %dma_wait3A_48 = arith.constant 0 : i32
        %dma_wait3A_49 = tpu.memref_slice %arg5[%add3A_41, %dma_wait3A_48] : memref<204800x128xf32, #tpu.memory_space<hbm>> -> memref<128x128xf32, #tpu.memory_space<hbm>>
        tpu.wait_dma2 semaphore(%run_scoped3A : memref<!tpu.dma_semaphore, #tpu.memory_space<semaphore_mem>>) src(%arg7 : memref<128x128xf32, #tpu.memory_space<vmem>>) dst(%dma_wait3A_49 : memref<128x128xf32, #tpu.memory_space<hbm>>)
        tpu.yield
      }) : () -> ()
    }
    %while3A_27 = arith.constant 1 : i32
    scf.for %while3A_28 = %while3A_25 to %while3A_21 step %while3A_27  : i32 {
      %dma_start3A = arith.constant 0 : i32
      %dma_start3A_29 = tpu.memref_slice %arg6[%while3A_28, %dma_start3A] : memref<80x128xi32, #tpu.memory_space<vmem>> -> memref<1x128xi32, #tpu.memory_space<vmem>>
      %dma_start3A_30 = tpu.memref_squeeze %dma_start3A_29 : memref<1x128xi32, #tpu.memory_space<vmem>> -> memref<128xi32, #tpu.memory_space<vmem>>
      %dma_start3A_31 = arith.constant 0 : i32
      %dma_start3A_32 = arith.constant 0 : i32
      %dma_start3A_33 = tpu.memref_slice %arg2[%dma_start3A_31, %dma_start3A_32] : memref<10240x128xf32, #tpu.memory_space<hbm>> -> memref<10240x128xf32, #tpu.memory_space<hbm>>
      tpu.enqueue_indirect_dma source(%dma_start3A_33 : memref<10240x128xf32, #tpu.memory_space<hbm>>) target(%arg7 : memref<128x128xf32, #tpu.memory_space<vmem>>) offsets(%dma_start3A_30 : memref<128xi32, #tpu.memory_space<vmem>>) semaphore(%arg8 : memref<!tpu.dma_semaphore, #tpu.memory_space<semaphore_mem>>)
      %dma_wait3A = arith.constant 0 : i32
      %dma_wait3A_34 = tpu.memref_slice %arg6[%while3A_28, %dma_wait3A] : memref<80x128xi32, #tpu.memory_space<vmem>> -> memref<1x128xi32, #tpu.memory_space<vmem>>
      %dma_wait3A_35 = tpu.memref_squeeze %dma_wait3A_34 : memref<1x128xi32, #tpu.memory_space<vmem>> -> memref<128xi32, #tpu.memory_space<vmem>>
      %dma_wait3A_36 = arith.constant 0 : i32
      %dma_wait3A_37 = arith.constant 0 : i32
      %dma_wait3A_38 = tpu.memref_slice %arg2[%dma_wait3A_36, %dma_wait3A_37] : memref<10240x128xf32, #tpu.memory_space<hbm>> -> memref<10240x128xf32, #tpu.memory_space<hbm>>
      tpu.wait_indirect_dma semaphore(%arg8 : memref<!tpu.dma_semaphore, #tpu.memory_space<semaphore_mem>>) src(%dma_wait3A_38 : memref<10240x128xf32, #tpu.memory_space<hbm>>) dst(%arg7 : memref<128x128xf32, #tpu.memory_space<vmem>>)
      %mul3A_39 = arith.constant 128 : i32
      %mul3A_40 = arith.muli %while3A_28, %mul3A_39 : i32
      %add3A_41 = arith.addi %mul3A_18, %mul3A_40 : i32
      "tpu.region"() ({
        %run_scoped3A = tpu.sem_alloc : memref<!tpu.dma_semaphore, #tpu.memory_space<semaphore_mem>>
        %dma_start3A_42 = arith.constant 0 : i32
        %dma_start3A_43 = tpu.memref_slice %arg5[%add3A_41, %dma_start3A_42] : memref<204800x128xf32, #tpu.memory_space<hbm>> -> memref<128x128xf32, #tpu.memory_space<hbm>>
        %dma_start3A_44 = arith.constant 0 : i32
        %dma_start3A_45 = tpu.memref_slice %arg5[%add3A_41, %dma_start3A_44] : memref<204800x128xf32, #tpu.memory_space<hbm>> -> memref<128x128xf32, #tpu.memory_space<hbm>>
        tpu.enqueue_dma source(%arg7 : memref<128x128xf32, #tpu.memory_space<vmem>>) target(%dma_start3A_45 : memref<128x128xf32, #tpu.memory_space<hbm>>) target_semaphore(%run_scoped3A : memref<!tpu.dma_semaphore, #tpu.memory_space<semaphore_mem>>)
        %dma_wait3A_46 = arith.constant 0 : i32
        %dma_wait3A_47 = tpu.memref_slice %arg5[%add3A_41, %dma_wait3A_46] : memref<204800x128xf32, #tpu.memory_space<hbm>> -> memref<128x128xf32, #tpu.memory_space<hbm>>
        %dma_wait3A_48 = arith.constant 0 : i32
        %dma_wait3A_49 = tpu.memref_slice %arg5[%add3A_41, %dma_wait3A_48] : memref<204800x128xf32, #tpu.memory_space<hbm>> -> memref<128x128xf32, #tpu.memory_space<hbm>>
        tpu.wait_dma2 semaphore(%run_scoped3A : memref<!tpu.dma_semaphore, #tpu.memory_space<semaphore_mem>>) src(%arg7 : memref<128x128xf32, #tpu.memory_space<vmem>>) dst(%dma_wait3A_49 : memref<128x128xf32, #tpu.memory_space<hbm>>)
        tpu.yield
      }) : () -> ()
    }
    return
  }
}

module attributes {stable_mosaic.version = 14 : i64} {
  func.func @_enc_body(%arg0: i32, %arg1: memref<512x128xf32, #tpu.memory_space<vmem>>, %arg2: memref<2x512x128xf32, #tpu.memory_space<vmem>>, %arg3: memref<128x64xf32, #tpu.memory_space<vmem>>, %arg4: memref<1x64xf32, #tpu.memory_space<vmem>>, %arg5: memref<64x64xf32, #tpu.memory_space<vmem>>, %arg6: memref<512x128xf32, #tpu.memory_space<vmem>>, %arg7: memref<512x8xf32, #tpu.memory_space<vmem>>) attributes {dimension_semantics = [#tpu.dimension_semantics<arbitrary>], iteration_bounds = array<i64: 20>, scalar_prefetch = 0 : i64, scratch_operands = 0 : i64, tpu.core_type = #tpu.core_type<tc>, window_params = [{transform_indices = @transform_0, window_bounds = array<i64: 512, 128>}, {transform_indices = @transform_1, window_bounds = array<i64: 2, 512, 128>}, {pipeline_mode = #tpu.pipeline_mode<synchronous>, transform_indices = @transform_2, window_bounds = array<i64: 128, 64>}, {pipeline_mode = #tpu.pipeline_mode<synchronous>, transform_indices = @transform_3, window_bounds = array<i64: 1, 64>}, {pipeline_mode = #tpu.pipeline_mode<synchronous>, transform_indices = @transform_4, window_bounds = array<i64: 64, 64>}, {transform_indices = @transform_5, window_bounds = array<i64: 512, 128>}, {transform_indices = @transform_6, window_bounds = array<i64: 512, 8>}]} {
    %get3A = arith.constant 0 : index
    %get3A_0 = arith.constant 0 : index
    %get3A_1 = arith.constant 0 : index
    %get3A_2 = vector.load %arg2[%get3A, %get3A_0, %get3A_1] : memref<2x512x128xf32, #tpu.memory_space<vmem>>, vector<1x512x128xf32>
    %get3A_3 = vector.shape_cast %get3A_2 : vector<1x512x128xf32> to vector<512x128xf32>
    %slice3A = vector.extract_strided_slice %get3A_3 {offsets = [0, 0], sizes = [512, 1], strides = [1, 1]} : vector<512x128xf32> to vector<512x1xf32>
    %get3A_4 = arith.constant 1 : index
    %get3A_5 = arith.constant 0 : index
    %get3A_6 = arith.constant 0 : index
    %get3A_7 = vector.load %arg2[%get3A_4, %get3A_5, %get3A_6] : memref<2x512x128xf32, #tpu.memory_space<vmem>>, vector<1x512x128xf32>
    %get3A_8 = vector.shape_cast %get3A_7 : vector<1x512x128xf32> to vector<512x128xf32>
    %slice3A_9 = vector.extract_strided_slice %get3A_8 {offsets = [0, 0], sizes = [512, 1], strides = [1, 1]} : vector<512x128xf32> to vector<512x1xf32>
    %add3A = arith.addf %slice3A, %slice3A_9 : vector<512x1xf32>
    %add3A_10 = arith.constant 1.000000e+00 : f32
    %add3A_11 = vector.broadcast %add3A_10 : f32 to vector<512x1xf32>
    %add3A_12 = arith.addf %add3A, %add3A_11 : vector<512x1xf32>
    %rsqrt3A = math.rsqrt %add3A_12 : vector<512x1xf32>
    %get3A_13 = arith.constant 0 : index
    %get3A_14 = arith.constant 0 : index
    %get3A_15 = vector.load %arg1[%get3A_13, %get3A_14] : memref<512x128xf32, #tpu.memory_space<vmem>>, vector<512x128xf32>
    %get3A_16 = arith.constant 0 : index
    %get3A_17 = arith.constant 0 : index
    %get3A_18 = vector.load %arg3[%get3A_16, %get3A_17] : memref<128x64xf32, #tpu.memory_space<vmem>>, vector<128x64xf32>
    %dot_general3A = arith.constant dense<0.000000e+00> : vector<512x64xf32>
    %dot_general3A_19 = tpu.matmul %get3A_15, %get3A_18, %dot_general3A {dimension_numbers = #tpu.dot_dimension_numbers<[1], [0], [0], [1], [0, 0, 1, 1], [], []>, transpose_lhs_hint = false} : vector<512x128xf32>, vector<128x64xf32>, vector<512x64xf32> -> vector<512x64xf32>
    %get3A_20 = arith.constant 0 : index
    %get3A_21 = arith.constant 0 : index
    %get3A_22 = vector.load %arg4[%get3A_20, %get3A_21] : memref<1x64xf32, #tpu.memory_space<vmem>>, vector<1x64xf32>
    %add3A_23 = vector.broadcast %get3A_22 : vector<1x64xf32> to vector<512x64xf32>
    %add3A_24 = arith.addf %dot_general3A_19, %add3A_23 : vector<512x64xf32>
    %max3A = arith.constant 0.000000e+00 : f32
    %max3A_25 = vector.broadcast %max3A : f32 to vector<512x64xf32>
    %max3A_26 = arith.maximumf %add3A_24, %max3A_25 : vector<512x64xf32>
    %get3A_27 = arith.constant 0 : index
    %get3A_28 = arith.constant 0 : index
    %get3A_29 = vector.load %arg5[%get3A_27, %get3A_28] : memref<64x64xf32, #tpu.memory_space<vmem>>, vector<64x64xf32>
    %dot_general3A_30 = arith.constant dense<0.000000e+00> : vector<512x64xf32>
    %dot_general3A_31 = tpu.matmul %max3A_26, %get3A_29, %dot_general3A_30 {dimension_numbers = #tpu.dot_dimension_numbers<[1], [0], [0], [1], [0, 0, 1, 1], [], []>, transpose_lhs_hint = false} : vector<512x64xf32>, vector<64x64xf32>, vector<512x64xf32> -> vector<512x64xf32>
    %mul3A = vector.broadcast %rsqrt3A : vector<512x1xf32> to vector<512x64xf32>
    %mul3A_32 = arith.mulf %dot_general3A_31, %mul3A : vector<512x64xf32>
    %broadcast_in_dim3A = arith.constant 0.000000e+00 : f32
    %broadcast_in_dim3A_33 = vector.broadcast %broadcast_in_dim3A : f32 to vector<512x64xf32>
    %concatenate3A = tpu.concatenate %mul3A_32, %broadcast_in_dim3A_33 in 1 : vector<512x64xf32>, vector<512x64xf32> -> vector<512x128xf32>
    %swap3A = arith.constant 0 : index
    %swap3A_34 = arith.constant 0 : index
    %swap3A_35 = vector.load %arg6[%swap3A, %swap3A_34] : memref<512x128xf32, #tpu.memory_space<vmem>>, vector<512x128xf32>
    tpu.vector_store %arg6[%swap3A, %swap3A_34], %concatenate3A {strides = array<i32>} : memref<512x128xf32, #tpu.memory_space<vmem>>, vector<512x128xf32>,
    %broadcast_in_dim3A_36 = vector.shape_cast %rsqrt3A : vector<512x1xf32> to vector<512x1xf32>
    %broadcast_in_dim3A_37 = vector.broadcast %broadcast_in_dim3A_36 : vector<512x1xf32> to vector<512x8xf32>
    %swap3A_38 = arith.constant 0 : index
    %swap3A_39 = arith.constant 0 : index
    %swap3A_40 = vector.load %arg7[%swap3A_38, %swap3A_39] : memref<512x8xf32, #tpu.memory_space<vmem>>, vector<512x8xf32>
    tpu.vector_store %arg7[%swap3A_38, %swap3A_39], %broadcast_in_dim3A_37 {strides = array<i32>} : memref<512x8xf32, #tpu.memory_space<vmem>>, vector<512x8xf32>,
    return
  }
  func.func @transform_0(%arg0: i32) -> (i32, i32) {
    %c0_i32 = arith.constant 0 : i32
    %c0_i32_0 = arith.constant 0 : i32
    return %arg0, %c0_i32 : i32, i32
  }
  func.func @transform_1(%arg0: i32) -> (i32, i32, i32) {
    %c0_i32 = arith.constant 0 : i32
    %c0_i32_0 = arith.constant 0 : i32
    %c0_i32_1 = arith.constant 0 : i32
    return %c0_i32, %arg0, %c0_i32_0 : i32, i32, i32
  }
  func.func @transform_2(%arg0: i32) -> (i32, i32) {
    %c0_i32 = arith.constant 0 : i32
    %c0_i32_0 = arith.constant 0 : i32
    %c0_i32_1 = arith.constant 0 : i32
    return %c0_i32, %c0_i32_0 : i32, i32
  }
  func.func @transform_3(%arg0: i32) -> (i32, i32) {
    %c0_i32 = arith.constant 0 : i32
    %c0_i32_0 = arith.constant 0 : i32
    %c0_i32_1 = arith.constant 0 : i32
    return %c0_i32, %c0_i32_0 : i32, i32
  }
  func.func @transform_4(%arg0: i32) -> (i32, i32) {
    %c0_i32 = arith.constant 0 : i32
    %c0_i32_0 = arith.constant 0 : i32
    %c0_i32_1 = arith.constant 0 : i32
    return %c0_i32, %c0_i32_0 : i32, i32
  }
  func.func @transform_5(%arg0: i32) -> (i32, i32) {
    %c0_i32 = arith.constant 0 : i32
    %c0_i32_0 = arith.constant 0 : i32
    return %arg0, %c0_i32 : i32, i32
  }
  func.func @transform_6(%arg0: i32) -> (i32, i32) {
    %c0_i32 = arith.constant 0 : i32
    %c0_i32_0 = arith.constant 0 : i32
    return %arg0, %c0_i32 : i32, i32
  }
}

module attributes {stable_mosaic.version = 14 : i64} {
  func.func @_layer_body(%arg0: i32, %arg1: memref<2x512x128xf32, #tpu.memory_space<vmem>>, %arg2: memref<512x128xf32, #tpu.memory_space<vmem>>, %arg3: memref<512x8xf32, #tpu.memory_space<vmem>>, %arg4: memref<1x64xf32, #tpu.memory_space<vmem>>, %arg5: memref<64x64xf32, #tpu.memory_space<vmem>>, %arg6: memref<512x128xf32, #tpu.memory_space<vmem>>) attributes {dimension_semantics = [#tpu.dimension_semantics<arbitrary>], iteration_bounds = array<i64: 20>, scalar_prefetch = 0 : i64, scratch_operands = 0 : i64, tpu.core_type = #tpu.core_type<tc>, window_params = [{transform_indices = @transform_0, window_bounds = array<i64: 2, 512, 128>}, {transform_indices = @transform_1, window_bounds = array<i64: 512, 128>}, {transform_indices = @transform_2, window_bounds = array<i64: 512, 8>}, {pipeline_mode = #tpu.pipeline_mode<synchronous>, transform_indices = @transform_3, window_bounds = array<i64: 1, 64>}, {pipeline_mode = #tpu.pipeline_mode<synchronous>, transform_indices = @transform_4, window_bounds = array<i64: 64, 64>}, {transform_indices = @transform_5, window_bounds = array<i64: 512, 128>}]} {
    %get3A = arith.constant 0 : index
    %get3A_0 = arith.constant 0 : index
    %get3A_1 = vector.load %arg3[%get3A, %get3A_0] : memref<512x8xf32, #tpu.memory_space<vmem>>, vector<512x1xf32>
    %get3A_2 = arith.constant 0 : index
    %get3A_3 = arith.constant 0 : index
    %get3A_4 = arith.constant 0 : index
    %get3A_5 = vector.load %arg1[%get3A_2, %get3A_3, %get3A_4] : memref<2x512x128xf32, #tpu.memory_space<vmem>>, vector<1x512x128xf32>
    %get3A_6 = vector.shape_cast %get3A_5 : vector<1x512x128xf32> to vector<512x128xf32>
    %slice3A = vector.extract_strided_slice %get3A_6 {offsets = [0, 0], sizes = [512, 64], strides = [1, 1]} : vector<512x128xf32> to vector<512x64xf32>
    %get3A_7 = arith.constant 1 : index
    %get3A_8 = arith.constant 0 : index
    %get3A_9 = arith.constant 0 : index
    %get3A_10 = vector.load %arg1[%get3A_7, %get3A_8, %get3A_9] : memref<2x512x128xf32, #tpu.memory_space<vmem>>, vector<1x512x128xf32>
    %get3A_11 = vector.shape_cast %get3A_10 : vector<1x512x128xf32> to vector<512x128xf32>
    %slice3A_12 = vector.extract_strided_slice %get3A_11 {offsets = [0, 0], sizes = [512, 64], strides = [1, 1]} : vector<512x128xf32> to vector<512x64xf32>
    %add3A = arith.addf %slice3A, %slice3A_12 : vector<512x64xf32>
    %get3A_13 = arith.constant 0 : index
    %get3A_14 = arith.constant 0 : index
    %get3A_15 = vector.load %arg2[%get3A_13, %get3A_14] : memref<512x128xf32, #tpu.memory_space<vmem>>, vector<512x64xf32>
    %add3A_16 = arith.addf %add3A, %get3A_15 : vector<512x64xf32>
    %mul3A = vector.broadcast %get3A_1 : vector<512x1xf32> to vector<512x64xf32>
    %mul3A_17 = arith.mulf %add3A_16, %mul3A : vector<512x64xf32>
    %get3A_18 = arith.constant 0 : index
    %get3A_19 = arith.constant 0 : index
    %get3A_20 = vector.load %arg4[%get3A_18, %get3A_19] : memref<1x64xf32, #tpu.memory_space<vmem>>, vector<1x64xf32>
    %add3A_21 = vector.broadcast %get3A_20 : vector<1x64xf32> to vector<512x64xf32>
    %add3A_22 = arith.addf %mul3A_17, %add3A_21 : vector<512x64xf32>
    %max3A = arith.constant 0.000000e+00 : f32
    %max3A_23 = vector.broadcast %max3A : f32 to vector<512x64xf32>
    %max3A_24 = arith.maximumf %add3A_22, %max3A_23 : vector<512x64xf32>
    %get3A_25 = arith.constant 0 : index
    %get3A_26 = arith.constant 0 : index
    %get3A_27 = vector.load %arg5[%get3A_25, %get3A_26] : memref<64x64xf32, #tpu.memory_space<vmem>>, vector<64x64xf32>
    %dot_general3A = arith.constant dense<0.000000e+00> : vector<512x64xf32>
    %dot_general3A_28 = tpu.matmul %max3A_24, %get3A_27, %dot_general3A {dimension_numbers = #tpu.dot_dimension_numbers<[1], [0], [0], [1], [0, 0, 1, 1], [], []>, transpose_lhs_hint = false} : vector<512x64xf32>, vector<64x64xf32>, vector<512x64xf32> -> vector<512x64xf32>
    %mul3A_29 = vector.broadcast %get3A_1 : vector<512x1xf32> to vector<512x64xf32>
    %mul3A_30 = arith.mulf %dot_general3A_28, %mul3A_29 : vector<512x64xf32>
    %broadcast_in_dim3A = arith.constant 0.000000e+00 : f32
    %broadcast_in_dim3A_31 = vector.broadcast %broadcast_in_dim3A : f32 to vector<512x64xf32>
    %concatenate3A = tpu.concatenate %mul3A_30, %broadcast_in_dim3A_31 in 1 : vector<512x64xf32>, vector<512x64xf32> -> vector<512x128xf32>
    %swap3A = arith.constant 0 : index
    %swap3A_32 = arith.constant 0 : index
    %swap3A_33 = vector.load %arg6[%swap3A, %swap3A_32] : memref<512x128xf32, #tpu.memory_space<vmem>>, vector<512x128xf32>
    tpu.vector_store %arg6[%swap3A, %swap3A_32], %concatenate3A {strides = array<i32>} : memref<512x128xf32, #tpu.memory_space<vmem>>, vector<512x128xf32>,
    return
  }
  func.func @transform_0(%arg0: i32) -> (i32, i32, i32) {
    %c0_i32 = arith.constant 0 : i32
    %c0_i32_0 = arith.constant 0 : i32
    %c0_i32_1 = arith.constant 0 : i32
    return %c0_i32, %arg0, %c0_i32_0 : i32, i32, i32
  }
  func.func @transform_1(%arg0: i32) -> (i32, i32) {
    %c0_i32 = arith.constant 0 : i32
    %c0_i32_0 = arith.constant 0 : i32
    return %arg0, %c0_i32 : i32, i32
  }
  func.func @transform_2(%arg0: i32) -> (i32, i32) {
    %c0_i32 = arith.constant 0 : i32
    %c0_i32_0 = arith.constant 0 : i32
    return %arg0, %c0_i32 : i32, i32
  }
  func.func @transform_3(%arg0: i32) -> (i32, i32) {
    %c0_i32 = arith.constant 0 : i32
    %c0_i32_0 = arith.constant 0 : i32
    %c0_i32_1 = arith.constant 0 : i32
    return %c0_i32, %c0_i32_0 : i32, i32
  }
  func.func @transform_4(%arg0: i32) -> (i32, i32) {
    %c0_i32 = arith.constant 0 : i32
    %c0_i32_0 = arith.constant 0 : i32
    %c0_i32_1 = arith.constant 0 : i32
    return %c0_i32, %c0_i32_0 : i32, i32
  }
  func.func @transform_5(%arg0: i32) -> (i32, i32) {
    %c0_i32 = arith.constant 0 : i32
    %c0_i32_0 = arith.constant 0 : i32
    return %arg0, %c0_i32 : i32, i32
  }
}

module attributes {stable_mosaic.version = 14 : i64} {
  func.func @_proj_body(%arg0: i32, %arg1: memref<2x512x128xf32, #tpu.memory_space<vmem>>, %arg2: memref<512x128xf32, #tpu.memory_space<vmem>>, %arg3: memref<512x8xf32, #tpu.memory_space<vmem>>, %arg4: memref<1x64xf32, #tpu.memory_space<vmem>>, %arg5: memref<64x128xf32, #tpu.memory_space<vmem>>, %arg6: memref<512x128xf32, #tpu.memory_space<vmem>>) attributes {dimension_semantics = [#tpu.dimension_semantics<arbitrary>], iteration_bounds = array<i64: 20>, scalar_prefetch = 0 : i64, scratch_operands = 0 : i64, tpu.core_type = #tpu.core_type<tc>, window_params = [{transform_indices = @transform_0, window_bounds = array<i64: 2, 512, 128>}, {transform_indices = @transform_1, window_bounds = array<i64: 512, 128>}, {transform_indices = @transform_2, window_bounds = array<i64: 512, 8>}, {pipeline_mode = #tpu.pipeline_mode<synchronous>, transform_indices = @transform_3, window_bounds = array<i64: 1, 64>}, {pipeline_mode = #tpu.pipeline_mode<synchronous>, transform_indices = @transform_4, window_bounds = array<i64: 64, 128>}, {transform_indices = @transform_5, window_bounds = array<i64: 512, 128>}]} {
    %get3A = arith.constant 0 : index
    %get3A_0 = arith.constant 0 : index
    %get3A_1 = vector.load %arg3[%get3A, %get3A_0] : memref<512x8xf32, #tpu.memory_space<vmem>>, vector<512x1xf32>
    %get3A_2 = arith.constant 0 : index
    %get3A_3 = arith.constant 0 : index
    %get3A_4 = arith.constant 0 : index
    %get3A_5 = vector.load %arg1[%get3A_2, %get3A_3, %get3A_4] : memref<2x512x128xf32, #tpu.memory_space<vmem>>, vector<1x512x128xf32>
    %get3A_6 = vector.shape_cast %get3A_5 : vector<1x512x128xf32> to vector<512x128xf32>
    %slice3A = vector.extract_strided_slice %get3A_6 {offsets = [0, 0], sizes = [512, 64], strides = [1, 1]} : vector<512x128xf32> to vector<512x64xf32>
    %get3A_7 = arith.constant 1 : index
    %get3A_8 = arith.constant 0 : index
    %get3A_9 = arith.constant 0 : index
    %get3A_10 = vector.load %arg1[%get3A_7, %get3A_8, %get3A_9] : memref<2x512x128xf32, #tpu.memory_space<vmem>>, vector<1x512x128xf32>
    %get3A_11 = vector.shape_cast %get3A_10 : vector<1x512x128xf32> to vector<512x128xf32>
    %slice3A_12 = vector.extract_strided_slice %get3A_11 {offsets = [0, 0], sizes = [512, 64], strides = [1, 1]} : vector<512x128xf32> to vector<512x64xf32>
    %add3A = arith.addf %slice3A, %slice3A_12 : vector<512x64xf32>
    %get3A_13 = arith.constant 0 : index
    %get3A_14 = arith.constant 0 : index
    %get3A_15 = vector.load %arg2[%get3A_13, %get3A_14] : memref<512x128xf32, #tpu.memory_space<vmem>>, vector<512x64xf32>
    %add3A_16 = arith.addf %add3A, %get3A_15 : vector<512x64xf32>
    %mul3A = vector.broadcast %get3A_1 : vector<512x1xf32> to vector<512x64xf32>
    %mul3A_17 = arith.mulf %add3A_16, %mul3A : vector<512x64xf32>
    %get3A_18 = arith.constant 0 : index
    %get3A_19 = arith.constant 0 : index
    %get3A_20 = vector.load %arg4[%get3A_18, %get3A_19] : memref<1x64xf32, #tpu.memory_space<vmem>>, vector<1x64xf32>
    %add3A_21 = vector.broadcast %get3A_20 : vector<1x64xf32> to vector<512x64xf32>
    %add3A_22 = arith.addf %mul3A_17, %add3A_21 : vector<512x64xf32>
    %max3A = arith.constant 0.000000e+00 : f32
    %max3A_23 = vector.broadcast %max3A : f32 to vector<512x64xf32>
    %max3A_24 = arith.maximumf %add3A_22, %max3A_23 : vector<512x64xf32>
    %get3A_25 = arith.constant 0 : index
    %get3A_26 = arith.constant 0 : index
    %get3A_27 = vector.load %arg5[%get3A_25, %get3A_26] : memref<64x128xf32, #tpu.memory_space<vmem>>, vector<64x128xf32>
    %dot_general3A = arith.constant dense<0.000000e+00> : vector<512x128xf32>
    %dot_general3A_28 = tpu.matmul %max3A_24, %get3A_27, %dot_general3A {dimension_numbers = #tpu.dot_dimension_numbers<[1], [0], [0], [1], [0, 0, 1, 1], [], []>, transpose_lhs_hint = false} : vector<512x64xf32>, vector<64x128xf32>, vector<512x128xf32> -> vector<512x128xf32>
    %swap3A = arith.constant 0 : index
    %swap3A_29 = arith.constant 0 : index
    %swap3A_30 = vector.load %arg6[%swap3A, %swap3A_29] : memref<512x128xf32, #tpu.memory_space<vmem>>, vector<512x128xf32>
    tpu.vector_store %arg6[%swap3A, %swap3A_29], %dot_general3A_28 {strides = array<i32>} : memref<512x128xf32, #tpu.memory_space<vmem>>, vector<512x128xf32>,
    return
  }
  func.func @transform_0(%arg0: i32) -> (i32, i32, i32) {
    %c0_i32 = arith.constant 0 : i32
    %c0_i32_0 = arith.constant 0 : i32
    %c0_i32_1 = arith.constant 0 : i32
    return %c0_i32, %arg0, %c0_i32_0 : i32, i32, i32
  }
  func.func @transform_1(%arg0: i32) -> (i32, i32) {
    %c0_i32 = arith.constant 0 : i32
    %c0_i32_0 = arith.constant 0 : i32
    return %arg0, %c0_i32 : i32, i32
  }
  func.func @transform_2(%arg0: i32) -> (i32, i32) {
    %c0_i32 = arith.constant 0 : i32
    %c0_i32_0 = arith.constant 0 : i32
    return %arg0, %c0_i32 : i32, i32
  }
  func.func @transform_3(%arg0: i32) -> (i32, i32) {
    %c0_i32 = arith.constant 0 : i32
    %c0_i32_0 = arith.constant 0 : i32
    %c0_i32_1 = arith.constant 0 : i32
    return %c0_i32, %c0_i32_0 : i32, i32
  }
  func.func @transform_4(%arg0: i32) -> (i32, i32) {
    %c0_i32 = arith.constant 0 : i32
    %c0_i32_0 = arith.constant 0 : i32
    %c0_i32_1 = arith.constant 0 : i32
    return %c0_i32, %c0_i32_0 : i32, i32
  }
  func.func @transform_5(%arg0: i32) -> (i32, i32) {
    %c0_i32 = arith.constant 0 : i32
    %c0_i32_0 = arith.constant 0 : i32
    return %arg0, %c0_i32 : i32, i32
  }
}

module attributes {stable_mosaic.version = 14 : i64} {
  func.func @_mlp_body(%arg0: i32, %arg1: memref<1000x128xf32, #tpu.memory_space<vmem>>, %arg2: memref<1000x128xf32, #tpu.memory_space<vmem>>, %arg3: memref<1x64xf32, #tpu.memory_space<vmem>>, %arg4: memref<64x32xf32, #tpu.memory_space<vmem>>, %arg5: memref<1x32xf32, #tpu.memory_space<vmem>>, %arg6: memref<32x1xf32, #tpu.memory_space<vmem>>, %arg7: memref<1x1xf32, #tpu.memory_space<vmem>>, %arg8: memref<1000x1xf32, #tpu.memory_space<vmem>>) attributes {dimension_semantics = [#tpu.dimension_semantics<arbitrary>], iteration_bounds = array<i64: 100>, scalar_prefetch = 0 : i64, scratch_operands = 0 : i64, tpu.core_type = #tpu.core_type<tc>, window_params = [{transform_indices = @transform_0, window_bounds = array<i64: 1000, 128>}, {transform_indices = @transform_1, window_bounds = array<i64: 1000, 128>}, {pipeline_mode = #tpu.pipeline_mode<synchronous>, transform_indices = @transform_2, window_bounds = array<i64: 1, 64>}, {pipeline_mode = #tpu.pipeline_mode<synchronous>, transform_indices = @transform_3, window_bounds = array<i64: 64, 32>}, {pipeline_mode = #tpu.pipeline_mode<synchronous>, transform_indices = @transform_4, window_bounds = array<i64: 1, 32>}, {pipeline_mode = #tpu.pipeline_mode<synchronous>, transform_indices = @transform_5, window_bounds = array<i64: 32, 1>}, {pipeline_mode = #tpu.pipeline_mode<synchronous>, transform_indices = @transform_6, window_bounds = array<i64: 1, 1>}, {transform_indices = @transform_7, window_bounds = array<i64: 1000, 1>}]} {
    %get3A = arith.constant 0 : index
    %get3A_0 = arith.constant 0 : index
    %get3A_1 = vector.load %arg1[%get3A, %get3A_0] : memref<1000x128xf32, #tpu.memory_space<vmem>>, vector<1000x64xf32>
    %get3A_2 = arith.constant 0 : index
    %get3A_3 = arith.constant 64 : index
    %get3A_4 = vector.load %arg2[%get3A_2, %get3A_3] : memref<1000x128xf32, #tpu.memory_space<vmem>>, vector<1000x64xf32>
    %add3A = arith.addf %get3A_1, %get3A_4 : vector<1000x64xf32>
    %get3A_5 = arith.constant 0 : index
    %get3A_6 = arith.constant 0 : index
    %get3A_7 = vector.load %arg3[%get3A_5, %get3A_6] : memref<1x64xf32, #tpu.memory_space<vmem>>, vector<1x64xf32>
    %add3A_8 = vector.broadcast %get3A_7 : vector<1x64xf32> to vector<1000x64xf32>
    %add3A_9 = arith.addf %add3A, %add3A_8 : vector<1000x64xf32>
    %max3A = arith.constant 0.000000e+00 : f32
    %max3A_10 = vector.broadcast %max3A : f32 to vector<1000x64xf32>
    %max3A_11 = arith.maximumf %add3A_9, %max3A_10 : vector<1000x64xf32>
    %get3A_12 = arith.constant 0 : index
    %get3A_13 = arith.constant 0 : index
    %get3A_14 = vector.load %arg4[%get3A_12, %get3A_13] : memref<64x32xf32, #tpu.memory_space<vmem>>, vector<64x32xf32>
    %dot_general3A = arith.constant dense<0.000000e+00> : vector<1000x32xf32>
    %dot_general3A_15 = tpu.matmul %max3A_11, %get3A_14, %dot_general3A {dimension_numbers = #tpu.dot_dimension_numbers<[1], [0], [0], [1], [0, 0, 1, 1], [], []>, transpose_lhs_hint = false} : vector<1000x64xf32>, vector<64x32xf32>, vector<1000x32xf32> -> vector<1000x32xf32>
    %get3A_16 = arith.constant 0 : index
    %get3A_17 = arith.constant 0 : index
    %get3A_18 = vector.load %arg5[%get3A_16, %get3A_17] : memref<1x32xf32, #tpu.memory_space<vmem>>, vector<1x32xf32>
    %add3A_19 = vector.broadcast %get3A_18 : vector<1x32xf32> to vector<1000x32xf32>
    %add3A_20 = arith.addf %dot_general3A_15, %add3A_19 : vector<1000x32xf32>
    %max3A_21 = arith.constant 0.000000e+00 : f32
    %max3A_22 = vector.broadcast %max3A_21 : f32 to vector<1000x32xf32>
    %max3A_23 = arith.maximumf %add3A_20, %max3A_22 : vector<1000x32xf32>
    %get3A_24 = arith.constant 0 : index
    %get3A_25 = arith.constant 0 : index
    %get3A_26 = vector.load %arg6[%get3A_24, %get3A_25] : memref<32x1xf32, #tpu.memory_space<vmem>>, vector<32x1xf32>
    %dot_general3A_27 = arith.constant dense<0.000000e+00> : vector<1000x1xf32>
    %dot_general3A_28 = tpu.matmul %max3A_23, %get3A_26, %dot_general3A_27 {dimension_numbers = #tpu.dot_dimension_numbers<[1], [0], [0], [1], [0, 0, 1, 1], [], []>, transpose_lhs_hint = false} : vector<1000x32xf32>, vector<32x1xf32>, vector<1000x1xf32> -> vector<1000x1xf32>
    %get3A_29 = arith.constant 0 : index
    %get3A_30 = arith.constant 0 : index
    %get3A_31 = vector.load %arg7[%get3A_29, %get3A_30] : memref<1x1xf32, #tpu.memory_space<vmem>>, vector<1x1xf32>
    %add3A_32 = vector.broadcast %get3A_31 : vector<1x1xf32> to vector<1000x1xf32>
    %add3A_33 = arith.addf %dot_general3A_28, %add3A_32 : vector<1000x1xf32>
    %swap3A = arith.constant 0 : index
    %swap3A_34 = arith.constant 0 : index
    %swap3A_35 = vector.load %arg8[%swap3A, %swap3A_34] : memref<1000x1xf32, #tpu.memory_space<vmem>>, vector<1000x1xf32>
    tpu.vector_store %arg8[%swap3A, %swap3A_34], %add3A_33 {strides = array<i32>} : memref<1000x1xf32, #tpu.memory_space<vmem>>, vector<1000x1xf32>,
    return
  }
  func.func @transform_0(%arg0: i32) -> (i32, i32) {
    %c0_i32 = arith.constant 0 : i32
    %c0_i32_0 = arith.constant 0 : i32
    return %arg0, %c0_i32 : i32, i32
  }
  func.func @transform_1(%arg0: i32) -> (i32, i32) {
    %c0_i32 = arith.constant 0 : i32
    %c0_i32_0 = arith.constant 0 : i32
    return %arg0, %c0_i32 : i32, i32
  }
  func.func @transform_2(%arg0: i32) -> (i32, i32) {
    %c0_i32 = arith.constant 0 : i32
    %c0_i32_0 = arith.constant 0 : i32
    %c0_i32_1 = arith.constant 0 : i32
    return %c0_i32, %c0_i32_0 : i32, i32
  }
  func.func @transform_3(%arg0: i32) -> (i32, i32) {
    %c0_i32 = arith.constant 0 : i32
    %c0_i32_0 = arith.constant 0 : i32
    %c0_i32_1 = arith.constant 0 : i32
    return %c0_i32, %c0_i32_0 : i32, i32
  }
  func.func @transform_4(%arg0: i32) -> (i32, i32) {
    %c0_i32 = arith.constant 0 : i32
    %c0_i32_0 = arith.constant 0 : i32
    %c0_i32_1 = arith.constant 0 : i32
    return %c0_i32, %c0_i32_0 : i32, i32
  }
  func.func @transform_5(%arg0: i32) -> (i32, i32) {
    %c0_i32 = arith.constant 0 : i32
    %c0_i32_0 = arith.constant 0 : i32
    %c0_i32_1 = arith.constant 0 : i32
    return %c0_i32, %c0_i32_0 : i32, i32
  }
  func.func @transform_6(%arg0: i32) -> (i32, i32) {
    %c0_i32 = arith.constant 0 : i32
    %c0_i32_0 = arith.constant 0 : i32
    %c0_i32_1 = arith.constant 0 : i32
    return %c0_i32, %c0_i32_0 : i32, i32
  }
  func.func @transform_7(%arg0: i32) -> (i32, i32) {
    %c0_i32 = arith.constant 0 : i32
    %c0_i32_0 = arith.constant 0 : i32
    return %arg0, %c0_i32 : i32, i32
  }
}

</mosaic_0001>

<sc_bundles>
// kernel: kernel.12.cloned.1.call-start
scs
__scs_entry_jumppad:
0x0: {  	(pc) =	sbr.rel $0x88, $3  }
0x1: {  	(tag) =	ssettag $0x0;
	lr =	simm.s32 $0x1  }
0x2: {  	[smem:$0x3F90] =	sst lr;
	_ =	strace $0xD0000000  }
0x3: {  	_ = 	snop  }
0x4: {  	_ = 	snop  }
0x5: {  	_ = 	snop  }
0x6: {  	_ = 	snop  }
0x7: {  	_ = 	snop  }
__scs_overlays_trampoline_lowered:
0x8: {  	[smem:$0x3F9F] =	sst s0  }
0x9: {  	[smem:$0x3FA0] =	sst s1  }
0xa: {  	[smem:$0x3FA1] =	sst s2  }
0xb: {  	[smem:$0x3FA2] =	sst s3  }
0xc: {  	[smem:$0x3FA3] =	sst s4  }
0xd: {  	[smem:$0x3FA4] =	sst s5  }
0xe: {  	[smem:$0x3FA5] =	sst s6  }
0xf: {  	[smem:$0x3FA6] =	sst s7  }
0x10: {  	[smem:$0x3FA7] =	sst s8  }
0x11: {  	[smem:$0x3FA8] =	sst s9;
	s0 =	simm.s32 @!p0 $0x0  }
0x12: {  	s1 =	sld [smem:$0x3F8E];
	s0 =	simm.s32 @p0 $0x1  }
0x13: {  	[smem:$0x3FA9] =	sst s0;
	s0 =	simm.s32 @!p1 $0x0  }
0x14: {  	s2 =	sld [smem:$0x3F8D];
	s0 =	simm.s32 @p1 $0x1  }
0x15: {  	[smem:$0x3FAA] =	sst s0;
	s0 =	simm.s32 @!p2 $0x0  }
0x16: {  	s3 =	sld [smem:$0x3FDB];
	s0 =	simm.s32 @p2 $0x1  }
0x17: {  	s4 =	simm.s32 $0x1BF5;
	[smem:$0x3FAC] =	sst s0  }
0x18: {  	s0 =	sld [smem:$0x3F8F];
	_ =	swait.ge [sflag:s4], $0x0  }
0x19: {  	s7 =	sld [smem:$0x3F90]  }
0x1a: {  	s8 =	sadd.s32 $0xFFFFE003, lr  }
0x1b: {  	s9 =	sadd.s32 $0xFFFFFEF7, lr;
	s5 =	simm.s32 $0xFFFFFFFF;
	p2 =	slt.u32 s8, $0xFFFFF086  }
0x1c: {  	p1 =	slt.u32 s9, $0xF7A;
	s5 =	simm.s32 @!p2 $0x0  }
0x1d: {  	s5 =	simm.s32 @p1 $0x1;
	p0 =	seq.s32 s7, s2  }
0x1e: {  	s7 =	smul.u32 @!p0 $0xF7A, s2;
	p2 =	seq.s32 @!p0 s5, $0x0  }
0x1f: {  	s9 =	smul.u32 $0xF7A, s1;
	s8 =	simm.s32 @!p0 $0x1BF5;
	p2 =	por !p2, p0  }
0x20: {  	[sflag:s8] =	ssyncset.s32 @!p0 $0xFFFFF086;
	s6 =	sadd.s32 @!p0 s3, s7;
	s7 =	simm.s32 @!p0 $0x108  }
0x21: {  	s3 =	sadd.s32 s3, s9;
	s6 =	sadd.s32 @!p0 $0x88, s6;
	s7 =	simm.s32 @p2 $0x1082  }
0x22: {  	[simem:s7], [sflag:s8] =	dma.local @!p0 [hbm:s6], $0xF7A  }
0x23: {  	s9 =	sor.u32 $0xD0000000, s2;
	s6 =	simm.s32 $0x108;
	_ =	swait.ge @!p0 [sflag:s8], $0x0  }
0x24: {  	s3 =	sadd.s32 $0x88, s3;
	s6 =	simm.s32 @!p1 $0x1082;
	[sflag:s4] =	ssyncset.s32 $0xFFFFF086  }
0x25: {  	[simem:s6], [sflag:s4] =	dma.local [hbm:s3], $0xF7A  }
0x26: {  	[smem:$0x3F90] =	sst s1;
	(tag) =	ssettag s2;
	_ =	strace s9  }
0x27: {  	s1 =	sld [smem:$0x3FA0]  }
0x28: {  	s2 =	sld [smem:$0x3FA1]  }
0x29: {  	s4 =	sld [smem:$0x3FA3]  }
0x2a: {  	p0 =	seq.s32 s5, $0x0;
	s5 =	sld [smem:$0x3FA4]  }
0x2b: {  	s6 =	sld [smem:$0x3FA5]  }
0x2c: {  	s7 =	sld [smem:$0x3FA6]  }
0x2d: {  	s3 =	simm.s32 $0x108;
	s8 =	sld [smem:$0x3FA7]  }
0x2e: {  	s3 =	simm.s32 @!p0 $0x1082;
	s9 =	sld [smem:$0x3FA8]  }
0x2f: {  	lr =	sadd.s32 s0, s3;
	s0 =	sld [smem:$0x3F9F]  }
0x30: {  	s3 =	sld [smem:$0x3FA2]  }
0x31: {  	[smem:$0x3FAB] =	sst s10  }
0x32: {  	s10 =	sld [smem:$0x3FA9];
	_ =	sdelay $0x3  }
0x33: {  	p0 =	seq.s32 s10, $0x1;
	s10 =	sld [smem:$0x3FAB];
	_ =	sdelay $0x3  }
0x34: {  	[smem:$0x3FAB] =	sst s10  }
0x35: {  	s10 =	sld [smem:$0x3FAA];
	_ =	sdelay $0x3  }
0x36: {  	p1 =	seq.s32 s10, $0x1;
	s10 =	sld [smem:$0x3FAB];
	_ =	sdelay $0x3  }
0x37: {  	[smem:$0x3FAB] =	sst s10  }
0x38: {  	s10 =	sld [smem:$0x3FAC]  }
0x39: {  	_ = 	snop;
	(pc) =	sbr.ind lr, $3  }
0x3a: {  	_ = 	snop  }
0x3b: {  	_ = 	snop  }
0x3c: {  	p2 =	seq.s32 s10, $0x1;
	s10 =	sld [smem:$0x3FAB]  }
0x3d: {  	_ =	shalt  }
0x3e: {  	_ =	shalt  }
0x3f: {  	_ =	shalt  }
0x40: {  	_ =	shalt  }
0x41: {  	_ =	shalt  }
0x42: {  	_ =	shalt  }
0x43: {  	_ =	shalt  }
0x44: {  	_ =	shalt  }
0x45: {  	_ =	shalt  }
0x46: {  	_ =	shalt  }
0x47: {  	_ =	shalt  }
0x48: {  	_ =	shalt  }
0x49: {  	_ =	shalt  }
0x4a: {  	_ =	shalt  }
0x4b: {  	_ =	shalt  }
0x4c: {  	_ =	shalt  }
0x4d: {  	_ =	shalt  }
0x4e: {  	_ =	shalt  }
0x4f: {  	_ =	shalt  }
0x50: {  	_ =	shalt  }
0x51: {  	_ =	shalt  }
0x52: {  	_ =	shalt  }
0x53: {  	_ =	shalt  }
0x54: {  	_ =	shalt  }
0x55: {  	_ =	shalt  }
0x56: {  	_ =	shalt  }
0x57: {  	_ =	shalt  }
0x58: {  	_ =	shalt  }
0x59: {  	_ =	shalt  }
0x5a: {  	_ =	shalt  }
0x5b: {  	_ =	shalt  }
0x5c: {  	_ =	shalt  }
0x5d: {  	_ =	shalt  }
0x5e: {  	_ =	shalt  }
0x5f: {  	_ =	shalt  }
0x60: {  	_ =	shalt  }
0x61: {  	_ =	shalt  }
0x62: {  	_ =	shalt  }
0x63: {  	_ =	shalt  }
0x64: {  	_ =	shalt  }
0x65: {  	_ =	shalt  }
0x66: {  	_ =	shalt  }
0x67: {  	_ =	shalt  }
0x68: {  	_ =	shalt  }
0x69: {  	_ =	shalt  }
0x6a: {  	_ =	shalt  }
0x6b: {  	_ =	shalt  }
0x6c: {  	_ =	shalt  }
0x6d: {  	_ =	shalt  }
0x6e: {  	_ =	shalt  }
0x6f: {  	_ =	shalt  }
0x70: {  	_ =	shalt  }
0x71: {  	_ =	shalt  }
0x72: {  	_ =	shalt  }
0x73: {  	_ =	shalt  }
0x74: {  	_ =	shalt  }
0x75: {  	_ =	shalt  }
0x76: {  	_ =	shalt  }
0x77: {  	_ =	shalt  }
0x78: {  	_ =	shalt  }
0x79: {  	_ =	shalt  }
0x7a: {  	_ =	shalt  }
0x7b: {  	_ =	shalt  }
0x7c: {  	_ =	shalt  }
0x7d: {  	_ =	shalt  }
0x7e: {  	_ =	shalt  }
0x7f: {  	_ =	shalt  }
0x80: {  	_ =	shalt  }
0x81: {  	_ =	shalt  }
0x82: {  	_ =	shalt  }
0x83: {  	_ =	shalt  }
0x84: {  	_ =	shalt  }
0x85: {  	_ =	shalt  }
0x86: {  	_ =	shalt  }
0x87: {  	_ =	shalt  }
.Lfunc_end0:
.L_simem_size_0:
called_computation_lowered:
.L_overlay_start_0:
0x88: {  	s2 =	sld [smem:$0x3FD9]  }
0x89: {  	s3 =	sld [smem:$0x3FFE];
	_ =	sdelay $0x1  }
0x8a: {  	s1 =	srdreg.scid  }
0x8b: {  	s0 =	sand.u32 $0x1, s1  }
0x8c: {  	s17 =	sshll.u32 s0, $0xA;
	s2 =	sadd.s32 s3, s2  }
0x8d: {  	s2 =	sadd.s32 s2, s17  }
0x8e: {  	[smem:$0x3FB7] =	sst s2  }
0x8f: {  	_ = 	snop  }
0x90: {  	s2 =	sld [smem:$0x3FD0];
	(tm) =	ssettm $0x1  }
0x91: {  	s18 =	sld [smem:$0x3FFB];
	_ =	sdelay $0x3  }
0x92: {  	_ =	strace s18  }
0x93: {  	s3 =	sld [smem:$0x3FFC];
	_ =	sdelay $0x3  }
0x94: {  	_ =	strace s3  }
0x95: {  	s3 =	sld [smem:$0x3FFD];
	_ =	sdelay $0x3  }
0x96: {  	_ =	strace s3  }
0x97: {  	_ =	strace $0x8FFFFFFF  }
0x98: {  	s19 =	sld [smem:$0x3FDB];
	_ =	sdelay $0x1  }
0x99: {  	s4 =	simm.s32 $_scs_section_size  }
0x9a: {  	s5 =	simm.s32 $_size__tile_overlayer_lowered;
	s6 =	simm.s32 $_tile_overlayer_lowered  }
0x9b: {  	s22 =	simm.s32 $0x1BFF;
	s21 =	sshll.u32 s6, $0x1;
	s3 =	sadd.s32 s4, s19  }
0x9c: {  	s7 =	simm.s32 $0x0;
	s20 =	sshll.u32 s5, $0x1;
	s5 =	sadd.s32 s21, s3  }
0x9d: {  	[timem:s7], [sflag:s22] =	dma.local [hbm:s5], s20  }
0x9e: {  	_ =	swait.ge [sflag:s22], s20  }
0x9f: {  	s4 =	ssub.s32 $0x0, s20;
	[sflag:s22] =	ssyncset.done $0x0  }
0xa0: {  	[sflag:s22] =	ssyncadd.s32 s4;
	_ =	sdelay $0x1  }
0xa1: {  	s23 =	simm.s32 $0x1B8B  }
0xa2: {  	_ =	swait.ge [sflag:s23], $0x1  }
0xa3: {  	[sflag:s23] =	ssyncset.done $0x0  }
0xa4: {  	s25 =	simm.s32 $0x1B8E;
	s24 =	sld [smem:$0x3FFE];
	[sflag:s23] =	ssyncadd.s32 $0xFFFFFFFF  }
0xa5: {  	s26 =	simm.s32 $execute0_lowered;
	[smem:$0x3FD2] =	sst s25  }
0xa6: {  	s5 =	sshll.u32 s26, $0x1;
	_ =	strace $0x80000046;
	[dreg:$0x1] =	wrdreg $0xFFFFFFFF  }
0xa7: {  	s28 =	simm.s32 $_size_execute0_lowered;
	s3 =	sadd.s32 s3, s5;
	[dreg:$0x0] =	wrdreg $0x0  }
0xa8: {  	s5 =	sshll.u32 s28, $0x1;
	[dreg:$0x2] =	wrdreg s3  }
0xa9: {  	[dreg:$0x3] =	wrdreg s5  }
0xaa: {  	[dreg:$0x4] =	wrdreg $0xC0  }
0xab: {  	_ =	task [dreg:s7], $0x5FFFF  }
0xac: {  	[dreg:$0x1] =	wrdreg $0xFFFFFFFF  }
0xad: {  	[dreg:$0x0] =	wrdreg $0x60  }
0xae: {  	[dreg:$0x2] =	wrdreg s24  }
0xaf: {  	[dreg:$0x3] =	wrdreg s2  }
0xb0: {  	[dreg:$0x4] =	wrdreg $0x68000  }
0xb1: {  	[dreg:$0x5] =	wrdreg $0x9  }
0xb2: {  	_ =	task.clear_ibuf [dreg:s7], $0x6FFFF;
	_ =	strace $0x90000046  }
0xb3: {  	s29 =	simm.s32 $0x9;
	_ =	strace $0x80000048  }
0xb4: {  	_ =	swait.ge [sflag:s29], $0x1  }
0xb5: {  	[sflag:s29] =	ssyncadd.s32 $0xFFFFFFFF  }
0xb6: {  	_ =	strace $0x90000048  }
0xb7: {  	_ =	sfence  }
0xb8: {  	s30 =	sld [smem:$0x0];
	_ =	sdelay $0x2  }
0xb9: {  	s31 =	sshll.u32 s1, $0xD;
	s1 =	sshrl.u32 s1, $0x2  }
0xba: {  	s3 =	sand.u32 $0x4000, s31;
	s1 =	sadd.s32 s1, s30  }
0xbb: {  	s0 =	sor.u32 s3, s0;
	s1 =	sshll.u32 s1, $0x11  }
0xbc: {  	s0 =	sor.u32 s1, s0  }
0xbd: {  	s0 =	sadd.s32 $0x8F2B, s0  }
0xbe: {  	[sflag:s0] =	ssyncadd.remote.s32 $0x1  }
0xbf: {  	_ =	sfence.sel $0xFFFF  }
0xc0: {  	[dreg:$0x0] =	wrdreg $0xFFFFFFFF;
	(pc) =	sbr.abs _section_cstart, $3  }
0xc1: {  	[dreg:$0x1] =	wrdreg $0xFFFFFFFF  }
0xc2: {  	_ =	task.clear_ibuf [dreg:s7], $0x2FFFF;
	_ =	strace $0x9FFFFFFF  }
0xc3: {  	(tm) =	ssettm $0x7FFFFFFF  }
tec
execute0_lowered:
.L_overlay_start_1:
0x0: {  	(tag) =	ssettag $0x1  }
0x1: {  	s5 =	rddreg [dreg:$0x0]  }
0x2: {  	s1 =	srdreg.scid;
	s2 =	rddreg [dreg:$0x1]  }
0x3: {  	s0 =	stileid.u32;
	s3 =	rddreg [dreg:$0x2];
	s4 =	simm.s32 $0x0  }
0x4: {  	s12 =	simm.s32 $0x2800;
	s13 =	simm.s32 $0x80;
	s14 =	simm.s32 $0x0  }
0x5: {  	s6 =	sand.u32 $0x1, s1;
	s1 =	rddreg [dreg:$0x3];
	s8 =	smul.u32 $0x2800, s0  }
0x6: {  	s28 =	sshll.u32 s0, $0x1;
	[smem:$0x7FF] =	sst s4;
	s10 =	smul.u32 $0x50000, s0  }
0x7: {  	s31 =	sshll.u32 s0, $0x6;
	s7 =	sor.u32 s6, s28;
	s9 =	smul.u32 $0x28000, s6  }
0x8: {  	_ =	strace $0x80000047;
	s6 =	ssub.s32 $0x2, s6;
	s7 =	smul.u32 $0x500, s7  }
0x9: {  	s11 =	sadd.s32 s8, s5;
	s29 =	sshrl.u32 s6, $0x1;
	s30 =	sshrl.u32 s10, $0x2  }
0xa: {  	s8 =	sadd.s32 s8, s9;
	s9 =	ssub.s32 s6, s29;
	s10 =	sadd.s32 s30, s3  }
0xb: {  	s6 =	sor.u32 $0x1C01, s31;
	s7 =	sadd.s32 s7, s5;
	s8 =	sadd.s32 s8, s5  }
0xc: {  	s5 =	sadd.s32 $0x17C00, s11;
	s9 =	smax.u32 s9, $0x1;
	s10 =	sshrl.u32 s10, $0x3  }
0xd: {  	s11 =	simm.s32 $0x1;
	s7 =	sadd.s32 $0x3C00, s7;
	s8 =	sadd.s32 $0x3FC00, s8  }
.LBB2_1:
0xe: {  	[spmem:s10], [sflag:s6] =	dma.local [hbm:s5], $0x2800  }
0xf: {  	_ =	swait.ge [sflag:s11], $0x2800  }
0x10: {  	[sflag:s11] =	ssyncset.done $0x0  }
0x11: {  	[sflag:s11] =	ssyncadd.s32 $0xFFFFD800  }
0x12: {  	[tilespmem:s12], [sflag:$0x1] =	stream.linear.gather [hbm4b:s2+s4], $0x4000, $0x38;
	[tilespmem:$0x1A800] =	vst v63  }
0x13: {  	_ =	swait.ge [sflag:s11], $0x4000  }
0x14: {  	[sflag:s11] =	ssyncset.done $0x0  }
0x15: {  	[sflag:s11] =	ssyncadd.s32 $0xFFFFC000  }
0x16: {  	[tilespmem:s4], [sflag:$0x1] =	stream.linear.gather [hbm4b:s7+s4], $0x2800, $0x38;
	[tilespmem:$0x1A800] =	vst v63  }
0x17: {  	_ =	swait.ge [sflag:s11], $0x2800  }
0x18: {  	[sflag:s11] =	ssyncset.done $0x0  }
0x19: {  	[sflag:s11] =	ssyncadd.s32 $0xFFFFD800  }
0x1a: {  	s15 =	simm.s32 $0x0;
	[bflag:$0x0] =	sbarrier.arrive $0xFFFF  }
0x1b: {  	[spmem:s3] =	stream.indirect.scatter.add.f32 [tilespmem:s12], [sflag:$0x1], $0x80, s15, s13, $0xb8;
	[tilespmem:$0x1A800] =	vst v63  }
0x1c: {  	_ =	swait.ge [sflag:s11], $0x4000  }
0x1d: {  	s15 =	simm.s32 $0x200;
	[sflag:s11] =	ssyncset.done $0x0  }
.LBB2_2:
0x1e: {  	s16 =	sshra.s32 s15, $0x2;
	[sflag:s11] =	ssyncadd.s32 $0xFFFFC000;
	p0 =	sne.s32 s15, $0x9E00  }
0x1f: {  	[spmem:s3] =	stream.indirect.scatter.add.f32 [tilespmem:s12], [sflag:$0x1], $0x80, s16, s13, $0xb8;
	[tilespmem:$0x1A800] =	vst v63  }
.Ltmp0:
0x20: {  	_ = 	snop;
	(pc) =	sbr.rel @p0 .LBB2_2-.Ltmp0, $4  }
0x21: {  	_ = 	snop  }
0x22: {  	s15 =	sadd.s32 $0x200, s15  }
0x23: {  	_ =	swait.ge [sflag:s11], $0x4000  }
0x24: {  	[sflag:s11] =	ssyncset.done $0x0  }
0x25: {  	s14 =	sadd.s32 $0x1, s14  }
0x26: {  	[sflag:s11] =	ssyncadd.s32 $0xFFFFC000;
	p0 =	sne.s32 s14, s9  }
.Ltmp1:
0x27: {  	[bflag:$0x0] =	sbarrier.arrive $0xFFFF;
	(pc) =	sbr.rel @p0 .LBB2_1-.Ltmp1, $4  }
0x28: {  	[hbm:s8], [sflag:s6] =	dma.local [spmem:s10], $0x2800  }
0x29: {  	_ =	swait.ge [sflag:s11], $0x2800  }
0x2a: {  	[sflag:s11] =	ssyncset.done $0x0  }
0x2b: {  	[sflag:s11] =	ssyncadd.s32 $0xFFFFD800  }
0x2c: {  	_ =	sfence.sel $0x180000  }
0x2d: {  	[bflag:$0x0] =	sbarrier.arrive $0xFFFF  }
0x2e: {  	p0 =	sne.s32 s0, $0x0;
	_ =	strace $0x90000047  }
0x2f: {  	s0 =	sadd.s32 @!p0 $0x100000, s1;
	[bflag:$0x2] =	sbarrier.arrive $0xFFFF  }
0x30: {  	[sflag:s0] =	ssyncadd.tile.s32 @!p0 $0x1;
	_ =	shalt  }
.Lfunc_end2:
_tile_overlayer_lowered:
.L_overlay_start_2:
0x31: {  	(tag) =	ssettag $0x2  }
0x32: {  	s0 =	rddreg [dreg:$0x0];
	s2 =	stileid.u32  }
0x33: {  	s1 =	rddreg [dreg:$0x1];
	p0 =	sne.s32 s2, $0x0  }
0x34: {  	s3 =	rddreg [dreg:$0x2];
	[bflag:$0x3] =	sbarrier.arrive $0xFFFF;
	s2 =	simm.s32 @!p0 $0x1C01  }
0x35: {  	[timem:s3], [sflag:s2] =	dma.local @!p0 [hbm:s0], s1  }
0x36: {  	s0 =	simm.s32 @!p0 $0x1  }
0x37: {  	_ =	swait.ge @!p0 [sflag:s0], s1  }
0x38: {  	s1 =	ssub.s32 @!p0 $0x0, s1;
	[sflag:s0] =	ssyncset.done @!p0 $0x0  }
0x39: {  	[sflag:s0] =	ssyncadd.s32 @!p0 s1  }
0x3a: {  	[bflag:$0x3] =	sbarrier.arrive $0xFFFF  }
0x3b: {  	_ =	shalt  }

// kernel: kernel.15.cloned.1.call-start
scs
__scs_entry_jumppad:
0x0: {  	(pc) =	sbr.rel $0x88, $3  }
0x1: {  	(tag) =	ssettag $0x0;
	lr =	simm.s32 $0x1  }
0x2: {  	[smem:$0x3F90] =	sst lr;
	_ =	strace $0xD0000000  }
0x3: {  	_ = 	snop  }
0x4: {  	_ = 	snop  }
0x5: {  	_ = 	snop  }
0x6: {  	_ = 	snop  }
0x7: {  	_ = 	snop  }
__scs_overlays_trampoline_lowered:
0x8: {  	[smem:$0x3F9F] =	sst s0  }
0x9: {  	[smem:$0x3FA0] =	sst s1  }
0xa: {  	[smem:$0x3FA1] =	sst s2  }
0xb: {  	[smem:$0x3FA2] =	sst s3  }
0xc: {  	[smem:$0x3FA3] =	sst s4  }
0xd: {  	[smem:$0x3FA4] =	sst s5  }
0xe: {  	[smem:$0x3FA5] =	sst s6  }
0xf: {  	[smem:$0x3FA6] =	sst s7  }
0x10: {  	[smem:$0x3FA7] =	sst s8  }
0x11: {  	[smem:$0x3FA8] =	sst s9;
	s0 =	simm.s32 @!p0 $0x0  }
0x12: {  	s1 =	sld [smem:$0x3F8E];
	s0 =	simm.s32 @p0 $0x1  }
0x13: {  	[smem:$0x3FA9] =	sst s0;
	s0 =	simm.s32 @!p1 $0x0  }
0x14: {  	s2 =	sld [smem:$0x3F8D];
	s0 =	simm.s32 @p1 $0x1  }
0x15: {  	[smem:$0x3FAA] =	sst s0;
	s0 =	simm.s32 @!p2 $0x0  }
0x16: {  	s3 =	sld [smem:$0x3FDB];
	s0 =	simm.s32 @p2 $0x1  }
0x17: {  	s4 =	simm.s32 $0x1BF5;
	[smem:$0x3FAC] =	sst s0  }
0x18: {  	s0 =	sld [smem:$0x3F8F];
	_ =	swait.ge [sflag:s4], $0x0  }
0x19: {  	s7 =	sld [smem:$0x3F90]  }
0x1a: {  	s8 =	sadd.s32 $0xFFFFE003, lr  }
0x1b: {  	s9 =	sadd.s32 $0xFFFFFEF7, lr;
	s5 =	simm.s32 $0xFFFFFFFF;
	p2 =	slt.u32 s8, $0xFFFFF086  }
0x1c: {  	p1 =	slt.u32 s9, $0xF7A;
	s5 =	simm.s32 @!p2 $0x0  }
0x1d: {  	s5 =	simm.s32 @p1 $0x1;
	p0 =	seq.s32 s7, s2  }
0x1e: {  	s7 =	smul.u32 @!p0 $0xF7A, s2;
	p2 =	seq.s32 @!p0 s5, $0x0  }
0x1f: {  	s9 =	smul.u32 $0xF7A, s1;
	s8 =	simm.s32 @!p0 $0x1BF5;
	p2 =	por !p2, p0  }
0x20: {  	[sflag:s8] =	ssyncset.s32 @!p0 $0xFFFFF086;
	s6 =	sadd.s32 @!p0 s3, s7;
	s7 =	simm.s32 @!p0 $0x108  }
0x21: {  	s3 =	sadd.s32 s3, s9;
	s6 =	sadd.s32 @!p0 $0x88, s6;
	s7 =	simm.s32 @p2 $0x1082  }
0x22: {  	[simem:s7], [sflag:s8] =	dma.local @!p0 [hbm:s6], $0xF7A  }
0x23: {  	s9 =	sor.u32 $0xD0000000, s2;
	s6 =	simm.s32 $0x108;
	_ =	swait.ge @!p0 [sflag:s8], $0x0  }
0x24: {  	s3 =	sadd.s32 $0x88, s3;
	s6 =	simm.s32 @!p1 $0x1082;
	[sflag:s4] =	ssyncset.s32 $0xFFFFF086  }
0x25: {  	[simem:s6], [sflag:s4] =	dma.local [hbm:s3], $0xF7A  }
0x26: {  	[smem:$0x3F90] =	sst s1;
	(tag) =	ssettag s2;
	_ =	strace s9  }
0x27: {  	s1 =	sld [smem:$0x3FA0]  }
0x28: {  	s2 =	sld [smem:$0x3FA1]  }
0x29: {  	s4 =	sld [smem:$0x3FA3]  }
0x2a: {  	p0 =	seq.s32 s5, $0x0;
	s5 =	sld [smem:$0x3FA4]  }
0x2b: {  	s6 =	sld [smem:$0x3FA5]  }
0x2c: {  	s7 =	sld [smem:$0x3FA6]  }
0x2d: {  	s3 =	simm.s32 $0x108;
	s8 =	sld [smem:$0x3FA7]  }
0x2e: {  	s3 =	simm.s32 @!p0 $0x1082;
	s9 =	sld [smem:$0x3FA8]  }
0x2f: {  	lr =	sadd.s32 s0, s3;
	s0 =	sld [smem:$0x3F9F]  }
0x30: {  	s3 =	sld [smem:$0x3FA2]  }
0x31: {  	[smem:$0x3FAB] =	sst s10  }
0x32: {  	s10 =	sld [smem:$0x3FA9];
	_ =	sdelay $0x3  }
0x33: {  	p0 =	seq.s32 s10, $0x1;
	s10 =	sld [smem:$0x3FAB];
	_ =	sdelay $0x3  }
0x34: {  	[smem:$0x3FAB] =	sst s10  }
0x35: {  	s10 =	sld [smem:$0x3FAA];
	_ =	sdelay $0x3  }
0x36: {  	p1 =	seq.s32 s10, $0x1;
	s10 =	sld [smem:$0x3FAB];
	_ =	sdelay $0x3  }
0x37: {  	[smem:$0x3FAB] =	sst s10  }
0x38: {  	s10 =	sld [smem:$0x3FAC]  }
0x39: {  	_ = 	snop;
	(pc) =	sbr.ind lr, $3  }
0x3a: {  	_ = 	snop  }
0x3b: {  	_ = 	snop  }
0x3c: {  	p2 =	seq.s32 s10, $0x1;
	s10 =	sld [smem:$0x3FAB]  }
0x3d: {  	_ =	shalt  }
0x3e: {  	_ =	shalt  }
0x3f: {  	_ =	shalt  }
0x40: {  	_ =	shalt  }
0x41: {  	_ =	shalt  }
0x42: {  	_ =	shalt  }
0x43: {  	_ =	shalt  }
0x44: {  	_ =	shalt  }
0x45: {  	_ =	shalt  }
0x46: {  	_ =	shalt  }
0x47: {  	_ =	shalt  }
0x48: {  	_ =	shalt  }
0x49: {  	_ =	shalt  }
0x4a: {  	_ =	shalt  }
0x4b: {  	_ =	shalt  }
0x4c: {  	_ =	shalt  }
0x4d: {  	_ =	shalt  }
0x4e: {  	_ =	shalt  }
0x4f: {  	_ =	shalt  }
0x50: {  	_ =	shalt  }
0x51: {  	_ =	shalt  }
0x52: {  	_ =	shalt  }
0x53: {  	_ =	shalt  }
0x54: {  	_ =	shalt  }
0x55: {  	_ =	shalt  }
0x56: {  	_ =	shalt  }
0x57: {  	_ =	shalt  }
0x58: {  	_ =	shalt  }
0x59: {  	_ =	shalt  }
0x5a: {  	_ =	shalt  }
0x5b: {  	_ =	shalt  }
0x5c: {  	_ =	shalt  }
0x5d: {  	_ =	shalt  }
0x5e: {  	_ =	shalt  }
0x5f: {  	_ =	shalt  }
0x60: {  	_ =	shalt  }
0x61: {  	_ =	shalt  }
0x62: {  	_ =	shalt  }
0x63: {  	_ =	shalt  }
0x64: {  	_ =	shalt  }
0x65: {  	_ =	shalt  }
0x66: {  	_ =	shalt  }
0x67: {  	_ =	shalt  }
0x68: {  	_ =	shalt  }
0x69: {  	_ =	shalt  }
0x6a: {  	_ =	shalt  }
0x6b: {  	_ =	shalt  }
0x6c: {  	_ =	shalt  }
0x6d: {  	_ =	shalt  }
0x6e: {  	_ =	shalt  }
0x6f: {  	_ =	shalt  }
0x70: {  	_ =	shalt  }
0x71: {  	_ =	shalt  }
0x72: {  	_ =	shalt  }
0x73: {  	_ =	shalt  }
0x74: {  	_ =	shalt  }
0x75: {  	_ =	shalt  }
0x76: {  	_ =	shalt  }
0x77: {  	_ =	shalt  }
0x78: {  	_ =	shalt  }
0x79: {  	_ =	shalt  }
0x7a: {  	_ =	shalt  }
0x7b: {  	_ =	shalt  }
0x7c: {  	_ =	shalt  }
0x7d: {  	_ =	shalt  }
0x7e: {  	_ =	shalt  }
0x7f: {  	_ =	shalt  }
0x80: {  	_ =	shalt  }
0x81: {  	_ =	shalt  }
0x82: {  	_ =	shalt  }
0x83: {  	_ =	shalt  }
0x84: {  	_ =	shalt  }
0x85: {  	_ =	shalt  }
0x86: {  	_ =	shalt  }
0x87: {  	_ =	shalt  }
.Lfunc_end0:
.L_simem_size_0:
called_computation.1_lowered:
.L_overlay_start_0:
0x88: {  	s2 =	sld [smem:$0x3FD9]  }
0x89: {  	s3 =	sld [smem:$0x3FFE];
	_ =	sdelay $0x1  }
0x8a: {  	s1 =	srdreg.scid  }
0x8b: {  	s0 =	sand.u32 $0x1, s1  }
0x8c: {  	s16 =	sshll.u32 s0, $0xA;
	s2 =	sadd.s32 s3, s2  }
0x8d: {  	s2 =	sadd.s32 s2, s16  }
0x8e: {  	[smem:$0x3FB7] =	sst s2  }
0x8f: {  	_ = 	snop  }
0x90: {  	(tm) =	ssettm $0x1  }
0x91: {  	s17 =	sld [smem:$0x3FFB];
	_ =	sdelay $0x3  }
0x92: {  	_ =	strace s17  }
0x93: {  	s2 =	sld [smem:$0x3FFC];
	_ =	sdelay $0x3  }
0x94: {  	_ =	strace s2  }
0x95: {  	s2 =	sld [smem:$0x3FFD];
	_ =	sdelay $0x3  }
0x96: {  	_ =	strace s2  }
0x97: {  	_ =	strace $0x8FFFFFFF  }
0x98: {  	s18 =	sld [smem:$0x3FDB];
	_ =	sdelay $0x1  }
0x99: {  	s19 =	simm.s32 $_scs_section_size  }
0x9a: {  	s4 =	simm.s32 $_size__tile_overlayer_lowered;
	s5 =	simm.s32 $_tile_overlayer_lowered  }
0x9b: {  	s22 =	simm.s32 $0x1BFF;
	s21 =	sshll.u32 s5, $0x1;
	s2 =	sadd.s32 s19, s18  }
0x9c: {  	s6 =	simm.s32 $0x0;
	s20 =	sshll.u32 s4, $0x1;
	s4 =	sadd.s32 s21, s2  }
0x9d: {  	[timem:s6], [sflag:s22] =	dma.local [hbm:s4], s20  }
0x9e: {  	_ =	swait.ge [sflag:s22], s20  }
0x9f: {  	s3 =	ssub.s32 $0x0, s20;
	[sflag:s22] =	ssyncset.done $0x0  }
0xa0: {  	[sflag:s22] =	ssyncadd.s32 s3;
	_ =	sdelay $0x1  }
0xa1: {  	s23 =	simm.s32 $0x1B8B  }
0xa2: {  	_ =	swait.ge [sflag:s23], $0x1  }
0xa3: {  	[sflag:s23] =	ssyncset.done $0x0  }
0xa4: {  	s25 =	simm.s32 $0x1B8E;
	s24 =	sld [smem:$0x3FFE];
	[sflag:s23] =	ssyncadd.s32 $0xFFFFFFFF  }
0xa5: {  	s26 =	simm.s32 $execute0_lowered;
	[smem:$0x3FD2] =	sst s25  }
0xa6: {  	s4 =	sshll.u32 s26, $0x1;
	_ =	strace $0x80000049;
	[dreg:$0x1] =	wrdreg $0xFFFFFFFF  }
0xa7: {  	s28 =	simm.s32 $_size_execute0_lowered;
	s2 =	sadd.s32 s2, s4;
	[dreg:$0x0] =	wrdreg $0x0  }
0xa8: {  	s4 =	sshll.u32 s28, $0x1;
	[dreg:$0x2] =	wrdreg s2  }
0xa9: {  	[dreg:$0x3] =	wrdreg s4  }
0xaa: {  	[dreg:$0x4] =	wrdreg $0xC0  }
0xab: {  	_ =	task [dreg:s6], $0x5FFFF  }
0xac: {  	[dreg:$0x1] =	wrdreg $0xFFFFFFFF  }
0xad: {  	[dreg:$0x0] =	wrdreg $0x60  }
0xae: {  	[dreg:$0x2] =	wrdreg s24  }
0xaf: {  	[dreg:$0x3] =	wrdreg $0xB8000  }
0xb0: {  	[dreg:$0x4] =	wrdreg $0x9  }
0xb1: {  	_ =	task.clear_ibuf [dreg:s6], $0x5FFFF;
	_ =	strace $0x90000049  }
0xb2: {  	s29 =	simm.s32 $0x9;
	_ =	strace $0x8000004B  }
0xb3: {  	_ =	swait.ge [sflag:s29], $0x1  }
0xb4: {  	[sflag:s29] =	ssyncadd.s32 $0xFFFFFFFF  }
0xb5: {  	_ =	strace $0x9000004B  }
0xb6: {  	_ =	sfence  }
0xb7: {  	s30 =	sld [smem:$0x0];
	_ =	sdelay $0x2  }
0xb8: {  	s31 =	sshll.u32 s1, $0xD;
	s1 =	sshrl.u32 s1, $0x2  }
0xb9: {  	s3 =	sand.u32 $0x4000, s31;
	s1 =	sadd.s32 s1, s30  }
0xba: {  	s0 =	sor.u32 s3, s0;
	s1 =	sshll.u32 s1, $0x11  }
0xbb: {  	s0 =	sor.u32 s1, s0  }
0xbc: {  	s0 =	sadd.s32 $0x8F2B, s0  }
0xbd: {  	[sflag:s0] =	ssyncadd.remote.s32 $0x1  }
0xbe: {  	_ =	sfence.sel $0xFFFF  }
0xbf: {  	[dreg:$0x0] =	wrdreg $0xFFFFFFFF;
	(pc) =	sbr.abs _section_cstart, $3  }
0xc0: {  	[dreg:$0x1] =	wrdreg $0xFFFFFFFF  }
0xc1: {  	_ =	task.clear_ibuf [dreg:s6], $0x2FFFF;
	_ =	strace $0x9FFFFFFF  }
0xc2: {  	(tm) =	ssettm $0x7FFFFFFF  }
0xc3: {  	_ =	shalt  }
tec
execute0_lowered:
.L_overlay_start_1:
0x0: {  	(tag) =	ssettag $0x1  }
0x1: {  	s5 =	rddreg [dreg:$0x0]  }
0x2: {  	s2 =	rddreg [dreg:$0x1]  }
0x3: {  	s0 =	rddreg [dreg:$0x2];
	s3 =	simm.s32 $0x0  }
0x4: {  	s1 =	stileid.u32;
	s4 =	srdreg.scid;
	s17 =	simm.s32 $0x1  }
0x5: {  	s18 =	simm.s32 $0x0;
	[smem:$0x7FF] =	sst s3;
	s6 =	smul.u32 $0x2800, s1  }
0x6: {  	s13 =	sand.u32 $0x1, s4;
	s4 =	sadd.s32 $0x3FC00, s5;
	s11 =	smul.u32 $0x50000, s1  }
0x7: {  	s9 =	sadd.s32 $0x8FC00, s5;
	s10 =	sadd.s32 $0xDC00, s5;
	s12 =	smul.u32 $0x1400, s1  }
0x8: {  	s29 =	sshll.u32 s1, $0x6;
	s31 =	smul.u32 $0x780, s1;
	_ =	strace $0x8000004A  }
0x9: {  	s7 =	smul.u32 $0x28000, s13;
	s24 =	ssub.s32 $0x2, s13;
	p0 =	sne.s32 s13, $0x0  }
0xa: {  	s8 =	sadd.s32 s6, s5;
	s25 =	sshrl.u32 s24, $0x1;
	s26 =	sshrl.u32 s11, $0x2  }
0xb: {  	s28 =	sshrl.u32 s12, $0x3;
	s6 =	sadd.s32 s6, s7;
	s15 =	ssub.s32 s24, s25  }
0xc: {  	s16 =	sadd.s32 s26, s2;
	s30 =	sadd.s32 $0x7800, s28;
	s14 =	sadd.s32 s6, s5  }
0xd: {  	s5 =	sadd.s32 $0x17C00, s8;
	s6 =	sor.u32 $0x1C02, s29;
	s7 =	sadd.s32 s9, s30  }
0xe: {  	s8 =	sadd.s32 s10, s30;
	s9 =	sadd.s32 s9, s31;
	s10 =	sadd.s32 s10, s31  }
0xf: {  	s12 =	smax.u32 s15, $0x1;
	s13 =	sshrl.u32 s16, $0x3;
	s15 =	simm.s32 $0x80  }
0x10: {  	s16 =	simm.s32 $0x7800;
	s11 =	sadd.s32 $0x99C00, s14;
	s14 =	simm.s32 $0x2  }
.LBB2_1:
0x11: {  	[spmem:s13], [sflag:s6] =	dma.local [hbm:s5], $0x2800  }
0x12: {  	_ =	swait.ge [sflag:s14], $0x2800  }
0x13: {  	[sflag:s14] =	ssyncset.done $0x0  }
0x14: {  	s19 =	simm.s32 @p0 $0x0;
	s20 =	simm.s32 @p0 $0x2;
	[sflag:s14] =	ssyncadd.s32 $0xFFFFD800  }
0x15: {  	[tilespmem:s19], [sflag:$0x2] =	stream.linear.gather @p0 [hbm4b:s7+s19], $0x1400, $0x38;
	[tilespmem:$0x1F800] =	vst v63  }
0x16: {  	_ =	swait.ge @p0 [sflag:s20], $0x1400  }
0x17: {  	[sflag:s20] =	ssyncset.done @p0 $0x0  }
0x18: {  	s21 =	simm.s32 @p0 $0x3C00;
	[sflag:s20] =	ssyncadd.s32 @p0 $0xFFFFEC00  }
0x19: {  	[tilespmem:s21], [sflag:$0x2] =	stream.linear.gather @p0 [hbm4b:s8+s19], $0x1400, $0x38;
	[tilespmem:$0x1F800] =	vst v63  }
0x1a: {  	_ =	swait.ge @p0 [sflag:s20], $0x1400  }
0x1b: {  	[sflag:s20] =	ssyncset.done @p0 $0x0  }
0x1c: {  	s19 =	simm.s32 @!p0 $0x0;
	[sflag:s20] =	ssyncadd.s32 @p0 $0xFFFFEC00;
	s20 =	simm.s32 @!p0 $0x2  }
0x1d: {  	[tilespmem:s19], [sflag:$0x2] =	stream.linear.gather @!p0 [hbm4b:s9+s19], $0x3C00, $0x38;
	[tilespmem:$0x1F800] =	vst v63  }
0x1e: {  	_ =	swait.ge @!p0 [sflag:s20], $0x3C00  }
0x1f: {  	[sflag:s20] =	ssyncset.done @!p0 $0x0  }
0x20: {  	s21 =	simm.s32 @!p0 $0x3C00;
	[sflag:s20] =	ssyncadd.s32 @!p0 $0xFFFFC400  }
0x21: {  	[tilespmem:s21], [sflag:$0x2] =	stream.linear.gather @!p0 [hbm4b:s10+s19], $0x3C00, $0x38;
	[tilespmem:$0x1F800] =	vst v63  }
0x22: {  	_ =	swait.ge @!p0 [sflag:s20], $0x3C00  }
0x23: {  	[sflag:s20] =	ssyncset.done @!p0 $0x0  }
0x24: {  	[sflag:s20] =	ssyncadd.s32 @!p0 $0xFFFFC400;
	s20 =	simm.s32 @!p0 $0x78  }
0x25: {  	[bflag:$0x0] =	sbarrier.arrive $0xFFFF;
	s20 =	simm.s32 @p0 $0x28  }
0x26: {  	[tilespmem:s16], [sflag:$0x1] =	stream.indirect.gather [hbm4b:s4+s15], $0x80, s3, s15, $0xb8;
	[tilespmem:$0x1F800] =	vst v63  }
0x27: {  	p1 =	sne.s32 s20, $0x1;
	_ =	swait.ge [sflag:s17], $0x4000  }
.Ltmp0:
0x28: {  	[sflag:s17] =	ssyncset.done $0x0;
	(pc) =	sbr.rel @!p1 .LBB2_3-.Ltmp0, $4  }
0x29: {  	s19 =	simm.s32 $0x3C00;
	[sflag:s17] =	ssyncadd.s32 $0xFFFFC000  }
0x2a: {  	[spmem:s2] =	stream.indirect.scatter.add.f32 [tilespmem:s16], [sflag:$0x2], $0x80, s19, s15, $0xb8;
	[tilespmem:$0x1F800] =	vst v63  }
0x2b: {  	_ =	swait.ge [sflag:s14], $0x4000  }
0x2c: {  	s21 =	simm.s32 $0x0;
	s20 =	sadd.s32 $0xFFFFFFFF, s20;
	[sflag:s14] =	ssyncset.done $0x0  }
.LBB2_2:
0x2d: {  	[sflag:s14] =	ssyncadd.s32 $0xFFFFC000;
	s21 =	sadd.s32 $0x80, s21;
	s19 =	sadd.s32 $0x80, s19  }
0x2e: {  	[tilespmem:s16], [sflag:$0x1] =	stream.indirect.gather [hbm4b:s4+s15], $0x80, s21, s15, $0xb8;
	[tilespmem:$0x1F800] =	vst v63  }
0x2f: {  	p1 =	sne.s32 s20, $0x1;
	s20 =	sadd.s32 $0xFFFFFFFF, s20;
	_ =	swait.ge [sflag:s17], $0x4000  }
.Ltmp1:
0x30: {  	[sflag:s17] =	ssyncset.done $0x0;
	(pc) =	sbr.rel @p1 .LBB2_2-.Ltmp1, $4  }
0x31: {  	[sflag:s17] =	ssyncadd.s32 $0xFFFFC000  }
0x32: {  	[spmem:s2] =	stream.indirect.scatter.add.f32 [tilespmem:s16], [sflag:$0x2], $0x80, s19, s15, $0xb8;
	[tilespmem:$0x1F800] =	vst v63  }
0x33: {  	_ =	swait.ge [sflag:s14], $0x4000  }
0x34: {  	[sflag:s14] =	ssyncset.done $0x0  }
.LBB2_3:
0x35: {  	s18 =	sadd.s32 $0x1, s18  }
0x36: {  	[sflag:s14] =	ssyncadd.s32 $0xFFFFC000;
	p1 =	sne.s32 s18, s12  }
.Ltmp2:
0x37: {  	[bflag:$0x0] =	sbarrier.arrive $0xFFFF;
	(pc) =	sbr.rel @p1 .LBB2_1-.Ltmp2, $4  }
0x38: {  	[hbm:s11], [sflag:s6] =	dma.local [spmem:s13], $0x2800  }
0x39: {  	_ =	swait.ge [sflag:s14], $0x2800  }
0x3a: {  	[sflag:s14] =	ssyncset.done $0x0  }
0x3b: {  	[sflag:s14] =	ssyncadd.s32 $0xFFFFD800  }
0x3c: {  	_ =	sfence.sel $0x180000  }
0x3d: {  	[bflag:$0x0] =	sbarrier.arrive $0xFFFF  }
0x3e: {  	p0 =	sne.s32 s1, $0x0;
	_ =	strace $0x9000004A  }
0x3f: {  	s0 =	sadd.s32 @!p0 $0x100000, s0;
	[bflag:$0x2] =	sbarrier.arrive $0xFFFF  }
0x40: {  	[sflag:s0] =	ssyncadd.tile.s32 @!p0 $0x1;
	_ =	shalt  }
.Lfunc_end2:
_tile_overlayer_lowered:
.L_overlay_start_2:
0x41: {  	(tag) =	ssettag $0x2  }
0x42: {  	s0 =	rddreg [dreg:$0x0];
	s2 =	stileid.u32  }
0x43: {  	s1 =	rddreg [dreg:$0x1];
	p0 =	sne.s32 s2, $0x0  }
0x44: {  	s3 =	rddreg [dreg:$0x2];
	[bflag:$0x3] =	sbarrier.arrive $0xFFFF;
	s2 =	simm.s32 @!p0 $0x1C02  }
0x45: {  	[timem:s3], [sflag:s2] =	dma.local @!p0 [hbm:s0], s1  }
0x46: {  	s0 =	simm.s32 @!p0 $0x2  }
0x47: {  	_ =	swait.ge @!p0 [sflag:s0], s1  }
0x48: {  	s1 =	ssub.s32 @!p0 $0x0, s1;
	[sflag:s0] =	ssyncset.done @!p0 $0x0  }
0x49: {  	[sflag:s0] =	ssyncadd.s32 @!p0 s1  }
0x4a: {  	[bflag:$0x3] =	sbarrier.arrive $0xFFFF  }
0x4b: {  	_ =	shalt  }

// kernel: kernel.18.cloned.1.call-start
scs
__scs_entry_jumppad:
0x0: {  	(pc) =	sbr.rel $0x88, $3  }
0x1: {  	(tag) =	ssettag $0x0;
	lr =	simm.s32 $0x1  }
0x2: {  	[smem:$0x3F90] =	sst lr;
	_ =	strace $0xD0000000  }
0x3: {  	_ = 	snop  }
0x4: {  	_ = 	snop  }
0x5: {  	_ = 	snop  }
0x6: {  	_ = 	snop  }
0x7: {  	_ = 	snop  }
__scs_overlays_trampoline_lowered:
0x8: {  	[smem:$0x3F9F] =	sst s0  }
0x9: {  	[smem:$0x3FA0] =	sst s1  }
0xa: {  	[smem:$0x3FA1] =	sst s2  }
0xb: {  	[smem:$0x3FA2] =	sst s3  }
0xc: {  	[smem:$0x3FA3] =	sst s4  }
0xd: {  	[smem:$0x3FA4] =	sst s5  }
0xe: {  	[smem:$0x3FA5] =	sst s6  }
0xf: {  	[smem:$0x3FA6] =	sst s7  }
0x10: {  	[smem:$0x3FA7] =	sst s8  }
0x11: {  	[smem:$0x3FA8] =	sst s9;
	s0 =	simm.s32 @!p0 $0x0  }
0x12: {  	s1 =	sld [smem:$0x3F8E];
	s0 =	simm.s32 @p0 $0x1  }
0x13: {  	[smem:$0x3FA9] =	sst s0;
	s0 =	simm.s32 @!p1 $0x0  }
0x14: {  	s2 =	sld [smem:$0x3F8D];
	s0 =	simm.s32 @p1 $0x1  }
0x15: {  	[smem:$0x3FAA] =	sst s0;
	s0 =	simm.s32 @!p2 $0x0  }
0x16: {  	s3 =	sld [smem:$0x3FDB];
	s0 =	simm.s32 @p2 $0x1  }
0x17: {  	s4 =	simm.s32 $0x1BF5;
	[smem:$0x3FAC] =	sst s0  }
0x18: {  	s0 =	sld [smem:$0x3F8F];
	_ =	swait.ge [sflag:s4], $0x0  }
0x19: {  	s7 =	sld [smem:$0x3F90]  }
0x1a: {  	s8 =	sadd.s32 $0xFFFFE003, lr  }
0x1b: {  	s9 =	sadd.s32 $0xFFFFFEF7, lr;
	s5 =	simm.s32 $0xFFFFFFFF;
	p2 =	slt.u32 s8, $0xFFFFF086  }
0x1c: {  	p1 =	slt.u32 s9, $0xF7A;
	s5 =	simm.s32 @!p2 $0x0  }
0x1d: {  	s5 =	simm.s32 @p1 $0x1;
	p0 =	seq.s32 s7, s2  }
0x1e: {  	s7 =	smul.u32 @!p0 $0xF7A, s2;
	p2 =	seq.s32 @!p0 s5, $0x0  }
0x1f: {  	s9 =	smul.u32 $0xF7A, s1;
	s8 =	simm.s32 @!p0 $0x1BF5;
	p2 =	por !p2, p0  }
0x20: {  	[sflag:s8] =	ssyncset.s32 @!p0 $0xFFFFF086;
	s6 =	sadd.s32 @!p0 s3, s7;
	s7 =	simm.s32 @!p0 $0x108  }
0x21: {  	s3 =	sadd.s32 s3, s9;
	s6 =	sadd.s32 @!p0 $0x88, s6;
	s7 =	simm.s32 @p2 $0x1082  }
0x22: {  	[simem:s7], [sflag:s8] =	dma.local @!p0 [hbm:s6], $0xF7A  }
0x23: {  	s9 =	sor.u32 $0xD0000000, s2;
	s6 =	simm.s32 $0x108;
	_ =	swait.ge @!p0 [sflag:s8], $0x0  }
0x24: {  	s3 =	sadd.s32 $0x88, s3;
	s6 =	simm.s32 @!p1 $0x1082;
	[sflag:s4] =	ssyncset.s32 $0xFFFFF086  }
0x25: {  	[simem:s6], [sflag:s4] =	dma.local [hbm:s3], $0xF7A  }
0x26: {  	[smem:$0x3F90] =	sst s1;
	(tag) =	ssettag s2;
	_ =	strace s9  }
0x27: {  	s1 =	sld [smem:$0x3FA0]  }
0x28: {  	s2 =	sld [smem:$0x3FA1]  }
0x29: {  	s4 =	sld [smem:$0x3FA3]  }
0x2a: {  	p0 =	seq.s32 s5, $0x0;
	s5 =	sld [smem:$0x3FA4]  }
0x2b: {  	s6 =	sld [smem:$0x3FA5]  }
0x2c: {  	s7 =	sld [smem:$0x3FA6]  }
0x2d: {  	s3 =	simm.s32 $0x108;
	s8 =	sld [smem:$0x3FA7]  }
0x2e: {  	s3 =	simm.s32 @!p0 $0x1082;
	s9 =	sld [smem:$0x3FA8]  }
0x2f: {  	lr =	sadd.s32 s0, s3;
	s0 =	sld [smem:$0x3F9F]  }
0x30: {  	s3 =	sld [smem:$0x3FA2]  }
0x31: {  	[smem:$0x3FAB] =	sst s10  }
0x32: {  	s10 =	sld [smem:$0x3FA9];
	_ =	sdelay $0x3  }
0x33: {  	p0 =	seq.s32 s10, $0x1;
	s10 =	sld [smem:$0x3FAB];
	_ =	sdelay $0x3  }
0x34: {  	[smem:$0x3FAB] =	sst s10  }
0x35: {  	s10 =	sld [smem:$0x3FAA];
	_ =	sdelay $0x3  }
0x36: {  	p1 =	seq.s32 s10, $0x1;
	s10 =	sld [smem:$0x3FAB];
	_ =	sdelay $0x3  }
0x37: {  	[smem:$0x3FAB] =	sst s10  }
0x38: {  	s10 =	sld [smem:$0x3FAC]  }
0x39: {  	_ = 	snop;
	(pc) =	sbr.ind lr, $3  }
0x3a: {  	_ = 	snop  }
0x3b: {  	_ = 	snop  }
0x3c: {  	p2 =	seq.s32 s10, $0x1;
	s10 =	sld [smem:$0x3FAB]  }
0x3d: {  	_ =	shalt  }
0x3e: {  	_ =	shalt  }
0x3f: {  	_ =	shalt  }
0x40: {  	_ =	shalt  }
0x41: {  	_ =	shalt  }
0x42: {  	_ =	shalt  }
0x43: {  	_ =	shalt  }
0x44: {  	_ =	shalt  }
0x45: {  	_ =	shalt  }
0x46: {  	_ =	shalt  }
0x47: {  	_ =	shalt  }
0x48: {  	_ =	shalt  }
0x49: {  	_ =	shalt  }
0x4a: {  	_ =	shalt  }
0x4b: {  	_ =	shalt  }
0x4c: {  	_ =	shalt  }
0x4d: {  	_ =	shalt  }
0x4e: {  	_ =	shalt  }
0x4f: {  	_ =	shalt  }
0x50: {  	_ =	shalt  }
0x51: {  	_ =	shalt  }
0x52: {  	_ =	shalt  }
0x53: {  	_ =	shalt  }
0x54: {  	_ =	shalt  }
0x55: {  	_ =	shalt  }
0x56: {  	_ =	shalt  }
0x57: {  	_ =	shalt  }
0x58: {  	_ =	shalt  }
0x59: {  	_ =	shalt  }
0x5a: {  	_ =	shalt  }
0x5b: {  	_ =	shalt  }
0x5c: {  	_ =	shalt  }
0x5d: {  	_ =	shalt  }
0x5e: {  	_ =	shalt  }
0x5f: {  	_ =	shalt  }
0x60: {  	_ =	shalt  }
0x61: {  	_ =	shalt  }
0x62: {  	_ =	shalt  }
0x63: {  	_ =	shalt  }
0x64: {  	_ =	shalt  }
0x65: {  	_ =	shalt  }
0x66: {  	_ =	shalt  }
0x67: {  	_ =	shalt  }
0x68: {  	_ =	shalt  }
0x69: {  	_ =	shalt  }
0x6a: {  	_ =	shalt  }
0x6b: {  	_ =	shalt  }
0x6c: {  	_ =	shalt  }
0x6d: {  	_ =	shalt  }
0x6e: {  	_ =	shalt  }
0x6f: {  	_ =	shalt  }
0x70: {  	_ =	shalt  }
0x71: {  	_ =	shalt  }
0x72: {  	_ =	shalt  }
0x73: {  	_ =	shalt  }
0x74: {  	_ =	shalt  }
0x75: {  	_ =	shalt  }
0x76: {  	_ =	shalt  }
0x77: {  	_ =	shalt  }
0x78: {  	_ =	shalt  }
0x79: {  	_ =	shalt  }
0x7a: {  	_ =	shalt  }
0x7b: {  	_ =	shalt  }
0x7c: {  	_ =	shalt  }
0x7d: {  	_ =	shalt  }
0x7e: {  	_ =	shalt  }
0x7f: {  	_ =	shalt  }
0x80: {  	_ =	shalt  }
0x81: {  	_ =	shalt  }
0x82: {  	_ =	shalt  }
0x83: {  	_ =	shalt  }
0x84: {  	_ =	shalt  }
0x85: {  	_ =	shalt  }
0x86: {  	_ =	shalt  }
0x87: {  	_ =	shalt  }
.Lfunc_end0:
.L_simem_size_0:
called_computation.2_lowered:
.L_overlay_start_0:
0x88: {  	s2 =	sld [smem:$0x3FD9]  }
0x89: {  	s3 =	sld [smem:$0x3FFE];
	_ =	sdelay $0x1  }
0x8a: {  	s1 =	srdreg.scid  }
0x8b: {  	s0 =	sand.u32 $0x1, s1  }
0x8c: {  	s16 =	sshll.u32 s0, $0xA;
	s2 =	sadd.s32 s3, s2  }
0x8d: {  	s2 =	sadd.s32 s2, s16  }
0x8e: {  	[smem:$0x3FB7] =	sst s2  }
0x8f: {  	_ = 	snop  }
0x90: {  	(tm) =	ssettm $0x1  }
0x91: {  	s17 =	sld [smem:$0x3FFB];
	_ =	sdelay $0x3  }
0x92: {  	_ =	strace s17  }
0x93: {  	s2 =	sld [smem:$0x3FFC];
	_ =	sdelay $0x3  }
0x94: {  	_ =	strace s2  }
0x95: {  	s2 =	sld [smem:$0x3FFD];
	_ =	sdelay $0x3  }
0x96: {  	_ =	strace s2  }
0x97: {  	_ =	strace $0x8FFFFFFF  }
0x98: {  	s18 =	sld [smem:$0x3FDB];
	_ =	sdelay $0x1  }
0x99: {  	s19 =	simm.s32 $_scs_section_size  }
0x9a: {  	s4 =	simm.s32 $_size__tile_overlayer_lowered;
	s5 =	simm.s32 $_tile_overlayer_lowered  }
0x9b: {  	s22 =	simm.s32 $0x1BFF;
	s21 =	sshll.u32 s5, $0x1;
	s2 =	sadd.s32 s19, s18  }
0x9c: {  	s6 =	simm.s32 $0x0;
	s20 =	sshll.u32 s4, $0x1;
	s4 =	sadd.s32 s21, s2  }
0x9d: {  	[timem:s6], [sflag:s22] =	dma.local [hbm:s4], s20  }
0x9e: {  	_ =	swait.ge [sflag:s22], s20  }
0x9f: {  	s3 =	ssub.s32 $0x0, s20;
	[sflag:s22] =	ssyncset.done $0x0  }
0xa0: {  	[sflag:s22] =	ssyncadd.s32 s3;
	_ =	sdelay $0x1  }
0xa1: {  	s23 =	simm.s32 $0x1B8B  }
0xa2: {  	_ =	swait.ge [sflag:s23], $0x1  }
0xa3: {  	[sflag:s23] =	ssyncset.done $0x0  }
0xa4: {  	s25 =	simm.s32 $0x1B8E;
	s24 =	sld [smem:$0x3FFE];
	[sflag:s23] =	ssyncadd.s32 $0xFFFFFFFF  }
0xa5: {  	s26 =	simm.s32 $execute0_lowered;
	[smem:$0x3FD2] =	sst s25  }
0xa6: {  	s4 =	sshll.u32 s26, $0x1;
	_ =	strace $0x8000004C;
	[dreg:$0x1] =	wrdreg $0xFFFFFFFF  }
0xa7: {  	s28 =	simm.s32 $_size_execute0_lowered;
	s2 =	sadd.s32 s2, s4;
	[dreg:$0x0] =	wrdreg $0x0  }
0xa8: {  	s4 =	sshll.u32 s28, $0x1;
	[dreg:$0x2] =	wrdreg s2  }
0xa9: {  	[dreg:$0x3] =	wrdreg s4  }
0xaa: {  	[dreg:$0x4] =	wrdreg $0xC0  }
0xab: {  	_ =	task [dreg:s6], $0x5FFFF  }
0xac: {  	[dreg:$0x1] =	wrdreg $0xFFFFFFFF  }
0xad: {  	[dreg:$0x0] =	wrdreg $0x60  }
0xae: {  	[dreg:$0x2] =	wrdreg s24  }
0xaf: {  	[dreg:$0x3] =	wrdreg $0xB8000  }
0xb0: {  	[dreg:$0x4] =	wrdreg $0x9  }
0xb1: {  	_ =	task.clear_ibuf [dreg:s6], $0x5FFFF;
	_ =	strace $0x9000004C  }
0xb2: {  	s29 =	simm.s32 $0x9;
	_ =	strace $0x8000004E  }
0xb3: {  	_ =	swait.ge [sflag:s29], $0x1  }
0xb4: {  	[sflag:s29] =	ssyncadd.s32 $0xFFFFFFFF  }
0xb5: {  	_ =	strace $0x9000004E  }
0xb6: {  	_ =	sfence  }
0xb7: {  	s30 =	sld [smem:$0x0];
	_ =	sdelay $0x2  }
0xb8: {  	s31 =	sshll.u32 s1, $0xD;
	s1 =	sshrl.u32 s1, $0x2  }
0xb9: {  	s3 =	sand.u32 $0x4000, s31;
	s1 =	sadd.s32 s1, s30  }
0xba: {  	s0 =	sor.u32 s3, s0;
	s1 =	sshll.u32 s1, $0x11  }
0xbb: {  	s0 =	sor.u32 s1, s0  }
0xbc: {  	s0 =	sadd.s32 $0x8F2B, s0  }
0xbd: {  	[sflag:s0] =	ssyncadd.remote.s32 $0x1  }
0xbe: {  	_ =	sfence.sel $0xFFFF  }
0xbf: {  	[dreg:$0x0] =	wrdreg $0xFFFFFFFF;
	(pc) =	sbr.abs _section_cstart, $3  }
0xc0: {  	[dreg:$0x1] =	wrdreg $0xFFFFFFFF  }
0xc1: {  	_ =	task.clear_ibuf [dreg:s6], $0x2FFFF;
	_ =	strace $0x9FFFFFFF  }
0xc2: {  	(tm) =	ssettm $0x7FFFFFFF  }
0xc3: {  	_ =	shalt  }
tec
execute0_lowered:
.L_overlay_start_1:
0x0: {  	(tag) =	ssettag $0x1  }
0x1: {  	s5 =	rddreg [dreg:$0x0]  }
0x2: {  	s2 =	rddreg [dreg:$0x1]  }
0x3: {  	s0 =	rddreg [dreg:$0x2];
	s3 =	simm.s32 $0x0  }
0x4: {  	s1 =	stileid.u32;
	s4 =	srdreg.scid;
	s17 =	simm.s32 $0x1  }
0x5: {  	s18 =	simm.s32 $0x0;
	[smem:$0x7FF] =	sst s3;
	s6 =	smul.u32 $0x2800, s1  }
0x6: {  	s13 =	sand.u32 $0x1, s4;
	s4 =	sadd.s32 $0x3FC00, s5;
	s11 =	smul.u32 $0x50000, s1  }
0x7: {  	s9 =	sadd.s32 $0x8FC00, s5;
	s10 =	sadd.s32 $0xDC00, s5;
	s12 =	smul.u32 $0x1400, s1  }
0x8: {  	s29 =	sshll.u32 s1, $0x6;
	s31 =	smul.u32 $0x780, s1;
	_ =	strace $0x8000004D  }
0x9: {  	s7 =	smul.u32 $0x28000, s13;
	s24 =	ssub.s32 $0x2, s13;
	p0 =	sne.s32 s13, $0x0  }
0xa: {  	s8 =	sadd.s32 s6, s5;
	s25 =	sshrl.u32 s24, $0x1;
	s26 =	sshrl.u32 s11, $0x2  }
0xb: {  	s28 =	sshrl.u32 s12, $0x3;
	s6 =	sadd.s32 s6, s7;
	s15 =	ssub.s32 s24, s25  }
0xc: {  	s16 =	sadd.s32 s26, s2;
	s30 =	sadd.s32 $0x7800, s28;
	s14 =	sadd.s32 s6, s5  }
0xd: {  	s5 =	sadd.s32 $0x17C00, s8;
	s6 =	sor.u32 $0x1C02, s29;
	s7 =	sadd.s32 s9, s30  }
0xe: {  	s8 =	sadd.s32 s10, s30;
	s9 =	sadd.s32 s9, s31;
	s10 =	sadd.s32 s10, s31  }
0xf: {  	s12 =	smax.u32 s15, $0x1;
	s13 =	sshrl.u32 s16, $0x3;
	s15 =	simm.s32 $0x80  }
0x10: {  	s16 =	simm.s32 $0x7800;
	s11 =	sadd.s32 $0x99C00, s14;
	s14 =	simm.s32 $0x2  }
.LBB2_1:
0x11: {  	[spmem:s13], [sflag:s6] =	dma.local [hbm:s5], $0x2800  }
0x12: {  	_ =	swait.ge [sflag:s14], $0x2800  }
0x13: {  	[sflag:s14] =	ssyncset.done $0x0  }
0x14: {  	s19 =	simm.s32 @p0 $0x0;
	s20 =	simm.s32 @p0 $0x2;
	[sflag:s14] =	ssyncadd.s32 $0xFFFFD800  }
0x15: {  	[tilespmem:s19], [sflag:$0x2] =	stream.linear.gather @p0 [hbm4b:s7+s19], $0x1400, $0x38;
	[tilespmem:$0x1F800] =	vst v63  }
0x16: {  	_ =	swait.ge @p0 [sflag:s20], $0x1400  }
0x17: {  	[sflag:s20] =	ssyncset.done @p0 $0x0  }
0x18: {  	s21 =	simm.s32 @p0 $0x3C00;
	[sflag:s20] =	ssyncadd.s32 @p0 $0xFFFFEC00  }
0x19: {  	[tilespmem:s21], [sflag:$0x2] =	stream.linear.gather @p0 [hbm4b:s8+s19], $0x1400, $0x38;
	[tilespmem:$0x1F800] =	vst v63  }
0x1a: {  	_ =	swait.ge @p0 [sflag:s20], $0x1400  }
0x1b: {  	[sflag:s20] =	ssyncset.done @p0 $0x0  }
0x1c: {  	s19 =	simm.s32 @!p0 $0x0;
	[sflag:s20] =	ssyncadd.s32 @p0 $0xFFFFEC00;
	s20 =	simm.s32 @!p0 $0x2  }
0x1d: {  	[tilespmem:s19], [sflag:$0x2] =	stream.linear.gather @!p0 [hbm4b:s9+s19], $0x3C00, $0x38;
	[tilespmem:$0x1F800] =	vst v63  }
0x1e: {  	_ =	swait.ge @!p0 [sflag:s20], $0x3C00  }
0x1f: {  	[sflag:s20] =	ssyncset.done @!p0 $0x0  }
0x20: {  	s21 =	simm.s32 @!p0 $0x3C00;
	[sflag:s20] =	ssyncadd.s32 @!p0 $0xFFFFC400  }
0x21: {  	[tilespmem:s21], [sflag:$0x2] =	stream.linear.gather @!p0 [hbm4b:s10+s19], $0x3C00, $0x38;
	[tilespmem:$0x1F800] =	vst v63  }
0x22: {  	_ =	swait.ge @!p0 [sflag:s20], $0x3C00  }
0x23: {  	[sflag:s20] =	ssyncset.done @!p0 $0x0  }
0x24: {  	[sflag:s20] =	ssyncadd.s32 @!p0 $0xFFFFC400;
	s20 =	simm.s32 @!p0 $0x78  }
0x25: {  	[bflag:$0x0] =	sbarrier.arrive $0xFFFF;
	s20 =	simm.s32 @p0 $0x28  }
0x26: {  	[tilespmem:s16], [sflag:$0x1] =	stream.indirect.gather [hbm4b:s4+s15], $0x80, s3, s15, $0xb8;
	[tilespmem:$0x1F800] =	vst v63  }
0x27: {  	p1 =	sne.s32 s20, $0x1;
	_ =	swait.ge [sflag:s17], $0x4000  }
.Ltmp0:
0x28: {  	[sflag:s17] =	ssyncset.done $0x0;
	(pc) =	sbr.rel @!p1 .LBB2_3-.Ltmp0, $4  }
0x29: {  	s19 =	simm.s32 $0x3C00;
	[sflag:s17] =	ssyncadd.s32 $0xFFFFC000  }
0x2a: {  	[spmem:s2] =	stream.indirect.scatter.add.f32 [tilespmem:s16], [sflag:$0x2], $0x80, s19, s15, $0xb8;
	[tilespmem:$0x1F800] =	vst v63  }
0x2b: {  	_ =	swait.ge [sflag:s14], $0x4000  }
0x2c: {  	s21 =	simm.s32 $0x0;
	s20 =	sadd.s32 $0xFFFFFFFF, s20;
	[sflag:s14] =	ssyncset.done $0x0  }
.LBB2_2:
0x2d: {  	[sflag:s14] =	ssyncadd.s32 $0xFFFFC000;
	s21 =	sadd.s32 $0x80, s21;
	s19 =	sadd.s32 $0x80, s19  }
0x2e: {  	[tilespmem:s16], [sflag:$0x1] =	stream.indirect.gather [hbm4b:s4+s15], $0x80, s21, s15, $0xb8;
	[tilespmem:$0x1F800] =	vst v63  }
0x2f: {  	p1 =	sne.s32 s20, $0x1;
	s20 =	sadd.s32 $0xFFFFFFFF, s20;
	_ =	swait.ge [sflag:s17], $0x4000  }
.Ltmp1:
0x30: {  	[sflag:s17] =	ssyncset.done $0x0;
	(pc) =	sbr.rel @p1 .LBB2_2-.Ltmp1, $4  }
0x31: {  	[sflag:s17] =	ssyncadd.s32 $0xFFFFC000  }
0x32: {  	[spmem:s2] =	stream.indirect.scatter.add.f32 [tilespmem:s16], [sflag:$0x2], $0x80, s19, s15, $0xb8;
	[tilespmem:$0x1F800] =	vst v63  }
0x33: {  	_ =	swait.ge [sflag:s14], $0x4000  }
0x34: {  	[sflag:s14] =	ssyncset.done $0x0  }
.LBB2_3:
0x35: {  	s18 =	sadd.s32 $0x1, s18  }
0x36: {  	[sflag:s14] =	ssyncadd.s32 $0xFFFFC000;
	p1 =	sne.s32 s18, s12  }
.Ltmp2:
0x37: {  	[bflag:$0x0] =	sbarrier.arrive $0xFFFF;
	(pc) =	sbr.rel @p1 .LBB2_1-.Ltmp2, $4  }
0x38: {  	[hbm:s11], [sflag:s6] =	dma.local [spmem:s13], $0x2800  }
0x39: {  	_ =	swait.ge [sflag:s14], $0x2800  }
0x3a: {  	[sflag:s14] =	ssyncset.done $0x0  }
0x3b: {  	[sflag:s14] =	ssyncadd.s32 $0xFFFFD800  }
0x3c: {  	_ =	sfence.sel $0x180000  }
0x3d: {  	[bflag:$0x0] =	sbarrier.arrive $0xFFFF  }
0x3e: {  	p0 =	sne.s32 s1, $0x0;
	_ =	strace $0x9000004D  }
0x3f: {  	s0 =	sadd.s32 @!p0 $0x100000, s0;
	[bflag:$0x2] =	sbarrier.arrive $0xFFFF  }
0x40: {  	[sflag:s0] =	ssyncadd.tile.s32 @!p0 $0x1;
	_ =	shalt  }
.Lfunc_end2:
_tile_overlayer_lowered:
.L_overlay_start_2:
0x41: {  	(tag) =	ssettag $0x2  }
0x42: {  	s0 =	rddreg [dreg:$0x0];
	s2 =	stileid.u32  }
0x43: {  	s1 =	rddreg [dreg:$0x1];
	p0 =	sne.s32 s2, $0x0  }
0x44: {  	s3 =	rddreg [dreg:$0x2];
	[bflag:$0x3] =	sbarrier.arrive $0xFFFF;
	s2 =	simm.s32 @!p0 $0x1C02  }
0x45: {  	[timem:s3], [sflag:s2] =	dma.local @!p0 [hbm:s0], s1  }
0x46: {  	s0 =	simm.s32 @!p0 $0x2  }
0x47: {  	_ =	swait.ge @!p0 [sflag:s0], s1  }
0x48: {  	s1 =	ssub.s32 @!p0 $0x0, s1;
	[sflag:s0] =	ssyncset.done @!p0 $0x0  }
0x49: {  	[sflag:s0] =	ssyncadd.s32 @!p0 s1  }
0x4a: {  	[bflag:$0x3] =	sbarrier.arrive $0xFFFF  }
0x4b: {  	_ =	shalt  }

// kernel: kernel.21.cloned.1.call-start
scs
__scs_entry_jumppad:
0x0: {  	(pc) =	sbr.rel $0x88, $3  }
0x1: {  	(tag) =	ssettag $0x0;
	lr =	simm.s32 $0x1  }
0x2: {  	[smem:$0x3F90] =	sst lr;
	_ =	strace $0xD0000000  }
0x3: {  	_ = 	snop  }
0x4: {  	_ = 	snop  }
0x5: {  	_ = 	snop  }
0x6: {  	_ = 	snop  }
0x7: {  	_ = 	snop  }
__scs_overlays_trampoline_lowered:
0x8: {  	[smem:$0x3F9F] =	sst s0  }
0x9: {  	[smem:$0x3FA0] =	sst s1  }
0xa: {  	[smem:$0x3FA1] =	sst s2  }
0xb: {  	[smem:$0x3FA2] =	sst s3  }
0xc: {  	[smem:$0x3FA3] =	sst s4  }
0xd: {  	[smem:$0x3FA4] =	sst s5  }
0xe: {  	[smem:$0x3FA5] =	sst s6  }
0xf: {  	[smem:$0x3FA6] =	sst s7  }
0x10: {  	[smem:$0x3FA7] =	sst s8  }
0x11: {  	[smem:$0x3FA8] =	sst s9;
	s0 =	simm.s32 @!p0 $0x0  }
0x12: {  	s1 =	sld [smem:$0x3F8E];
	s0 =	simm.s32 @p0 $0x1  }
0x13: {  	[smem:$0x3FA9] =	sst s0;
	s0 =	simm.s32 @!p1 $0x0  }
0x14: {  	s2 =	sld [smem:$0x3F8D];
	s0 =	simm.s32 @p1 $0x1  }
0x15: {  	[smem:$0x3FAA] =	sst s0;
	s0 =	simm.s32 @!p2 $0x0  }
0x16: {  	s3 =	sld [smem:$0x3FDB];
	s0 =	simm.s32 @p2 $0x1  }
0x17: {  	s4 =	simm.s32 $0x1BF5;
	[smem:$0x3FAC] =	sst s0  }
0x18: {  	s0 =	sld [smem:$0x3F8F];
	_ =	swait.ge [sflag:s4], $0x0  }
0x19: {  	s7 =	sld [smem:$0x3F90]  }
0x1a: {  	s8 =	sadd.s32 $0xFFFFE003, lr  }
0x1b: {  	s9 =	sadd.s32 $0xFFFFFEF7, lr;
	s5 =	simm.s32 $0xFFFFFFFF;
	p2 =	slt.u32 s8, $0xFFFFF086  }
0x1c: {  	p1 =	slt.u32 s9, $0xF7A;
	s5 =	simm.s32 @!p2 $0x0  }
0x1d: {  	s5 =	simm.s32 @p1 $0x1;
	p0 =	seq.s32 s7, s2  }
0x1e: {  	s7 =	smul.u32 @!p0 $0xF7A, s2;
	p2 =	seq.s32 @!p0 s5, $0x0  }
0x1f: {  	s9 =	smul.u32 $0xF7A, s1;
	s8 =	simm.s32 @!p0 $0x1BF5;
	p2 =	por !p2, p0  }
0x20: {  	[sflag:s8] =	ssyncset.s32 @!p0 $0xFFFFF086;
	s6 =	sadd.s32 @!p0 s3, s7;
	s7 =	simm.s32 @!p0 $0x108  }
0x21: {  	s3 =	sadd.s32 s3, s9;
	s6 =	sadd.s32 @!p0 $0x88, s6;
	s7 =	simm.s32 @p2 $0x1082  }
0x22: {  	[simem:s7], [sflag:s8] =	dma.local @!p0 [hbm:s6], $0xF7A  }
0x23: {  	s9 =	sor.u32 $0xD0000000, s2;
	s6 =	simm.s32 $0x108;
	_ =	swait.ge @!p0 [sflag:s8], $0x0  }
0x24: {  	s3 =	sadd.s32 $0x88, s3;
	s6 =	simm.s32 @!p1 $0x1082;
	[sflag:s4] =	ssyncset.s32 $0xFFFFF086  }
0x25: {  	[simem:s6], [sflag:s4] =	dma.local [hbm:s3], $0xF7A  }
0x26: {  	[smem:$0x3F90] =	sst s1;
	(tag) =	ssettag s2;
	_ =	strace s9  }
0x27: {  	s1 =	sld [smem:$0x3FA0]  }
0x28: {  	s2 =	sld [smem:$0x3FA1]  }
0x29: {  	s4 =	sld [smem:$0x3FA3]  }
0x2a: {  	p0 =	seq.s32 s5, $0x0;
	s5 =	sld [smem:$0x3FA4]  }
0x2b: {  	s6 =	sld [smem:$0x3FA5]  }
0x2c: {  	s7 =	sld [smem:$0x3FA6]  }
0x2d: {  	s3 =	simm.s32 $0x108;
	s8 =	sld [smem:$0x3FA7]  }
0x2e: {  	s3 =	simm.s32 @!p0 $0x1082;
	s9 =	sld [smem:$0x3FA8]  }
0x2f: {  	lr =	sadd.s32 s0, s3;
	s0 =	sld [smem:$0x3F9F]  }
0x30: {  	s3 =	sld [smem:$0x3FA2]  }
0x31: {  	[smem:$0x3FAB] =	sst s10  }
0x32: {  	s10 =	sld [smem:$0x3FA9];
	_ =	sdelay $0x3  }
0x33: {  	p0 =	seq.s32 s10, $0x1;
	s10 =	sld [smem:$0x3FAB];
	_ =	sdelay $0x3  }
0x34: {  	[smem:$0x3FAB] =	sst s10  }
0x35: {  	s10 =	sld [smem:$0x3FAA];
	_ =	sdelay $0x3  }
0x36: {  	p1 =	seq.s32 s10, $0x1;
	s10 =	sld [smem:$0x3FAB];
	_ =	sdelay $0x3  }
0x37: {  	[smem:$0x3FAB] =	sst s10  }
0x38: {  	s10 =	sld [smem:$0x3FAC]  }
0x39: {  	_ = 	snop;
	(pc) =	sbr.ind lr, $3  }
0x3a: {  	_ = 	snop  }
0x3b: {  	_ = 	snop  }
0x3c: {  	p2 =	seq.s32 s10, $0x1;
	s10 =	sld [smem:$0x3FAB]  }
0x3d: {  	_ =	shalt  }
0x3e: {  	_ =	shalt  }
0x3f: {  	_ =	shalt  }
0x40: {  	_ =	shalt  }
0x41: {  	_ =	shalt  }
0x42: {  	_ =	shalt  }
0x43: {  	_ =	shalt  }
0x44: {  	_ =	shalt  }
0x45: {  	_ =	shalt  }
0x46: {  	_ =	shalt  }
0x47: {  	_ =	shalt  }
0x48: {  	_ =	shalt  }
0x49: {  	_ =	shalt  }
0x4a: {  	_ =	shalt  }
0x4b: {  	_ =	shalt  }
0x4c: {  	_ =	shalt  }
0x4d: {  	_ =	shalt  }
0x4e: {  	_ =	shalt  }
0x4f: {  	_ =	shalt  }
0x50: {  	_ =	shalt  }
0x51: {  	_ =	shalt  }
0x52: {  	_ =	shalt  }
0x53: {  	_ =	shalt  }
0x54: {  	_ =	shalt  }
0x55: {  	_ =	shalt  }
0x56: {  	_ =	shalt  }
0x57: {  	_ =	shalt  }
0x58: {  	_ =	shalt  }
0x59: {  	_ =	shalt  }
0x5a: {  	_ =	shalt  }
0x5b: {  	_ =	shalt  }
0x5c: {  	_ =	shalt  }
0x5d: {  	_ =	shalt  }
0x5e: {  	_ =	shalt  }
0x5f: {  	_ =	shalt  }
0x60: {  	_ =	shalt  }
0x61: {  	_ =	shalt  }
0x62: {  	_ =	shalt  }
0x63: {  	_ =	shalt  }
0x64: {  	_ =	shalt  }
0x65: {  	_ =	shalt  }
0x66: {  	_ =	shalt  }
0x67: {  	_ =	shalt  }
0x68: {  	_ =	shalt  }
0x69: {  	_ =	shalt  }
0x6a: {  	_ =	shalt  }
0x6b: {  	_ =	shalt  }
0x6c: {  	_ =	shalt  }
0x6d: {  	_ =	shalt  }
0x6e: {  	_ =	shalt  }
0x6f: {  	_ =	shalt  }
0x70: {  	_ =	shalt  }
0x71: {  	_ =	shalt  }
0x72: {  	_ =	shalt  }
0x73: {  	_ =	shalt  }
0x74: {  	_ =	shalt  }
0x75: {  	_ =	shalt  }
0x76: {  	_ =	shalt  }
0x77: {  	_ =	shalt  }
0x78: {  	_ =	shalt  }
0x79: {  	_ =	shalt  }
0x7a: {  	_ =	shalt  }
0x7b: {  	_ =	shalt  }
0x7c: {  	_ =	shalt  }
0x7d: {  	_ =	shalt  }
0x7e: {  	_ =	shalt  }
0x7f: {  	_ =	shalt  }
0x80: {  	_ =	shalt  }
0x81: {  	_ =	shalt  }
0x82: {  	_ =	shalt  }
0x83: {  	_ =	shalt  }
0x84: {  	_ =	shalt  }
0x85: {  	_ =	shalt  }
0x86: {  	_ =	shalt  }
0x87: {  	_ =	shalt  }
.Lfunc_end0:
.L_simem_size_0:
called_computation.3_lowered:
.L_overlay_start_0:
0x88: {  	s2 =	sld [smem:$0x3FD9]  }
0x89: {  	s3 =	sld [smem:$0x3FFE];
	_ =	sdelay $0x1  }
0x8a: {  	s1 =	srdreg.scid  }
0x8b: {  	s0 =	sand.u32 $0x1, s1  }
0x8c: {  	s16 =	sshll.u32 s0, $0xA;
	s2 =	sadd.s32 s3, s2  }
0x8d: {  	s2 =	sadd.s32 s2, s16  }
0x8e: {  	[smem:$0x3FB7] =	sst s2  }
0x8f: {  	_ = 	snop  }
0x90: {  	(tm) =	ssettm $0x1  }
0x91: {  	s17 =	sld [smem:$0x3FFB];
	_ =	sdelay $0x3  }
0x92: {  	_ =	strace s17  }
0x93: {  	s2 =	sld [smem:$0x3FFC];
	_ =	sdelay $0x3  }
0x94: {  	_ =	strace s2  }
0x95: {  	s2 =	sld [smem:$0x3FFD];
	_ =	sdelay $0x3  }
0x96: {  	_ =	strace s2  }
0x97: {  	_ =	strace $0x8FFFFFFF  }
0x98: {  	s18 =	sld [smem:$0x3FDB];
	_ =	sdelay $0x1  }
0x99: {  	s19 =	simm.s32 $_scs_section_size  }
0x9a: {  	s4 =	simm.s32 $_size__tile_overlayer_lowered;
	s5 =	simm.s32 $_tile_overlayer_lowered  }
0x9b: {  	s22 =	simm.s32 $0x1BFF;
	s21 =	sshll.u32 s5, $0x1;
	s2 =	sadd.s32 s19, s18  }
0x9c: {  	s6 =	simm.s32 $0x0;
	s20 =	sshll.u32 s4, $0x1;
	s4 =	sadd.s32 s21, s2  }
0x9d: {  	[timem:s6], [sflag:s22] =	dma.local [hbm:s4], s20  }
0x9e: {  	_ =	swait.ge [sflag:s22], s20  }
0x9f: {  	s3 =	ssub.s32 $0x0, s20;
	[sflag:s22] =	ssyncset.done $0x0  }
0xa0: {  	[sflag:s22] =	ssyncadd.s32 s3;
	_ =	sdelay $0x1  }
0xa1: {  	s23 =	simm.s32 $0x1B8B  }
0xa2: {  	_ =	swait.ge [sflag:s23], $0x1  }
0xa3: {  	[sflag:s23] =	ssyncset.done $0x0  }
0xa4: {  	s25 =	simm.s32 $0x1B8E;
	s24 =	sld [smem:$0x3FFE];
	[sflag:s23] =	ssyncadd.s32 $0xFFFFFFFF  }
0xa5: {  	s26 =	simm.s32 $execute0_lowered;
	[smem:$0x3FD2] =	sst s25  }
0xa6: {  	s4 =	sshll.u32 s26, $0x1;
	_ =	strace $0x8000004F;
	[dreg:$0x1] =	wrdreg $0xFFFFFFFF  }
0xa7: {  	s28 =	simm.s32 $_size_execute0_lowered;
	s2 =	sadd.s32 s2, s4;
	[dreg:$0x0] =	wrdreg $0x0  }
0xa8: {  	s4 =	sshll.u32 s28, $0x1;
	[dreg:$0x2] =	wrdreg s2  }
0xa9: {  	[dreg:$0x3] =	wrdreg s4  }
0xaa: {  	[dreg:$0x4] =	wrdreg $0xC0  }
0xab: {  	_ =	task [dreg:s6], $0x5FFFF  }
0xac: {  	[dreg:$0x1] =	wrdreg $0xFFFFFFFF  }
0xad: {  	[dreg:$0x0] =	wrdreg $0x60  }
0xae: {  	[dreg:$0x2] =	wrdreg s24  }
0xaf: {  	[dreg:$0x3] =	wrdreg $0xB8000  }
0xb0: {  	[dreg:$0x4] =	wrdreg $0x9  }
0xb1: {  	_ =	task.clear_ibuf [dreg:s6], $0x5FFFF;
	_ =	strace $0x9000004F  }
0xb2: {  	s29 =	simm.s32 $0x9;
	_ =	strace $0x80000051  }
0xb3: {  	_ =	swait.ge [sflag:s29], $0x1  }
0xb4: {  	[sflag:s29] =	ssyncadd.s32 $0xFFFFFFFF  }
0xb5: {  	_ =	strace $0x90000051  }
0xb6: {  	_ =	sfence  }
0xb7: {  	s30 =	sld [smem:$0x0];
	_ =	sdelay $0x2  }
0xb8: {  	s31 =	sshll.u32 s1, $0xD;
	s1 =	sshrl.u32 s1, $0x2  }
0xb9: {  	s3 =	sand.u32 $0x4000, s31;
	s1 =	sadd.s32 s1, s30  }
0xba: {  	s0 =	sor.u32 s3, s0;
	s1 =	sshll.u32 s1, $0x11  }
0xbb: {  	s0 =	sor.u32 s1, s0  }
0xbc: {  	s0 =	sadd.s32 $0x8F2B, s0  }
0xbd: {  	[sflag:s0] =	ssyncadd.remote.s32 $0x1  }
0xbe: {  	_ =	sfence.sel $0xFFFF  }
0xbf: {  	[dreg:$0x0] =	wrdreg $0xFFFFFFFF;
	(pc) =	sbr.abs _section_cstart, $3  }
0xc0: {  	[dreg:$0x1] =	wrdreg $0xFFFFFFFF  }
0xc1: {  	_ =	task.clear_ibuf [dreg:s6], $0x2FFFF;
	_ =	strace $0x9FFFFFFF  }
0xc2: {  	(tm) =	ssettm $0x7FFFFFFF  }
0xc3: {  	_ =	shalt  }
tec
execute0_lowered:
.L_overlay_start_1:
0x0: {  	(tag) =	ssettag $0x1  }
0x1: {  	s5 =	rddreg [dreg:$0x0]  }
0x2: {  	s2 =	rddreg [dreg:$0x1]  }
0x3: {  	s0 =	rddreg [dreg:$0x2];
	s3 =	simm.s32 $0x0  }
0x4: {  	s1 =	stileid.u32;
	s4 =	srdreg.scid;
	s17 =	simm.s32 $0x1  }
0x5: {  	s18 =	simm.s32 $0x0;
	[smem:$0x7FF] =	sst s3;
	s6 =	smul.u32 $0x2800, s1  }
0x6: {  	s13 =	sand.u32 $0x1, s4;
	s4 =	sadd.s32 $0x3FC00, s5;
	s11 =	smul.u32 $0x50000, s1  }
0x7: {  	s9 =	sadd.s32 $0x8FC00, s5;
	s10 =	sadd.s32 $0xDC00, s5;
	s12 =	smul.u32 $0x1400, s1  }
0x8: {  	s29 =	sshll.u32 s1, $0x6;
	s31 =	smul.u32 $0x780, s1;
	_ =	strace $0x80000050  }
0x9: {  	s7 =	smul.u32 $0x28000, s13;
	s24 =	ssub.s32 $0x2, s13;
	p0 =	sne.s32 s13, $0x0  }
0xa: {  	s8 =	sadd.s32 s6, s5;
	s25 =	sshrl.u32 s24, $0x1;
	s26 =	sshrl.u32 s11, $0x2  }
0xb: {  	s28 =	sshrl.u32 s12, $0x3;
	s6 =	sadd.s32 s6, s7;
	s15 =	ssub.s32 s24, s25  }
0xc: {  	s16 =	sadd.s32 s26, s2;
	s30 =	sadd.s32 $0x7800, s28;
	s14 =	sadd.s32 s6, s5  }
0xd: {  	s5 =	sadd.s32 $0x17C00, s8;
	s6 =	sor.u32 $0x1C02, s29;
	s7 =	sadd.s32 s9, s30  }
0xe: {  	s8 =	sadd.s32 s10, s30;
	s9 =	sadd.s32 s9, s31;
	s10 =	sadd.s32 s10, s31  }
0xf: {  	s12 =	smax.u32 s15, $0x1;
	s13 =	sshrl.u32 s16, $0x3;
	s15 =	simm.s32 $0x80  }
0x10: {  	s16 =	simm.s32 $0x7800;
	s11 =	sadd.s32 $0x99C00, s14;
	s14 =	simm.s32 $0x2  }
.LBB2_1:
0x11: {  	[spmem:s13], [sflag:s6] =	dma.local [hbm:s5], $0x2800  }
0x12: {  	_ =	swait.ge [sflag:s14], $0x2800  }
0x13: {  	[sflag:s14] =	ssyncset.done $0x0  }
0x14: {  	s19 =	simm.s32 @p0 $0x0;
	s20 =	simm.s32 @p0 $0x2;
	[sflag:s14] =	ssyncadd.s32 $0xFFFFD800  }
0x15: {  	[tilespmem:s19], [sflag:$0x2] =	stream.linear.gather @p0 [hbm4b:s7+s19], $0x1400, $0x38;
	[tilespmem:$0x1F800] =	vst v63  }
0x16: {  	_ =	swait.ge @p0 [sflag:s20], $0x1400  }
0x17: {  	[sflag:s20] =	ssyncset.done @p0 $0x0  }
0x18: {  	s21 =	simm.s32 @p0 $0x3C00;
	[sflag:s20] =	ssyncadd.s32 @p0 $0xFFFFEC00  }
0x19: {  	[tilespmem:s21], [sflag:$0x2] =	stream.linear.gather @p0 [hbm4b:s8+s19], $0x1400, $0x38;
	[tilespmem:$0x1F800] =	vst v63  }
0x1a: {  	_ =	swait.ge @p0 [sflag:s20], $0x1400  }
0x1b: {  	[sflag:s20] =	ssyncset.done @p0 $0x0  }
0x1c: {  	s19 =	simm.s32 @!p0 $0x0;
	[sflag:s20] =	ssyncadd.s32 @p0 $0xFFFFEC00;
	s20 =	simm.s32 @!p0 $0x2  }
0x1d: {  	[tilespmem:s19], [sflag:$0x2] =	stream.linear.gather @!p0 [hbm4b:s9+s19], $0x3C00, $0x38;
	[tilespmem:$0x1F800] =	vst v63  }
0x1e: {  	_ =	swait.ge @!p0 [sflag:s20], $0x3C00  }
0x1f: {  	[sflag:s20] =	ssyncset.done @!p0 $0x0  }
0x20: {  	s21 =	simm.s32 @!p0 $0x3C00;
	[sflag:s20] =	ssyncadd.s32 @!p0 $0xFFFFC400  }
0x21: {  	[tilespmem:s21], [sflag:$0x2] =	stream.linear.gather @!p0 [hbm4b:s10+s19], $0x3C00, $0x38;
	[tilespmem:$0x1F800] =	vst v63  }
0x22: {  	_ =	swait.ge @!p0 [sflag:s20], $0x3C00  }
0x23: {  	[sflag:s20] =	ssyncset.done @!p0 $0x0  }
0x24: {  	[sflag:s20] =	ssyncadd.s32 @!p0 $0xFFFFC400;
	s20 =	simm.s32 @!p0 $0x78  }
0x25: {  	[bflag:$0x0] =	sbarrier.arrive $0xFFFF;
	s20 =	simm.s32 @p0 $0x28  }
0x26: {  	[tilespmem:s16], [sflag:$0x1] =	stream.indirect.gather [hbm4b:s4+s15], $0x80, s3, s15, $0xb8;
	[tilespmem:$0x1F800] =	vst v63  }
0x27: {  	p1 =	sne.s32 s20, $0x1;
	_ =	swait.ge [sflag:s17], $0x4000  }
.Ltmp0:
0x28: {  	[sflag:s17] =	ssyncset.done $0x0;
	(pc) =	sbr.rel @!p1 .LBB2_3-.Ltmp0, $4  }
0x29: {  	s19 =	simm.s32 $0x3C00;
	[sflag:s17] =	ssyncadd.s32 $0xFFFFC000  }
0x2a: {  	[spmem:s2] =	stream.indirect.scatter.add.f32 [tilespmem:s16], [sflag:$0x2], $0x80, s19, s15, $0xb8;
	[tilespmem:$0x1F800] =	vst v63  }
0x2b: {  	_ =	swait.ge [sflag:s14], $0x4000  }
0x2c: {  	s21 =	simm.s32 $0x0;
	s20 =	sadd.s32 $0xFFFFFFFF, s20;
	[sflag:s14] =	ssyncset.done $0x0  }
.LBB2_2:
0x2d: {  	[sflag:s14] =	ssyncadd.s32 $0xFFFFC000;
	s21 =	sadd.s32 $0x80, s21;
	s19 =	sadd.s32 $0x80, s19  }
0x2e: {  	[tilespmem:s16], [sflag:$0x1] =	stream.indirect.gather [hbm4b:s4+s15], $0x80, s21, s15, $0xb8;
	[tilespmem:$0x1F800] =	vst v63  }
0x2f: {  	p1 =	sne.s32 s20, $0x1;
	s20 =	sadd.s32 $0xFFFFFFFF, s20;
	_ =	swait.ge [sflag:s17], $0x4000  }
.Ltmp1:
0x30: {  	[sflag:s17] =	ssyncset.done $0x0;
	(pc) =	sbr.rel @p1 .LBB2_2-.Ltmp1, $4  }
0x31: {  	[sflag:s17] =	ssyncadd.s32 $0xFFFFC000  }
0x32: {  	[spmem:s2] =	stream.indirect.scatter.add.f32 [tilespmem:s16], [sflag:$0x2], $0x80, s19, s15, $0xb8;
	[tilespmem:$0x1F800] =	vst v63  }
0x33: {  	_ =	swait.ge [sflag:s14], $0x4000  }
0x34: {  	[sflag:s14] =	ssyncset.done $0x0  }
.LBB2_3:
0x35: {  	s18 =	sadd.s32 $0x1, s18  }
0x36: {  	[sflag:s14] =	ssyncadd.s32 $0xFFFFC000;
	p1 =	sne.s32 s18, s12  }
.Ltmp2:
0x37: {  	[bflag:$0x0] =	sbarrier.arrive $0xFFFF;
	(pc) =	sbr.rel @p1 .LBB2_1-.Ltmp2, $4  }
0x38: {  	[hbm:s11], [sflag:s6] =	dma.local [spmem:s13], $0x2800  }
0x39: {  	_ =	swait.ge [sflag:s14], $0x2800  }
0x3a: {  	[sflag:s14] =	ssyncset.done $0x0  }
0x3b: {  	[sflag:s14] =	ssyncadd.s32 $0xFFFFD800  }
0x3c: {  	_ =	sfence.sel $0x180000  }
0x3d: {  	[bflag:$0x0] =	sbarrier.arrive $0xFFFF  }
0x3e: {  	p0 =	sne.s32 s1, $0x0;
	_ =	strace $0x90000050  }
0x3f: {  	s0 =	sadd.s32 @!p0 $0x100000, s0;
	[bflag:$0x2] =	sbarrier.arrive $0xFFFF  }
0x40: {  	[sflag:s0] =	ssyncadd.tile.s32 @!p0 $0x1;
	_ =	shalt  }
.Lfunc_end2:
_tile_overlayer_lowered:
.L_overlay_start_2:
0x41: {  	(tag) =	ssettag $0x2  }
0x42: {  	s0 =	rddreg [dreg:$0x0];
	s2 =	stileid.u32  }
0x43: {  	s1 =	rddreg [dreg:$0x1];
	p0 =	sne.s32 s2, $0x0  }
0x44: {  	s3 =	rddreg [dreg:$0x2];
	[bflag:$0x3] =	sbarrier.arrive $0xFFFF;
	s2 =	simm.s32 @!p0 $0x1C02  }
0x45: {  	[timem:s3], [sflag:s2] =	dma.local @!p0 [hbm:s0], s1  }
0x46: {  	s0 =	simm.s32 @!p0 $0x2  }
0x47: {  	_ =	swait.ge @!p0 [sflag:s0], s1  }
0x48: {  	s1 =	ssub.s32 @!p0 $0x0, s1;
	[sflag:s0] =	ssyncset.done @!p0 $0x0  }
0x49: {  	[sflag:s0] =	ssyncadd.s32 @!p0 s1  }
0x4a: {  	[bflag:$0x3] =	sbarrier.arrive $0xFFFF  }
0x4b: {  	_ =	shalt  }

// kernel: kernel.24.cloned.1.call-start
scs
__scs_entry_jumppad:
0x0: {  	(pc) =	sbr.rel $0x88, $3  }
0x1: {  	(tag) =	ssettag $0x0;
	lr =	simm.s32 $0x1  }
0x2: {  	[smem:$0x3F90] =	sst lr;
	_ =	strace $0xD0000000  }
0x3: {  	_ = 	snop  }
0x4: {  	_ = 	snop  }
0x5: {  	_ = 	snop  }
0x6: {  	_ = 	snop  }
0x7: {  	_ = 	snop  }
__scs_overlays_trampoline_lowered:
0x8: {  	[smem:$0x3F9F] =	sst s0  }
0x9: {  	[smem:$0x3FA0] =	sst s1  }
0xa: {  	[smem:$0x3FA1] =	sst s2  }
0xb: {  	[smem:$0x3FA2] =	sst s3  }
0xc: {  	[smem:$0x3FA3] =	sst s4  }
0xd: {  	[smem:$0x3FA4] =	sst s5  }
0xe: {  	[smem:$0x3FA5] =	sst s6  }
0xf: {  	[smem:$0x3FA6] =	sst s7  }
0x10: {  	[smem:$0x3FA7] =	sst s8  }
0x11: {  	[smem:$0x3FA8] =	sst s9;
	s0 =	simm.s32 @!p0 $0x0  }
0x12: {  	s1 =	sld [smem:$0x3F8E];
	s0 =	simm.s32 @p0 $0x1  }
0x13: {  	[smem:$0x3FA9] =	sst s0;
	s0 =	simm.s32 @!p1 $0x0  }
0x14: {  	s2 =	sld [smem:$0x3F8D];
	s0 =	simm.s32 @p1 $0x1  }
0x15: {  	[smem:$0x3FAA] =	sst s0;
	s0 =	simm.s32 @!p2 $0x0  }
0x16: {  	s3 =	sld [smem:$0x3FDB];
	s0 =	simm.s32 @p2 $0x1  }
0x17: {  	s4 =	simm.s32 $0x1BF5;
	[smem:$0x3FAC] =	sst s0  }
0x18: {  	s0 =	sld [smem:$0x3F8F];
	_ =	swait.ge [sflag:s4], $0x0  }
0x19: {  	s7 =	sld [smem:$0x3F90]  }
0x1a: {  	s8 =	sadd.s32 $0xFFFFE003, lr  }
0x1b: {  	s9 =	sadd.s32 $0xFFFFFEF7, lr;
	s5 =	simm.s32 $0xFFFFFFFF;
	p2 =	slt.u32 s8, $0xFFFFF086  }
0x1c: {  	p1 =	slt.u32 s9, $0xF7A;
	s5 =	simm.s32 @!p2 $0x0  }
0x1d: {  	s5 =	simm.s32 @p1 $0x1;
	p0 =	seq.s32 s7, s2  }
0x1e: {  	s7 =	smul.u32 @!p0 $0xF7A, s2;
	p2 =	seq.s32 @!p0 s5, $0x0  }
0x1f: {  	s9 =	smul.u32 $0xF7A, s1;
	s8 =	simm.s32 @!p0 $0x1BF5;
	p2 =	por !p2, p0  }
0x20: {  	[sflag:s8] =	ssyncset.s32 @!p0 $0xFFFFF086;
	s6 =	sadd.s32 @!p0 s3, s7;
	s7 =	simm.s32 @!p0 $0x108  }
0x21: {  	s3 =	sadd.s32 s3, s9;
	s6 =	sadd.s32 @!p0 $0x88, s6;
	s7 =	simm.s32 @p2 $0x1082  }
0x22: {  	[simem:s7], [sflag:s8] =	dma.local @!p0 [hbm:s6], $0xF7A  }
0x23: {  	s9 =	sor.u32 $0xD0000000, s2;
	s6 =	simm.s32 $0x108;
	_ =	swait.ge @!p0 [sflag:s8], $0x0  }
0x24: {  	s3 =	sadd.s32 $0x88, s3;
	s6 =	simm.s32 @!p1 $0x1082;
	[sflag:s4] =	ssyncset.s32 $0xFFFFF086  }
0x25: {  	[simem:s6], [sflag:s4] =	dma.local [hbm:s3], $0xF7A  }
0x26: {  	[smem:$0x3F90] =	sst s1;
	(tag) =	ssettag s2;
	_ =	strace s9  }
0x27: {  	s1 =	sld [smem:$0x3FA0]  }
0x28: {  	s2 =	sld [smem:$0x3FA1]  }
0x29: {  	s4 =	sld [smem:$0x3FA3]  }
0x2a: {  	p0 =	seq.s32 s5, $0x0;
	s5 =	sld [smem:$0x3FA4]  }
0x2b: {  	s6 =	sld [smem:$0x3FA5]  }
0x2c: {  	s7 =	sld [smem:$0x3FA6]  }
0x2d: {  	s3 =	simm.s32 $0x108;
	s8 =	sld [smem:$0x3FA7]  }
0x2e: {  	s3 =	simm.s32 @!p0 $0x1082;
	s9 =	sld [smem:$0x3FA8]  }
0x2f: {  	lr =	sadd.s32 s0, s3;
	s0 =	sld [smem:$0x3F9F]  }
0x30: {  	s3 =	sld [smem:$0x3FA2]  }
0x31: {  	[smem:$0x3FAB] =	sst s10  }
0x32: {  	s10 =	sld [smem:$0x3FA9];
	_ =	sdelay $0x3  }
0x33: {  	p0 =	seq.s32 s10, $0x1;
	s10 =	sld [smem:$0x3FAB];
	_ =	sdelay $0x3  }
0x34: {  	[smem:$0x3FAB] =	sst s10  }
0x35: {  	s10 =	sld [smem:$0x3FAA];
	_ =	sdelay $0x3  }
0x36: {  	p1 =	seq.s32 s10, $0x1;
	s10 =	sld [smem:$0x3FAB];
	_ =	sdelay $0x3  }
0x37: {  	[smem:$0x3FAB] =	sst s10  }
0x38: {  	s10 =	sld [smem:$0x3FAC]  }
0x39: {  	_ = 	snop;
	(pc) =	sbr.ind lr, $3  }
0x3a: {  	_ = 	snop  }
0x3b: {  	_ = 	snop  }
0x3c: {  	p2 =	seq.s32 s10, $0x1;
	s10 =	sld [smem:$0x3FAB]  }
0x3d: {  	_ =	shalt  }
0x3e: {  	_ =	shalt  }
0x3f: {  	_ =	shalt  }
0x40: {  	_ =	shalt  }
0x41: {  	_ =	shalt  }
0x42: {  	_ =	shalt  }
0x43: {  	_ =	shalt  }
0x44: {  	_ =	shalt  }
0x45: {  	_ =	shalt  }
0x46: {  	_ =	shalt  }
0x47: {  	_ =	shalt  }
0x48: {  	_ =	shalt  }
0x49: {  	_ =	shalt  }
0x4a: {  	_ =	shalt  }
0x4b: {  	_ =	shalt  }
0x4c: {  	_ =	shalt  }
0x4d: {  	_ =	shalt  }
0x4e: {  	_ =	shalt  }
0x4f: {  	_ =	shalt  }
0x50: {  	_ =	shalt  }
0x51: {  	_ =	shalt  }
0x52: {  	_ =	shalt  }
0x53: {  	_ =	shalt  }
0x54: {  	_ =	shalt  }
0x55: {  	_ =	shalt  }
0x56: {  	_ =	shalt  }
0x57: {  	_ =	shalt  }
0x58: {  	_ =	shalt  }
0x59: {  	_ =	shalt  }
0x5a: {  	_ =	shalt  }
0x5b: {  	_ =	shalt  }
0x5c: {  	_ =	shalt  }
0x5d: {  	_ =	shalt  }
0x5e: {  	_ =	shalt  }
0x5f: {  	_ =	shalt  }
0x60: {  	_ =	shalt  }
0x61: {  	_ =	shalt  }
0x62: {  	_ =	shalt  }
0x63: {  	_ =	shalt  }
0x64: {  	_ =	shalt  }
0x65: {  	_ =	shalt  }
0x66: {  	_ =	shalt  }
0x67: {  	_ =	shalt  }
0x68: {  	_ =	shalt  }
0x69: {  	_ =	shalt  }
0x6a: {  	_ =	shalt  }
0x6b: {  	_ =	shalt  }
0x6c: {  	_ =	shalt  }
0x6d: {  	_ =	shalt  }
0x6e: {  	_ =	shalt  }
0x6f: {  	_ =	shalt  }
0x70: {  	_ =	shalt  }
0x71: {  	_ =	shalt  }
0x72: {  	_ =	shalt  }
0x73: {  	_ =	shalt  }
0x74: {  	_ =	shalt  }
0x75: {  	_ =	shalt  }
0x76: {  	_ =	shalt  }
0x77: {  	_ =	shalt  }
0x78: {  	_ =	shalt  }
0x79: {  	_ =	shalt  }
0x7a: {  	_ =	shalt  }
0x7b: {  	_ =	shalt  }
0x7c: {  	_ =	shalt  }
0x7d: {  	_ =	shalt  }
0x7e: {  	_ =	shalt  }
0x7f: {  	_ =	shalt  }
0x80: {  	_ =	shalt  }
0x81: {  	_ =	shalt  }
0x82: {  	_ =	shalt  }
0x83: {  	_ =	shalt  }
0x84: {  	_ =	shalt  }
0x85: {  	_ =	shalt  }
0x86: {  	_ =	shalt  }
0x87: {  	_ =	shalt  }
.Lfunc_end0:
.L_simem_size_0:
called_computation.4_lowered:
.L_overlay_start_0:
0x88: {  	s2 =	sld [smem:$0x3FD9]  }
0x89: {  	s3 =	sld [smem:$0x3FFE];
	_ =	sdelay $0x1  }
0x8a: {  	s1 =	srdreg.scid  }
0x8b: {  	s0 =	sand.u32 $0x1, s1  }
0x8c: {  	s17 =	sshll.u32 s0, $0xA;
	s2 =	sadd.s32 s3, s2  }
0x8d: {  	s2 =	sadd.s32 s2, s17  }
0x8e: {  	[smem:$0x3FB7] =	sst s2  }
0x8f: {  	_ = 	snop  }
0x90: {  	s2 =	sld [smem:$0x3FD0];
	(tm) =	ssettm $0x1  }
0x91: {  	s18 =	sld [smem:$0x3FFB];
	_ =	sdelay $0x3  }
0x92: {  	_ =	strace s18  }
0x93: {  	s3 =	sld [smem:$0x3FFC];
	_ =	sdelay $0x3  }
0x94: {  	_ =	strace s3  }
0x95: {  	s3 =	sld [smem:$0x3FFD];
	_ =	sdelay $0x3  }
0x96: {  	_ =	strace s3  }
0x97: {  	_ =	strace $0x8FFFFFFF  }
0x98: {  	s19 =	sld [smem:$0x3FDB];
	_ =	sdelay $0x1  }
0x99: {  	s4 =	simm.s32 $_scs_section_size  }
0x9a: {  	s5 =	simm.s32 $_size__tile_overlayer_lowered;
	s6 =	simm.s32 $_tile_overlayer_lowered  }
0x9b: {  	s22 =	simm.s32 $0x1BFF;
	s21 =	sshll.u32 s6, $0x1;
	s3 =	sadd.s32 s4, s19  }
0x9c: {  	s7 =	simm.s32 $0x0;
	s20 =	sshll.u32 s5, $0x1;
	s5 =	sadd.s32 s21, s3  }
0x9d: {  	[timem:s7], [sflag:s22] =	dma.local [hbm:s5], s20  }
0x9e: {  	_ =	swait.ge [sflag:s22], s20  }
0x9f: {  	s4 =	ssub.s32 $0x0, s20;
	[sflag:s22] =	ssyncset.done $0x0  }
0xa0: {  	[sflag:s22] =	ssyncadd.s32 s4;
	_ =	sdelay $0x1  }
0xa1: {  	s23 =	simm.s32 $0x1B8B  }
0xa2: {  	_ =	swait.ge [sflag:s23], $0x1  }
0xa3: {  	[sflag:s23] =	ssyncset.done $0x0  }
0xa4: {  	s25 =	simm.s32 $0x1B8E;
	s24 =	sld [smem:$0x3FFE];
	[sflag:s23] =	ssyncadd.s32 $0xFFFFFFFF  }
0xa5: {  	s26 =	simm.s32 $execute0_lowered;
	[smem:$0x3FD2] =	sst s25  }
0xa6: {  	s5 =	sshll.u32 s26, $0x1;
	_ =	strace $0x80000052;
	[dreg:$0x1] =	wrdreg $0xFFFFFFFF  }
0xa7: {  	s28 =	simm.s32 $_size_execute0_lowered;
	s3 =	sadd.s32 s3, s5;
	[dreg:$0x0] =	wrdreg $0x0  }
0xa8: {  	s5 =	sshll.u32 s28, $0x1;
	[dreg:$0x2] =	wrdreg s3  }
0xa9: {  	[dreg:$0x3] =	wrdreg s5  }
0xaa: {  	[dreg:$0x4] =	wrdreg $0xC0  }
0xab: {  	_ =	task [dreg:s7], $0x5FFFF  }
0xac: {  	[dreg:$0x1] =	wrdreg $0xFFFFFFFF  }
0xad: {  	[dreg:$0x0] =	wrdreg $0x60  }
0xae: {  	[dreg:$0x2] =	wrdreg s24  }
0xaf: {  	[dreg:$0x3] =	wrdreg s2  }
0xb0: {  	[dreg:$0x4] =	wrdreg $0x9  }
0xb1: {  	_ =	task.clear_ibuf [dreg:s7], $0x5FFFF;
	_ =	strace $0x90000052  }
0xb2: {  	s29 =	simm.s32 $0x9;
	_ =	strace $0x80000054  }
0xb3: {  	_ =	swait.ge [sflag:s29], $0x1  }
0xb4: {  	[sflag:s29] =	ssyncadd.s32 $0xFFFFFFFF  }
0xb5: {  	_ =	strace $0x90000054  }
0xb6: {  	_ =	sfence  }
0xb7: {  	s30 =	sld [smem:$0x0];
	_ =	sdelay $0x2  }
0xb8: {  	s31 =	sshll.u32 s1, $0xD;
	s1 =	sshrl.u32 s1, $0x2  }
0xb9: {  	s3 =	sand.u32 $0x4000, s31;
	s1 =	sadd.s32 s1, s30  }
0xba: {  	s0 =	sor.u32 s3, s0;
	s1 =	sshll.u32 s1, $0x11  }
0xbb: {  	s0 =	sor.u32 s1, s0  }
0xbc: {  	s0 =	sadd.s32 $0x8F2B, s0  }
0xbd: {  	[sflag:s0] =	ssyncadd.remote.s32 $0x1  }
0xbe: {  	_ =	sfence.sel $0xFFFF  }
0xbf: {  	[dreg:$0x0] =	wrdreg $0xFFFFFFFF;
	(pc) =	sbr.abs _section_cstart, $3  }
0xc0: {  	[dreg:$0x1] =	wrdreg $0xFFFFFFFF  }
0xc1: {  	_ =	task.clear_ibuf [dreg:s7], $0x2FFFF;
	_ =	strace $0x9FFFFFFF  }
0xc2: {  	(tm) =	ssettm $0x7FFFFFFF  }
0xc3: {  	_ =	shalt  }
tec
execute0_lowered:
.L_overlay_start_1:
0x0: {  	(tag) =	ssettag $0x1  }
0x1: {  	s4 =	rddreg [dreg:$0x0]  }
0x2: {  	s5 =	rddreg [dreg:$0x1]  }
0x3: {  	s0 =	rddreg [dreg:$0x2];
	s1 =	stileid.u32  }
0x4: {  	s6 =	srdreg.scid;
	s7 =	smul.u32 $0x14, s1  }
0x5: {  	s2 =	simm.s32 $0x0;
	s8 =	sand.u32 $0x1, s6;
	s6 =	smul.u32 $0x50, s1  }
0x6: {  	s12 =	simm.s32 $0x0;
	[smem:$0x7FF] =	sst s2;
	s9 =	smul.u32 $0x500, s1  }
0x7: {  	s3 =	sadd.s32 $0x8C00, s4;
	s10 =	smul.u32 $0x180, s1;
	_ =	strace $0x80000053  }
0x8: {  	p0 =	seq.s32 s8, $0x0;
	s31 =	ssub.s32 $0x2, s8;
	s7 =	sadd.s32 $0x500, s7  }
0x9: {  	s9 =	sadd.s32 s9, s4;
	s11 =	sshrl.u32 s31, $0x1;
	s7 =	smov.u32 @p0 s6  }
0xa: {  	s6 =	ssub.s32 s31, s11;
	p0 =	sne.s32 s8, $0x0;
	s8 =	simm.s32 $0x80  }
0xb: {  	s11 =	simm.s32 $0x2;
	s7 =	sshll.u32 s7, $0xB;
	s6 =	smax.u32 s6, $0x1  }
0xc: {  	s7 =	sadd.s32 s7, s4;
	s4 =	sadd.s32 s5, s10;
	s5 =	sadd.s32 $0x3C00, s9  }
0xd: {  	s9 =	simm.s32 $0x2800;
	s10 =	simm.s32 $0x1;
	s7 =	sadd.s32 $0x30C00, s7  }
.LBB2_1:
0xe: {  	s13 =	simm.s32 @p0 $0x0  }
0xf: {  	[tilespmem:s13], [sflag:$0x2] =	stream.linear.gather @p0 [hbm4b:s4+s13], $0xA00, $0x38;
	[tilespmem:$0x6800] =	vst v63  }
0x10: {  	s13 =	simm.s32 @p0 $0x2  }
0x11: {  	_ =	swait.ge @p0 [sflag:s13], $0xA00  }
0x12: {  	[sflag:s13] =	ssyncset.done @p0 $0x0  }
0x13: {  	[sflag:s13] =	ssyncadd.s32 @p0 $0xFFFFF600;
	s13 =	simm.s32 @!p0 $0x0  }
0x14: {  	[tilespmem:s13], [sflag:$0x2] =	stream.linear.gather @!p0 [hbm4b:s5+s13], $0x2800, $0x38;
	[tilespmem:$0x6800] =	vst v63  }
0x15: {  	s13 =	simm.s32 @!p0 $0x2  }
0x16: {  	_ =	swait.ge @!p0 [sflag:s13], $0x2800  }
0x17: {  	[sflag:s13] =	ssyncset.done @!p0 $0x0  }
0x18: {  	[sflag:s13] =	ssyncadd.s32 @!p0 $0xFFFFD800;
	s13 =	simm.s32 @!p0 $0x50  }
0x19: {  	[tilespmem:s9], [sflag:$0x1] =	stream.indirect.gather [hbm4b:s3+s8], $0x80, s2, s8, $0xb8;
	[tilespmem:$0x6800] =	vst v63  }
0x1a: {  	s13 =	simm.s32 @p0 $0x14  }
0x1b: {  	_ =	swait.ge [sflag:s10], $0x4000;
	p1 =	sne.s32 s13, $0x1  }
.Ltmp0:
0x1c: {  	[sflag:s10] =	ssyncset.done $0x0;
	(pc) =	sbr.rel @!p1 .LBB2_3-.Ltmp0, $4  }
0x1d: {  	[sflag:s10] =	ssyncadd.s32 $0xFFFFC000  }
0x1e: {  	[hbm4b:s7+s2] =	stream.linear.scatter [tilespmem:s9], [sflag:$0x2], $0x4000, $0x38;
	[tilespmem:$0x6800] =	vst v63  }
0x1f: {  	s14 =	smov.u32 s7;
	_ =	swait.ge [sflag:s11], $0x4000  }
0x20: {  	s15 =	simm.s32 $0x0;
	s13 =	sadd.s32 $0xFFFFFFFF, s13;
	[sflag:s11] =	ssyncset.done $0x0  }
.LBB2_2:
0x21: {  	[sflag:s11] =	ssyncadd.s32 $0xFFFFC000;
	s14 =	sadd.s32 $0x800, s14;
	s15 =	sadd.s32 $0x80, s15  }
0x22: {  	[tilespmem:s9], [sflag:$0x1] =	stream.indirect.gather [hbm4b:s3+s8], $0x80, s15, s8, $0xb8;
	[tilespmem:$0x6800] =	vst v63  }
0x23: {  	p1 =	sne.s32 s13, $0x1;
	s13 =	sadd.s32 $0xFFFFFFFF, s13;
	_ =	swait.ge [sflag:s10], $0x4000  }
.Ltmp1:
0x24: {  	[sflag:s10] =	ssyncset.done $0x0;
	(pc) =	sbr.rel @p1 .LBB2_2-.Ltmp1, $4  }
0x25: {  	[sflag:s10] =	ssyncadd.s32 $0xFFFFC000  }
0x26: {  	[hbm4b:s14+s2] =	stream.linear.scatter [tilespmem:s9], [sflag:$0x2], $0x4000, $0x38;
	[tilespmem:$0x6800] =	vst v63  }
0x27: {  	_ =	swait.ge [sflag:s11], $0x4000  }
0x28: {  	[sflag:s11] =	ssyncset.done $0x0  }
.LBB2_3:
0x29: {  	s12 =	sadd.s32 $0x1, s12  }
0x2a: {  	p1 =	sne.s32 s12, s6  }
.Ltmp2:
0x2b: {  	_ = 	snop;
	(pc) =	sbr.rel @p1 .LBB2_1-.Ltmp2, $2  }
0x2c: {  	_ =	sdelay $0x2  }
0x2d: {  	[sflag:s11] =	ssyncadd.s32 $0xFFFFC000  }
0x2e: {  	_ =	sfence.sel $0x180000  }
0x2f: {  	[bflag:$0x0] =	sbarrier.arrive $0xFFFF  }
0x30: {  	p0 =	sne.s32 s1, $0x0;
	_ =	strace $0x90000053  }
0x31: {  	s0 =	sadd.s32 @!p0 $0x100000, s0;
	[bflag:$0x2] =	sbarrier.arrive $0xFFFF  }
0x32: {  	[sflag:s0] =	ssyncadd.tile.s32 @!p0 $0x1;
	_ =	shalt  }
.Lfunc_end2:
_tile_overlayer_lowered:
.L_overlay_start_2:
0x33: {  	(tag) =	ssettag $0x2  }
0x34: {  	s0 =	rddreg [dreg:$0x0];
	s2 =	stileid.u32  }
0x35: {  	s1 =	rddreg [dreg:$0x1];
	p0 =	sne.s32 s2, $0x0  }
0x36: {  	s3 =	rddreg [dreg:$0x2];
	[bflag:$0x3] =	sbarrier.arrive $0xFFFF;
	s2 =	simm.s32 @!p0 $0x1C02  }
0x37: {  	[timem:s3], [sflag:s2] =	dma.local @!p0 [hbm:s0], s1  }
0x38: {  	s0 =	simm.s32 @!p0 $0x2  }
0x39: {  	_ =	swait.ge @!p0 [sflag:s0], s1  }
0x3a: {  	s1 =	ssub.s32 @!p0 $0x0, s1;
	[sflag:s0] =	ssyncset.done @!p0 $0x0  }
0x3b: {  	[sflag:s0] =	ssyncadd.s32 @!p0 s1  }
0x3c: {  	[bflag:$0x3] =	sbarrier.arrive $0xFFFF  }
0x3d: {  	_ =	shalt  }

</sc_bundles>
